<compile_context>
chip_gen: v7x
topology: tpu7x:2x2x1
jax: 0.10.2.dev20260603
libtpu: 0.0.44.dev20260713+nightly
codegen_flags: <defaults>
</compile_context>

<pallas_src>
import functools

import jax
import jax.numpy as jnp
from jax import lax
from jax.experimental import pallas as pl
from jax.experimental.pallas import tpu as pltpu
from jax.experimental.pallas import tpu_sc as plsc

_VOCAB = 100000
_D = 128
_B = 16384
_C = 5
_CTX = 2 * _C
_NPOS = _B * _CTX

_CHUNK = 128
_GRP = 2
_GROWS = _GRP * _CHUNK
_NBUF = 3


def _sc_info():
    try:
        info = plsc.get_sparse_core_info()
        return info.num_cores, info.num_subcores
    except Exception:
        return 2, 16


def _sc_gather(inp_idx, pos_idx, neg_idx, in_embed, out_embed, nc, ns):
    nw = nc * ns
    inp_per_w = _B // nw
    ctx_per_w = _NPOS // nw
    inp_chunks = inp_per_w // _CHUNK
    ctx_chunks = ctx_per_w // _CHUNK
    inp_groups = inp_chunks // _GRP
    ctx_groups = ctx_chunks // _GRP

    mesh = plsc.VectorSubcoreMesh(core_axis_name="c", subcore_axis_name="s")

    @functools.partial(
        pl.kernel,
        mesh=mesh,
        out_type=[
            jax.ShapeDtypeStruct((_B, _D), jnp.float32),
            jax.ShapeDtypeStruct((_NPOS, _D), jnp.float32),
            jax.ShapeDtypeStruct((_NPOS, _D), jnp.float32),
        ],
        scratch_types=[
            pltpu.VMEM((inp_chunks, _CHUNK), jnp.int32),
            pltpu.VMEM((ctx_chunks, _CHUNK), jnp.int32),
            pltpu.VMEM((ctx_chunks, _CHUNK), jnp.int32),
            pltpu.VMEM((_NBUF, _GROWS, _D), jnp.float32),
            pltpu.SemaphoreType.DMA,
            pltpu.SemaphoreType.DMA,
            pltpu.SemaphoreType.DMA,
            pltpu.SemaphoreType.DMA,
        ],
    )
    def gather_kernel(inp_idx_hbm, pos_idx_hbm, neg_idx_hbm, in_hbm, out_hbm,
                      o_inp, o_pos, o_neg, inp_iv, pos_iv, neg_iv, rows_v,
                      gsem, w0, w1, w2):
        wid = lax.axis_index("s") * nc + lax.axis_index("c")
        wsems = (w0, w1, w2)

        pltpu.sync_copy(inp_idx_hbm.at[wid], inp_iv)
        pltpu.sync_copy(pos_idx_hbm.at[wid], pos_iv)
        pltpu.sync_copy(neg_idx_hbm.at[wid], neg_iv)

        def run_job(table, idx_v, ngroups, nbuf, out, rows_per_w):
            base = wid * rows_per_w
            nfull = ngroups // nbuf
            rem = ngroups - nfull * nbuf

            def fire(g, b):
                cps = []
                for s in range(_GRP):
                    cps.append(pltpu.async_copy(
                        table.at[idx_v.at[g * _GRP + s]],
                        rows_v.at[b, pl.ds(s * _CHUNK, _CHUNK)],
                        gsem))
                return cps

            def drain(g, b, cps):
                for cp in cps:
                    cp.wait()
                pltpu.async_copy(
                    rows_v.at[b],
                    out.at[pl.ds(base + g * _GROWS, _GROWS)],
                    wsems[b])

            def wait_write(b):
                pltpu.make_async_copy(
                    rows_v.at[b],
                    out.at[pl.ds(base, _GROWS)],
                    wsems[b]).wait()

            def body(i, carry):
                cps = []
                for b in range(nbuf):
                    @pl.when(i > 0)
                    def _w(b=b):
                        wait_write(b)
                    cps.append(fire(i * nbuf + b, b))
                for b in range(nbuf):
                    drain(i * nbuf + b, b, cps[b])
                return carry

            lax.fori_loop(0, nfull, body, 0)

            tail = []
            for b in range(rem):
                g = nfull * nbuf + b
                wait_write(b)
                tail.append(fire(g, b))
            for b in range(rem):
                drain(nfull * nbuf + b, b, tail[b])
            for b in range(nbuf):
                wait_write(b)

        run_job(in_hbm, inp_iv, inp_groups, 2, o_inp, inp_per_w)
        run_job(out_hbm, pos_iv, ctx_groups, _NBUF, o_pos, ctx_per_w)
        run_job(out_hbm, neg_iv, ctx_groups, _NBUF, o_neg, ctx_per_w)

    return gather_kernel(inp_idx, pos_idx, neg_idx, in_embed, out_embed)


_BLK = 1024
_GRID = _B // _BLK


def _loss_body(pos_ref, neg_ref, inp_ref, w_ref, b_ref, out_ref, acc_ref):
    i = pl.program_id(0)
    a = inp_ref[...]
    an = jnp.sqrt(jnp.sum(a * a, axis=1))

    def proj(ref):
        t = jnp.zeros((_BLK, _D), jnp.float32) + b_ref[...]
        for c in range(_CTX):
            t = t + jnp.dot(ref[c], w_ref[c],
                            preferred_element_type=jnp.float32)
        return t

    def cosv(x):
        num = jnp.sum(a * x, axis=1)
        den = jnp.maximum(an * jnp.sqrt(jnp.sum(x * x, axis=1)), 1e-8)
        return num / den

    c = (1.0 - cosv(proj(pos_ref))) + jnp.maximum(cosv(proj(neg_ref)), 0.0)

    @pl.when(i == 0)
    def _init():
        acc_ref[...] = jnp.zeros_like(acc_ref)

    acc_ref[...] += c.reshape(8, _BLK // 8)

    @pl.when(i == _GRID - 1)
    def _fin():
        loss = jnp.sum(acc_ref[...]) * (1.0 / _B)
        out_ref[...] = loss + jnp.zeros((8, _BLK // 8), jnp.float32)


def _tc_loss(pos3, neg3, inp_rows, w1r, b1):
    return pl.pallas_call(
        _loss_body,
        grid=(_GRID,),
        in_specs=[
            pl.BlockSpec((_CTX, _BLK, _D), lambda i: (0, i, 0)),
            pl.BlockSpec((_CTX, _BLK, _D), lambda i: (0, i, 0)),
            pl.BlockSpec((_BLK, _D), lambda i: (i, 0)),
            pl.BlockSpec((_CTX, _D, _D), lambda i: (0, 0, 0)),
            pl.BlockSpec((1, _D), lambda i: (0, 0)),
        ],
        out_specs=pl.BlockSpec((8, _BLK // 8), lambda i: (0, 0)),
        out_shape=jax.ShapeDtypeStruct((8, _BLK // 8), jnp.float32),
        scratch_shapes=[pltpu.VMEM((8, _BLK // 8), jnp.float32)],
    )(pos3, neg3, inp_rows, w1r, b1)


def kernel(input_labels, pos_labels, neg_labels, in_embed, out_embed, W1, b1):
    nc, ns = _sc_info()
    nw = nc * ns
    inp_idx = input_labels.astype(jnp.int32).reshape(nw, -1, _CHUNK)
    pos_idx = pos_labels.astype(jnp.int32).T.reshape(nw, -1, _CHUNK)
    neg_idx = neg_labels.astype(jnp.int32).T.reshape(nw, -1, _CHUNK)

    inp_rows, pos_rows, neg_rows = _sc_gather(
        inp_idx, pos_idx, neg_idx, in_embed, out_embed, nc, ns)

    w1r = W1.reshape(_D, _CTX, _D).transpose(1, 2, 0)

    acc = _tc_loss(
        pos_rows.reshape(_CTX, _B, _D),
        neg_rows.reshape(_CTX, _B, _D),
        inp_rows,
        w1r,
        b1.reshape(1, _D),
    )
    return acc[0, 0]

# --- scband reference (transcript-rebuilt; emitter-appended) ---
"""Pipeline reference for scband-embedding-model-liner-35983236006450 (READ-ONLY COPY).

The authoritative reference and input builder live on the scoring server;
editing this copy changes nothing except your own understanding.
"""

import jax, jax.numpy as jnp
import numpy as np

VOCAB = 100000
D = 128
B = 16384
C = 5


def setup_inputs(seed: int = 0) -> dict:
    key = jax.random.key(seed)
    k1, k2, k3, k4, k5, k6 = jax.random.split(key, 6)
    return {
        "input_labels": jax.random.randint(k1, (B,), 0, VOCAB, dtype=jnp.int64) if jax.config.jax_enable_x64 else jax.random.randint(k1, (B,), 0, VOCAB),
        "pos_labels": jax.random.randint(k2, (B, 2 * C), 0, VOCAB),
        "neg_labels": jax.random.randint(k3, (B, 2 * C), 0, VOCAB),
        "in_embed": jax.random.normal(k4, (VOCAB, D), dtype=jnp.float32),
        "out_embed": jax.random.normal(k5, (VOCAB, D), dtype=jnp.float32),
        "W1": jax.random.normal(k6, (D, 2 * C * D), dtype=jnp.float32) * 0.02,
        "b1": jnp.zeros((D,), dtype=jnp.float32),
    }


def _cosine(a, b, eps=1e-8):
    num = jnp.sum(a * b, axis=-1)
    den = jnp.maximum(jnp.linalg.norm(a, axis=-1) * jnp.linalg.norm(b, axis=-1), eps)
    return num / den


def reference(input_labels, pos_labels, neg_labels, in_embed, out_embed, W1, b1):
    # in_embed(input_labels): gather rows from input embedding table
    input_embedding = jnp.take(in_embed, input_labels, axis=0)            # [B, D]
    # out_embed(pos/neg_labels): gather context rows
    pos_embedding = jnp.take(out_embed, pos_labels, axis=0)               # [B, 2C, D]
    neg_embedding = jnp.take(out_embed, neg_labels, axis=0)               # [B, 2C, D]
    pos_embedding = pos_embedding.reshape(-1, 2 * C * D)                  # [B, 2C*D]
    neg_embedding = neg_embedding.reshape(-1, 2 * C * D)
    # line1: Linear(2*C*D -> D)
    pos_embedding = pos_embedding @ W1.T + b1                             # [B, D]
    neg_embedding = neg_embedding @ W1.T + b1
    # CosineEmbeddingLoss (margin=0, reduction='mean')
    cos_pos = _cosine(input_embedding, pos_embedding)
    cos_neg = _cosine(input_embedding, neg_embedding)
    log_pos = jnp.mean(1.0 - cos_pos)                                     # target = +1
    log_neg = jnp.mean(jnp.maximum(cos_neg, 0.0))                         # target = -1, margin=0
    loss = log_pos + log_neg
    return loss

if __name__ == "__main__":
    import jax
    _d = setup_inputs()
    print(jax.jit(kernel)(*tuple(_d.values())))

</pallas_src>

<mosaic_0001>
#map = affine_map<(d0, d1) -> (0, 0, 0)>
#map1 = affine_map<(d0, d1) -> (0, 0)>
module attributes {stable_mosaic.version = 14 : i64} {
  func.func @gather_kernel(%arg0: i32, %arg1: i32, %arg2: memref<32x4x128xi32, #tpu.memory_space<hbm>>, %arg3: memref<32x40x128xi32, #tpu.memory_space<hbm>>, %arg4: memref<32x40x128xi32, #tpu.memory_space<hbm>>, %arg5: memref<100000x128xf32, #tpu.memory_space<hbm>>, %arg6: memref<100000x128xf32, #tpu.memory_space<hbm>>, %arg7: memref<16384x128xf32, #tpu.memory_space<hbm>>, %arg8: memref<163840x128xf32, #tpu.memory_space<hbm>>, %arg9: memref<163840x128xf32, #tpu.memory_space<hbm>>, %arg10: memref<4x128xi32, #tpu.memory_space<vmem>>, %arg11: memref<40x128xi32, #tpu.memory_space<vmem>>, %arg12: memref<40x128xi32, #tpu.memory_space<vmem>>, %arg13: memref<3x256x128xf32, #tpu.memory_space<vmem>>, %arg14: memref<!tpu.dma_semaphore, #tpu.memory_space<semaphore_mem>>, %arg15: memref<!tpu.dma_semaphore, #tpu.memory_space<semaphore_mem>>, %arg16: memref<!tpu.dma_semaphore, #tpu.memory_space<semaphore_mem>>, %arg17: memref<!tpu.dma_semaphore, #tpu.memory_space<semaphore_mem>>) attributes {dimension_semantics = [#tpu.dimension_semantics<core_parallel>, #tpu.dimension_semantics<subcore_parallel>], iteration_bounds = array<i64: 2, 16>, scalar_prefetch = 0 : i64, scratch_operands = 8 : i64, tpu.core_type = #tpu.core_type<sc_vector_subcore>, window_params = [{transform_indices = #map}, {transform_indices = #map}, {transform_indices = #map}, {transform_indices = #map1}, {transform_indices = #map1}, {transform_indices = #map1}, {transform_indices = #map1}, {transform_indices = #map1}]} {
    %mul3A = arith.constant 2 : i32
    %mul3A_0 = arith.muli %arg1, %mul3A : i32
    %add3A = arith.addi %mul3A_0, %arg0 : i32
    "tpu.region"() ({
      %run_scoped3A = tpu.sem_alloc : memref<!tpu.dma_semaphore, #tpu.memory_space<semaphore_mem>>
      %dma_start3A_586 = arith.constant 0 : i32
      %dma_start3A_587 = arith.constant 0 : i32
      %dma_start3A_588 = tpu.memref_slice %arg2[%add3A, %dma_start3A_586, %dma_start3A_587] : memref<32x4x128xi32, #tpu.memory_space<hbm>> -> memref<1x4x128xi32, #tpu.memory_space<hbm>>
      %dma_start3A_589 = tpu.memref_squeeze %dma_start3A_588 : memref<1x4x128xi32, #tpu.memory_space<hbm>> -> memref<4x128xi32, #tpu.memory_space<hbm>>
      %dma_start3A_590 = arith.constant 0 : i32
      %dma_start3A_591 = arith.constant 0 : i32
      %dma_start3A_592 = tpu.memref_slice %arg2[%add3A, %dma_start3A_590, %dma_start3A_591] : memref<32x4x128xi32, #tpu.memory_space<hbm>> -> memref<1x4x128xi32, #tpu.memory_space<hbm>>
      %dma_start3A_593 = tpu.memref_squeeze %dma_start3A_592 : memref<1x4x128xi32, #tpu.memory_space<hbm>> -> memref<4x128xi32, #tpu.memory_space<hbm>>
      tpu.enqueue_dma source(%dma_start3A_593 : memref<4x128xi32, #tpu.memory_space<hbm>>) target(%arg10 : memref<4x128xi32, #tpu.memory_space<vmem>>) target_semaphore(%run_scoped3A : memref<!tpu.dma_semaphore, #tpu.memory_space<semaphore_mem>>)
      %dma_wait3A_594 = arith.constant 0 : i32
      %dma_wait3A_595 = arith.constant 0 : i32
      %dma_wait3A_596 = tpu.memref_slice %arg2[%add3A, %dma_wait3A_594, %dma_wait3A_595] : memref<32x4x128xi32, #tpu.memory_space<hbm>> -> memref<1x4x128xi32, #tpu.memory_space<hbm>>
      %dma_wait3A_597 = tpu.memref_squeeze %dma_wait3A_596 : memref<1x4x128xi32, #tpu.memory_space<hbm>> -> memref<4x128xi32, #tpu.memory_space<hbm>>
      %dma_wait3A_598 = arith.constant 0 : i32
      %dma_wait3A_599 = arith.constant 0 : i32
      %dma_wait3A_600 = tpu.memref_slice %arg2[%add3A, %dma_wait3A_598, %dma_wait3A_599] : memref<32x4x128xi32, #tpu.memory_space<hbm>> -> memref<1x4x128xi32, #tpu.memory_space<hbm>>
      %dma_wait3A_601 = tpu.memref_squeeze %dma_wait3A_600 : memref<1x4x128xi32, #tpu.memory_space<hbm>> -> memref<4x128xi32, #tpu.memory_space<hbm>>
      tpu.wait_dma2 semaphore(%run_scoped3A : memref<!tpu.dma_semaphore, #tpu.memory_space<semaphore_mem>>) src(%dma_wait3A_601 : memref<4x128xi32, #tpu.memory_space<hbm>>) dst(%arg10 : memref<4x128xi32, #tpu.memory_space<vmem>>)
      tpu.yield
    }) : () -> ()
    "tpu.region"() ({
      %run_scoped3A = tpu.sem_alloc : memref<!tpu.dma_semaphore, #tpu.memory_space<semaphore_mem>>
      %dma_start3A_586 = arith.constant 0 : i32
      %dma_start3A_587 = arith.constant 0 : i32
      %dma_start3A_588 = tpu.memref_slice %arg3[%add3A, %dma_start3A_586, %dma_start3A_587] : memref<32x40x128xi32, #tpu.memory_space<hbm>> -> memref<1x40x128xi32, #tpu.memory_space<hbm>>
      %dma_start3A_589 = tpu.memref_squeeze %dma_start3A_588 : memref<1x40x128xi32, #tpu.memory_space<hbm>> -> memref<40x128xi32, #tpu.memory_space<hbm>>
      %dma_start3A_590 = arith.constant 0 : i32
      %dma_start3A_591 = arith.constant 0 : i32
      %dma_start3A_592 = tpu.memref_slice %arg3[%add3A, %dma_start3A_590, %dma_start3A_591] : memref<32x40x128xi32, #tpu.memory_space<hbm>> -> memref<1x40x128xi32, #tpu.memory_space<hbm>>
      %dma_start3A_593 = tpu.memref_squeeze %dma_start3A_592 : memref<1x40x128xi32, #tpu.memory_space<hbm>> -> memref<40x128xi32, #tpu.memory_space<hbm>>
      tpu.enqueue_dma source(%dma_start3A_593 : memref<40x128xi32, #tpu.memory_space<hbm>>) target(%arg11 : memref<40x128xi32, #tpu.memory_space<vmem>>) target_semaphore(%run_scoped3A : memref<!tpu.dma_semaphore, #tpu.memory_space<semaphore_mem>>)
      %dma_wait3A_594 = arith.constant 0 : i32
      %dma_wait3A_595 = arith.constant 0 : i32
      %dma_wait3A_596 = tpu.memref_slice %arg3[%add3A, %dma_wait3A_594, %dma_wait3A_595] : memref<32x40x128xi32, #tpu.memory_space<hbm>> -> memref<1x40x128xi32, #tpu.memory_space<hbm>>
      %dma_wait3A_597 = tpu.memref_squeeze %dma_wait3A_596 : memref<1x40x128xi32, #tpu.memory_space<hbm>> -> memref<40x128xi32, #tpu.memory_space<hbm>>
      %dma_wait3A_598 = arith.constant 0 : i32
      %dma_wait3A_599 = arith.constant 0 : i32
      %dma_wait3A_600 = tpu.memref_slice %arg3[%add3A, %dma_wait3A_598, %dma_wait3A_599] : memref<32x40x128xi32, #tpu.memory_space<hbm>> -> memref<1x40x128xi32, #tpu.memory_space<hbm>>
      %dma_wait3A_601 = tpu.memref_squeeze %dma_wait3A_600 : memref<1x40x128xi32, #tpu.memory_space<hbm>> -> memref<40x128xi32, #tpu.memory_space<hbm>>
      tpu.wait_dma2 semaphore(%run_scoped3A : memref<!tpu.dma_semaphore, #tpu.memory_space<semaphore_mem>>) src(%dma_wait3A_601 : memref<40x128xi32, #tpu.memory_space<hbm>>) dst(%arg11 : memref<40x128xi32, #tpu.memory_space<vmem>>)
      tpu.yield
    }) : () -> ()
    "tpu.region"() ({
      %run_scoped3A = tpu.sem_alloc : memref<!tpu.dma_semaphore, #tpu.memory_space<semaphore_mem>>
      %dma_start3A_586 = arith.constant 0 : i32
      %dma_start3A_587 = arith.constant 0 : i32
      %dma_start3A_588 = tpu.memref_slice %arg4[%add3A, %dma_start3A_586, %dma_start3A_587] : memref<32x40x128xi32, #tpu.memory_space<hbm>> -> memref<1x40x128xi32, #tpu.memory_space<hbm>>
      %dma_start3A_589 = tpu.memref_squeeze %dma_start3A_588 : memref<1x40x128xi32, #tpu.memory_space<hbm>> -> memref<40x128xi32, #tpu.memory_space<hbm>>
      %dma_start3A_590 = arith.constant 0 : i32
      %dma_start3A_591 = arith.constant 0 : i32
      %dma_start3A_592 = tpu.memref_slice %arg4[%add3A, %dma_start3A_590, %dma_start3A_591] : memref<32x40x128xi32, #tpu.memory_space<hbm>> -> memref<1x40x128xi32, #tpu.memory_space<hbm>>
      %dma_start3A_593 = tpu.memref_squeeze %dma_start3A_592 : memref<1x40x128xi32, #tpu.memory_space<hbm>> -> memref<40x128xi32, #tpu.memory_space<hbm>>
      tpu.enqueue_dma source(%dma_start3A_593 : memref<40x128xi32, #tpu.memory_space<hbm>>) target(%arg12 : memref<40x128xi32, #tpu.memory_space<vmem>>) target_semaphore(%run_scoped3A : memref<!tpu.dma_semaphore, #tpu.memory_space<semaphore_mem>>)
      %dma_wait3A_594 = arith.constant 0 : i32
      %dma_wait3A_595 = arith.constant 0 : i32
      %dma_wait3A_596 = tpu.memref_slice %arg4[%add3A, %dma_wait3A_594, %dma_wait3A_595] : memref<32x40x128xi32, #tpu.memory_space<hbm>> -> memref<1x40x128xi32, #tpu.memory_space<hbm>>
      %dma_wait3A_597 = tpu.memref_squeeze %dma_wait3A_596 : memref<1x40x128xi32, #tpu.memory_space<hbm>> -> memref<40x128xi32, #tpu.memory_space<hbm>>
      %dma_wait3A_598 = arith.constant 0 : i32
      %dma_wait3A_599 = arith.constant 0 : i32
      %dma_wait3A_600 = tpu.memref_slice %arg4[%add3A, %dma_wait3A_598, %dma_wait3A_599] : memref<32x40x128xi32, #tpu.memory_space<hbm>> -> memref<1x40x128xi32, #tpu.memory_space<hbm>>
      %dma_wait3A_601 = tpu.memref_squeeze %dma_wait3A_600 : memref<1x40x128xi32, #tpu.memory_space<hbm>> -> memref<40x128xi32, #tpu.memory_space<hbm>>
      tpu.wait_dma2 semaphore(%run_scoped3A : memref<!tpu.dma_semaphore, #tpu.memory_space<semaphore_mem>>) src(%dma_wait3A_601 : memref<40x128xi32, #tpu.memory_space<hbm>>) dst(%arg12 : memref<40x128xi32, #tpu.memory_space<vmem>>)
      tpu.yield
    }) : () -> ()
    %mul3A_1 = arith.constant 512 : i32
    %mul3A_2 = arith.muli %add3A, %mul3A_1 : i32
    %scan3A = arith.constant 0 : i32
    %scan3A_3 = arith.constant 0 : i32
    %gt3A = arith.constant 0 : i32
    %gt3A_4 = arith.cmpi sgt, %scan3A_3, %gt3A : i32
    %convert_element_type3A = arith.extui %gt3A_4 : i1 to i32
    %cond3A = arith.constant 0 : i32
    %cond3A_5 = arith.cmpi ne, %convert_element_type3A, %cond3A : i32
    scf.if %cond3A_5 {
      %dma_wait3A_586 = arith.constant 0 : i32
      %dma_wait3A_587 = arith.constant 0 : i32
      %dma_wait3A_588 = arith.constant 0 : i32
      %dma_wait3A_589 = tpu.memref_slice %arg13[%dma_wait3A_586, %dma_wait3A_587, %dma_wait3A_588] : memref<3x256x128xf32, #tpu.memory_space<vmem>> -> memref<1x256x128xf32, #tpu.memory_space<vmem>>
      %dma_wait3A_590 = tpu.memref_squeeze %dma_wait3A_589 : memref<1x256x128xf32, #tpu.memory_space<vmem>> -> memref<256x128xf32, #tpu.memory_space<vmem>>
      %dma_wait3A_591 = arith.constant 0 : i32
      %dma_wait3A_592 = tpu.memref_slice %arg7[%mul3A_2, %dma_wait3A_591] : memref<16384x128xf32, #tpu.memory_space<hbm>> -> memref<256x128xf32, #tpu.memory_space<hbm>>
      %dma_wait3A_593 = arith.constant 0 : i32
      %dma_wait3A_594 = tpu.memref_slice %arg7[%mul3A_2, %dma_wait3A_593] : memref<16384x128xf32, #tpu.memory_space<hbm>> -> memref<256x128xf32, #tpu.memory_space<hbm>>
      %dma_wait3A_595 = arith.constant 0 : i32
      %dma_wait3A_596 = arith.constant 0 : i32
      %dma_wait3A_597 = tpu.memref_slice %arg13[%dma_wait3A_586, %dma_wait3A_595, %dma_wait3A_596] : memref<3x256x128xf32, #tpu.memory_space<vmem>> -> memref<1x256x128xf32, #tpu.memory_space<vmem>>
      %dma_wait3A_598 = tpu.memref_squeeze %dma_wait3A_597 : memref<1x256x128xf32, #tpu.memory_space<vmem>> -> memref<256x128xf32, #tpu.memory_space<vmem>>
      tpu.wait_dma2 semaphore(%arg15 : memref<!tpu.dma_semaphore, #tpu.memory_space<semaphore_mem>>) src(%dma_wait3A_598 : memref<256x128xf32, #tpu.memory_space<vmem>>) dst(%dma_wait3A_594 : memref<256x128xf32, #tpu.memory_space<hbm>>)
    } else {
    }
    %mul3A_6 = arith.constant 2 : i32
    %mul3A_7 = arith.muli %scan3A_3, %mul3A_6 : i32
    %add3A_8 = arith.constant 0 : i32
    %add3A_9 = arith.addi %mul3A_7, %add3A_8 : i32
    %mul3A_10 = arith.constant 2 : i32
    %mul3A_11 = arith.muli %add3A_9, %mul3A_10 : i32
    %add3A_12 = arith.constant 0 : i32
    %add3A_13 = arith.addi %mul3A_11, %add3A_12 : i32
    %dma_start3A = arith.constant 0 : i32
    %dma_start3A_14 = arith.constant 0 : i32
    %dma_start3A_15 = arith.constant 0 : i32
    %dma_start3A_16 = tpu.memref_slice %arg13[%dma_start3A, %dma_start3A_14, %dma_start3A_15] : memref<3x256x128xf32, #tpu.memory_space<vmem>> -> memref<1x128x128xf32, #tpu.memory_space<vmem>>
    %dma_start3A_17 = tpu.memref_squeeze %dma_start3A_16 : memref<1x128x128xf32, #tpu.memory_space<vmem>> -> memref<128x128xf32, #tpu.memory_space<vmem>>
    %dma_start3A_18 = arith.constant 0 : i32
    %dma_start3A_19 = tpu.memref_slice %arg10[%add3A_13, %dma_start3A_18] : memref<4x128xi32, #tpu.memory_space<vmem>> -> memref<1x128xi32, #tpu.memory_space<vmem>>
    %dma_start3A_20 = tpu.memref_squeeze %dma_start3A_19 : memref<1x128xi32, #tpu.memory_space<vmem>> -> memref<128xi32, #tpu.memory_space<vmem>>
    %dma_start3A_21 = arith.constant 0 : i32
    %dma_start3A_22 = arith.constant 0 : i32
    %dma_start3A_23 = tpu.memref_slice %arg5[%dma_start3A_21, %dma_start3A_22] : memref<100000x128xf32, #tpu.memory_space<hbm>> -> memref<100000x128xf32, #tpu.memory_space<hbm>>
    tpu.enqueue_indirect_dma source(%dma_start3A_23 : memref<100000x128xf32, #tpu.memory_space<hbm>>) target(%dma_start3A_17 : memref<128x128xf32, #tpu.memory_space<vmem>>) offsets(%dma_start3A_20 : memref<128xi32, #tpu.memory_space<vmem>>) semaphore(%arg14 : memref<!tpu.dma_semaphore, #tpu.memory_space<semaphore_mem>>)
    %mul3A_24 = arith.constant 2 : i32
    %mul3A_25 = arith.muli %add3A_9, %mul3A_24 : i32
    %add3A_26 = arith.constant 1 : i32
    %add3A_27 = arith.addi %mul3A_25, %add3A_26 : i32
    %dma_start3A_28 = arith.constant 0 : i32
    %dma_start3A_29 = arith.constant 128 : i32
    %dma_start3A_30 = arith.constant 0 : i32
    %dma_start3A_31 = tpu.memref_slice %arg13[%dma_start3A_28, %dma_start3A_29, %dma_start3A_30] : memref<3x256x128xf32, #tpu.memory_space<vmem>> -> memref<1x128x128xf32, #tpu.memory_space<vmem>>
    %dma_start3A_32 = tpu.memref_squeeze %dma_start3A_31 : memref<1x128x128xf32, #tpu.memory_space<vmem>> -> memref<128x128xf32, #tpu.memory_space<vmem>>
    %dma_start3A_33 = arith.constant 0 : i32
    %dma_start3A_34 = tpu.memref_slice %arg10[%add3A_27, %dma_start3A_33] : memref<4x128xi32, #tpu.memory_space<vmem>> -> memref<1x128xi32, #tpu.memory_space<vmem>>
    %dma_start3A_35 = tpu.memref_squeeze %dma_start3A_34 : memref<1x128xi32, #tpu.memory_space<vmem>> -> memref<128xi32, #tpu.memory_space<vmem>>
    %dma_start3A_36 = arith.constant 0 : i32
    %dma_start3A_37 = arith.constant 0 : i32
    %dma_start3A_38 = tpu.memref_slice %arg5[%dma_start3A_36, %dma_start3A_37] : memref<100000x128xf32, #tpu.memory_space<hbm>> -> memref<100000x128xf32, #tpu.memory_space<hbm>>
    tpu.enqueue_indirect_dma source(%dma_start3A_38 : memref<100000x128xf32, #tpu.memory_space<hbm>>) target(%dma_start3A_32 : memref<128x128xf32, #tpu.memory_space<vmem>>) offsets(%dma_start3A_35 : memref<128xi32, #tpu.memory_space<vmem>>) semaphore(%arg14 : memref<!tpu.dma_semaphore, #tpu.memory_space<semaphore_mem>>)
    %gt3A_39 = arith.constant 0 : i32
    %gt3A_40 = arith.cmpi sgt, %scan3A_3, %gt3A_39 : i32
    %convert_element_type3A_41 = arith.extui %gt3A_40 : i1 to i32
    %cond3A_42 = arith.constant 0 : i32
    %cond3A_43 = arith.cmpi ne, %convert_element_type3A_41, %cond3A_42 : i32
    scf.if %cond3A_43 {
      %dma_wait3A_586 = arith.constant 1 : i32
      %dma_wait3A_587 = arith.constant 0 : i32
      %dma_wait3A_588 = arith.constant 0 : i32
      %dma_wait3A_589 = tpu.memref_slice %arg13[%dma_wait3A_586, %dma_wait3A_587, %dma_wait3A_588] : memref<3x256x128xf32, #tpu.memory_space<vmem>> -> memref<1x256x128xf32, #tpu.memory_space<vmem>>
      %dma_wait3A_590 = tpu.memref_squeeze %dma_wait3A_589 : memref<1x256x128xf32, #tpu.memory_space<vmem>> -> memref<256x128xf32, #tpu.memory_space<vmem>>
      %dma_wait3A_591 = arith.constant 0 : i32
      %dma_wait3A_592 = tpu.memref_slice %arg7[%mul3A_2, %dma_wait3A_591] : memref<16384x128xf32, #tpu.memory_space<hbm>> -> memref<256x128xf32, #tpu.memory_space<hbm>>
      %dma_wait3A_593 = arith.constant 0 : i32
      %dma_wait3A_594 = tpu.memref_slice %arg7[%mul3A_2, %dma_wait3A_593] : memref<16384x128xf32, #tpu.memory_space<hbm>> -> memref<256x128xf32, #tpu.memory_space<hbm>>
      %dma_wait3A_595 = arith.constant 0 : i32
      %dma_wait3A_596 = arith.constant 0 : i32
      %dma_wait3A_597 = tpu.memref_slice %arg13[%dma_wait3A_586, %dma_wait3A_595, %dma_wait3A_596] : memref<3x256x128xf32, #tpu.memory_space<vmem>> -> memref<1x256x128xf32, #tpu.memory_space<vmem>>
      %dma_wait3A_598 = tpu.memref_squeeze %dma_wait3A_597 : memref<1x256x128xf32, #tpu.memory_space<vmem>> -> memref<256x128xf32, #tpu.memory_space<vmem>>
      tpu.wait_dma2 semaphore(%arg16 : memref<!tpu.dma_semaphore, #tpu.memory_space<semaphore_mem>>) src(%dma_wait3A_598 : memref<256x128xf32, #tpu.memory_space<vmem>>) dst(%dma_wait3A_594 : memref<256x128xf32, #tpu.memory_space<hbm>>)
    } else {
    }
    %mul3A_44 = arith.constant 2 : i32
    %mul3A_45 = arith.muli %scan3A_3, %mul3A_44 : i32
    %add3A_46 = arith.constant 1 : i32
    %add3A_47 = arith.addi %mul3A_45, %add3A_46 : i32
    %mul3A_48 = arith.constant 2 : i32
    %mul3A_49 = arith.muli %add3A_47, %mul3A_48 : i32
    %add3A_50 = arith.constant 0 : i32
    %add3A_51 = arith.addi %mul3A_49, %add3A_50 : i32
    %dma_start3A_52 = arith.constant 1 : i32
    %dma_start3A_53 = arith.constant 0 : i32
    %dma_start3A_54 = arith.constant 0 : i32
    %dma_start3A_55 = tpu.memref_slice %arg13[%dma_start3A_52, %dma_start3A_53, %dma_start3A_54] : memref<3x256x128xf32, #tpu.memory_space<vmem>> -> memref<1x128x128xf32, #tpu.memory_space<vmem>>
    %dma_start3A_56 = tpu.memref_squeeze %dma_start3A_55 : memref<1x128x128xf32, #tpu.memory_space<vmem>> -> memref<128x128xf32, #tpu.memory_space<vmem>>
    %dma_start3A_57 = arith.constant 0 : i32
    %dma_start3A_58 = tpu.memref_slice %arg10[%add3A_51, %dma_start3A_57] : memref<4x128xi32, #tpu.memory_space<vmem>> -> memref<1x128xi32, #tpu.memory_space<vmem>>
    %dma_start3A_59 = tpu.memref_squeeze %dma_start3A_58 : memref<1x128xi32, #tpu.memory_space<vmem>> -> memref<128xi32, #tpu.memory_space<vmem>>
    %dma_start3A_60 = arith.constant 0 : i32
    %dma_start3A_61 = arith.constant 0 : i32
    %dma_start3A_62 = tpu.memref_slice %arg5[%dma_start3A_60, %dma_start3A_61] : memref<100000x128xf32, #tpu.memory_space<hbm>> -> memref<100000x128xf32, #tpu.memory_space<hbm>>
    tpu.enqueue_indirect_dma source(%dma_start3A_62 : memref<100000x128xf32, #tpu.memory_space<hbm>>) target(%dma_start3A_56 : memref<128x128xf32, #tpu.memory_space<vmem>>) offsets(%dma_start3A_59 : memref<128xi32, #tpu.memory_space<vmem>>) semaphore(%arg14 : memref<!tpu.dma_semaphore, #tpu.memory_space<semaphore_mem>>)
    %mul3A_63 = arith.constant 2 : i32
    %mul3A_64 = arith.muli %add3A_47, %mul3A_63 : i32
    %add3A_65 = arith.constant 1 : i32
    %add3A_66 = arith.addi %mul3A_64, %add3A_65 : i32
    %dma_start3A_67 = arith.constant 1 : i32
    %dma_start3A_68 = arith.constant 128 : i32
    %dma_start3A_69 = arith.constant 0 : i32
    %dma_start3A_70 = tpu.memref_slice %arg13[%dma_start3A_67, %dma_start3A_68, %dma_start3A_69] : memref<3x256x128xf32, #tpu.memory_space<vmem>> -> memref<1x128x128xf32, #tpu.memory_space<vmem>>
    %dma_start3A_71 = tpu.memref_squeeze %dma_start3A_70 : memref<1x128x128xf32, #tpu.memory_space<vmem>> -> memref<128x128xf32, #tpu.memory_space<vmem>>
    %dma_start3A_72 = arith.constant 0 : i32
    %dma_start3A_73 = tpu.memref_slice %arg10[%add3A_66, %dma_start3A_72] : memref<4x128xi32, #tpu.memory_space<vmem>> -> memref<1x128xi32, #tpu.memory_space<vmem>>
    %dma_start3A_74 = tpu.memref_squeeze %dma_start3A_73 : memref<1x128xi32, #tpu.memory_space<vmem>> -> memref<128xi32, #tpu.memory_space<vmem>>
    %dma_start3A_75 = arith.constant 0 : i32
    %dma_start3A_76 = arith.constant 0 : i32
    %dma_start3A_77 = tpu.memref_slice %arg5[%dma_start3A_75, %dma_start3A_76] : memref<100000x128xf32, #tpu.memory_space<hbm>> -> memref<100000x128xf32, #tpu.memory_space<hbm>>
    tpu.enqueue_indirect_dma source(%dma_start3A_77 : memref<100000x128xf32, #tpu.memory_space<hbm>>) target(%dma_start3A_71 : memref<128x128xf32, #tpu.memory_space<vmem>>) offsets(%dma_start3A_74 : memref<128xi32, #tpu.memory_space<vmem>>) semaphore(%arg14 : memref<!tpu.dma_semaphore, #tpu.memory_space<semaphore_mem>>)
    %mul3A_78 = arith.constant 2 : i32
    %mul3A_79 = arith.muli %scan3A_3, %mul3A_78 : i32
    %add3A_80 = arith.constant 0 : i32
    %add3A_81 = arith.addi %mul3A_79, %add3A_80 : i32
    %dma_wait3A = arith.constant 0 : i32
    %dma_wait3A_82 = arith.constant 0 : i32
    %dma_wait3A_83 = arith.constant 0 : i32
    %dma_wait3A_84 = tpu.memref_slice %arg13[%dma_wait3A, %dma_wait3A_82, %dma_wait3A_83] : memref<3x256x128xf32, #tpu.memory_space<vmem>> -> memref<1x128x128xf32, #tpu.memory_space<vmem>>
    %dma_wait3A_85 = tpu.memref_squeeze %dma_wait3A_84 : memref<1x128x128xf32, #tpu.memory_space<vmem>> -> memref<128x128xf32, #tpu.memory_space<vmem>>
    %dma_wait3A_86 = arith.constant 0 : i32
    %dma_wait3A_87 = tpu.memref_slice %arg10[%add3A_13, %dma_wait3A_86] : memref<4x128xi32, #tpu.memory_space<vmem>> -> memref<1x128xi32, #tpu.memory_space<vmem>>
    %dma_wait3A_88 = tpu.memref_squeeze %dma_wait3A_87 : memref<1x128xi32, #tpu.memory_space<vmem>> -> memref<128xi32, #tpu.memory_space<vmem>>
    %dma_wait3A_89 = arith.constant 0 : i32
    %dma_wait3A_90 = arith.constant 0 : i32
    %dma_wait3A_91 = tpu.memref_slice %arg5[%dma_wait3A_89, %dma_wait3A_90] : memref<100000x128xf32, #tpu.memory_space<hbm>> -> memref<100000x128xf32, #tpu.memory_space<hbm>>
    tpu.wait_indirect_dma semaphore(%arg14 : memref<!tpu.dma_semaphore, #tpu.memory_space<semaphore_mem>>) src(%dma_wait3A_91 : memref<100000x128xf32, #tpu.memory_space<hbm>>) dst(%dma_wait3A_85 : memref<128x128xf32, #tpu.memory_space<vmem>>)
    %dma_wait3A_92 = arith.constant 0 : i32
    %dma_wait3A_93 = arith.constant 128 : i32
    %dma_wait3A_94 = arith.constant 0 : i32
    %dma_wait3A_95 = tpu.memref_slice %arg13[%dma_wait3A_92, %dma_wait3A_93, %dma_wait3A_94] : memref<3x256x128xf32, #tpu.memory_space<vmem>> -> memref<1x128x128xf32, #tpu.memory_space<vmem>>
    %dma_wait3A_96 = tpu.memref_squeeze %dma_wait3A_95 : memref<1x128x128xf32, #tpu.memory_space<vmem>> -> memref<128x128xf32, #tpu.memory_space<vmem>>
    %dma_wait3A_97 = arith.constant 0 : i32
    %dma_wait3A_98 = tpu.memref_slice %arg10[%add3A_27, %dma_wait3A_97] : memref<4x128xi32, #tpu.memory_space<vmem>> -> memref<1x128xi32, #tpu.memory_space<vmem>>
    %dma_wait3A_99 = tpu.memref_squeeze %dma_wait3A_98 : memref<1x128xi32, #tpu.memory_space<vmem>> -> memref<128xi32, #tpu.memory_space<vmem>>
    %dma_wait3A_100 = arith.constant 0 : i32
    %dma_wait3A_101 = arith.constant 0 : i32
    %dma_wait3A_102 = tpu.memref_slice %arg5[%dma_wait3A_100, %dma_wait3A_101] : memref<100000x128xf32, #tpu.memory_space<hbm>> -> memref<100000x128xf32, #tpu.memory_space<hbm>>
    tpu.wait_indirect_dma semaphore(%arg14 : memref<!tpu.dma_semaphore, #tpu.memory_space<semaphore_mem>>) src(%dma_wait3A_102 : memref<100000x128xf32, #tpu.memory_space<hbm>>) dst(%dma_wait3A_96 : memref<128x128xf32, #tpu.memory_space<vmem>>)
    %mul3A_103 = arith.constant 256 : i32
    %mul3A_104 = arith.muli %add3A_81, %mul3A_103 : i32
    %add3A_105 = arith.addi %mul3A_2, %mul3A_104 : i32
    %dma_start3A_106 = arith.constant 0 : i32
    %dma_start3A_107 = arith.constant 0 : i32
    %dma_start3A_108 = arith.constant 0 : i32
    %dma_start3A_109 = tpu.memref_slice %arg13[%dma_start3A_106, %dma_start3A_107, %dma_start3A_108] : memref<3x256x128xf32, #tpu.memory_space<vmem>> -> memref<1x256x128xf32, #tpu.memory_space<vmem>>
    %dma_start3A_110 = tpu.memref_squeeze %dma_start3A_109 : memref<1x256x128xf32, #tpu.memory_space<vmem>> -> memref<256x128xf32, #tpu.memory_space<vmem>>
    %dma_start3A_111 = arith.constant 0 : i32
    %dma_start3A_112 = tpu.memref_slice %arg7[%add3A_105, %dma_start3A_111] : memref<16384x128xf32, #tpu.memory_space<hbm>> -> memref<256x128xf32, #tpu.memory_space<hbm>>
    %dma_start3A_113 = arith.constant 0 : i32
    %dma_start3A_114 = tpu.memref_slice %arg7[%add3A_105, %dma_start3A_113] : memref<16384x128xf32, #tpu.memory_space<hbm>> -> memref<256x128xf32, #tpu.memory_space<hbm>>
    %dma_start3A_115 = arith.constant 0 : i32
    %dma_start3A_116 = arith.constant 0 : i32
    %dma_start3A_117 = tpu.memref_slice %arg13[%dma_start3A_106, %dma_start3A_115, %dma_start3A_116] : memref<3x256x128xf32, #tpu.memory_space<vmem>> -> memref<1x256x128xf32, #tpu.memory_space<vmem>>
    %dma_start3A_118 = tpu.memref_squeeze %dma_start3A_117 : memref<1x256x128xf32, #tpu.memory_space<vmem>> -> memref<256x128xf32, #tpu.memory_space<vmem>>
    tpu.enqueue_dma source(%dma_start3A_118 : memref<256x128xf32, #tpu.memory_space<vmem>>) target(%dma_start3A_114 : memref<256x128xf32, #tpu.memory_space<hbm>>) target_semaphore(%arg15 : memref<!tpu.dma_semaphore, #tpu.memory_space<semaphore_mem>>)
    %mul3A_119 = arith.constant 2 : i32
    %mul3A_120 = arith.muli %scan3A_3, %mul3A_119 : i32
    %add3A_121 = arith.constant 1 : i32
    %add3A_122 = arith.addi %mul3A_120, %add3A_121 : i32
    %dma_wait3A_123 = arith.constant 1 : i32
    %dma_wait3A_124 = arith.constant 0 : i32
    %dma_wait3A_125 = arith.constant 0 : i32
    %dma_wait3A_126 = tpu.memref_slice %arg13[%dma_wait3A_123, %dma_wait3A_124, %dma_wait3A_125] : memref<3x256x128xf32, #tpu.memory_space<vmem>> -> memref<1x128x128xf32, #tpu.memory_space<vmem>>
    %dma_wait3A_127 = tpu.memref_squeeze %dma_wait3A_126 : memref<1x128x128xf32, #tpu.memory_space<vmem>> -> memref<128x128xf32, #tpu.memory_space<vmem>>
    %dma_wait3A_128 = arith.constant 0 : i32
    %dma_wait3A_129 = tpu.memref_slice %arg10[%add3A_51, %dma_wait3A_128] : memref<4x128xi32, #tpu.memory_space<vmem>> -> memref<1x128xi32, #tpu.memory_space<vmem>>
    %dma_wait3A_130 = tpu.memref_squeeze %dma_wait3A_129 : memref<1x128xi32, #tpu.memory_space<vmem>> -> memref<128xi32, #tpu.memory_space<vmem>>
    %dma_wait3A_131 = arith.constant 0 : i32
    %dma_wait3A_132 = arith.constant 0 : i32
    %dma_wait3A_133 = tpu.memref_slice %arg5[%dma_wait3A_131, %dma_wait3A_132] : memref<100000x128xf32, #tpu.memory_space<hbm>> -> memref<100000x128xf32, #tpu.memory_space<hbm>>
    tpu.wait_indirect_dma semaphore(%arg14 : memref<!tpu.dma_semaphore, #tpu.memory_space<semaphore_mem>>) src(%dma_wait3A_133 : memref<100000x128xf32, #tpu.memory_space<hbm>>) dst(%dma_wait3A_127 : memref<128x128xf32, #tpu.memory_space<vmem>>)
    %dma_wait3A_134 = arith.constant 1 : i32
    %dma_wait3A_135 = arith.constant 128 : i32
    %dma_wait3A_136 = arith.constant 0 : i32
    %dma_wait3A_137 = tpu.memref_slice %arg13[%dma_wait3A_134, %dma_wait3A_135, %dma_wait3A_136] : memref<3x256x128xf32, #tpu.memory_space<vmem>> -> memref<1x128x128xf32, #tpu.memory_space<vmem>>
    %dma_wait3A_138 = tpu.memref_squeeze %dma_wait3A_137 : memref<1x128x128xf32, #tpu.memory_space<vmem>> -> memref<128x128xf32, #tpu.memory_space<vmem>>
    %dma_wait3A_139 = arith.constant 0 : i32
    %dma_wait3A_140 = tpu.memref_slice %arg10[%add3A_66, %dma_wait3A_139] : memref<4x128xi32, #tpu.memory_space<vmem>> -> memref<1x128xi32, #tpu.memory_space<vmem>>
    %dma_wait3A_141 = tpu.memref_squeeze %dma_wait3A_140 : memref<1x128xi32, #tpu.memory_space<vmem>> -> memref<128xi32, #tpu.memory_space<vmem>>
    %dma_wait3A_142 = arith.constant 0 : i32
    %dma_wait3A_143 = arith.constant 0 : i32
    %dma_wait3A_144 = tpu.memref_slice %arg5[%dma_wait3A_142, %dma_wait3A_143] : memref<100000x128xf32, #tpu.memory_space<hbm>> -> memref<100000x128xf32, #tpu.memory_space<hbm>>
    tpu.wait_indirect_dma semaphore(%arg14 : memref<!tpu.dma_semaphore, #tpu.memory_space<semaphore_mem>>) src(%dma_wait3A_144 : memref<100000x128xf32, #tpu.memory_space<hbm>>) dst(%dma_wait3A_138 : memref<128x128xf32, #tpu.memory_space<vmem>>)
    %mul3A_145 = arith.constant 256 : i32
    %mul3A_146 = arith.muli %add3A_122, %mul3A_145 : i32
    %add3A_147 = arith.addi %mul3A_2, %mul3A_146 : i32
    %dma_start3A_148 = arith.constant 1 : i32
    %dma_start3A_149 = arith.constant 0 : i32
    %dma_start3A_150 = arith.constant 0 : i32
    %dma_start3A_151 = tpu.memref_slice %arg13[%dma_start3A_148, %dma_start3A_149, %dma_start3A_150] : memref<3x256x128xf32, #tpu.memory_space<vmem>> -> memref<1x256x128xf32, #tpu.memory_space<vmem>>
    %dma_start3A_152 = tpu.memref_squeeze %dma_start3A_151 : memref<1x256x128xf32, #tpu.memory_space<vmem>> -> memref<256x128xf32, #tpu.memory_space<vmem>>
    %dma_start3A_153 = arith.constant 0 : i32
    %dma_start3A_154 = tpu.memref_slice %arg7[%add3A_147, %dma_start3A_153] : memref<16384x128xf32, #tpu.memory_space<hbm>> -> memref<256x128xf32, #tpu.memory_space<hbm>>
    %dma_start3A_155 = arith.constant 0 : i32
    %dma_start3A_156 = tpu.memref_slice %arg7[%add3A_147, %dma_start3A_155] : memref<16384x128xf32, #tpu.memory_space<hbm>> -> memref<256x128xf32, #tpu.memory_space<hbm>>
    %dma_start3A_157 = arith.constant 0 : i32
    %dma_start3A_158 = arith.constant 0 : i32
    %dma_start3A_159 = tpu.memref_slice %arg13[%dma_start3A_148, %dma_start3A_157, %dma_start3A_158] : memref<3x256x128xf32, #tpu.memory_space<vmem>> -> memref<1x256x128xf32, #tpu.memory_space<vmem>>
    %dma_start3A_160 = tpu.memref_squeeze %dma_start3A_159 : memref<1x256x128xf32, #tpu.memory_space<vmem>> -> memref<256x128xf32, #tpu.memory_space<vmem>>
    tpu.enqueue_dma source(%dma_start3A_160 : memref<256x128xf32, #tpu.memory_space<vmem>>) target(%dma_start3A_156 : memref<256x128xf32, #tpu.memory_space<hbm>>) target_semaphore(%arg16 : memref<!tpu.dma_semaphore, #tpu.memory_space<semaphore_mem>>)
    %scan3A_161 = arith.constant 1 : i32
    %dma_wait3A_162 = arith.constant 0 : i32
    %dma_wait3A_163 = arith.constant 0 : i32
    %dma_wait3A_164 = arith.constant 0 : i32
    %dma_wait3A_165 = tpu.memref_slice %arg13[%dma_wait3A_162, %dma_wait3A_163, %dma_wait3A_164] : memref<3x256x128xf32, #tpu.memory_space<vmem>> -> memref<1x256x128xf32, #tpu.memory_space<vmem>>
    %dma_wait3A_166 = tpu.memref_squeeze %dma_wait3A_165 : memref<1x256x128xf32, #tpu.memory_space<vmem>> -> memref<256x128xf32, #tpu.memory_space<vmem>>
    %dma_wait3A_167 = arith.constant 0 : i32
    %dma_wait3A_168 = tpu.memref_slice %arg7[%mul3A_2, %dma_wait3A_167] : memref<16384x128xf32, #tpu.memory_space<hbm>> -> memref<256x128xf32, #tpu.memory_space<hbm>>
    %dma_wait3A_169 = arith.constant 0 : i32
    %dma_wait3A_170 = tpu.memref_slice %arg7[%mul3A_2, %dma_wait3A_169] : memref<16384x128xf32, #tpu.memory_space<hbm>> -> memref<256x128xf32, #tpu.memory_space<hbm>>
    %dma_wait3A_171 = arith.constant 0 : i32
    %dma_wait3A_172 = arith.constant 0 : i32
    %dma_wait3A_173 = tpu.memref_slice %arg13[%dma_wait3A_162, %dma_wait3A_171, %dma_wait3A_172] : memref<3x256x128xf32, #tpu.memory_space<vmem>> -> memref<1x256x128xf32, #tpu.memory_space<vmem>>
    %dma_wait3A_174 = tpu.memref_squeeze %dma_wait3A_173 : memref<1x256x128xf32, #tpu.memory_space<vmem>> -> memref<256x128xf32, #tpu.memory_space<vmem>>
    tpu.wait_dma2 semaphore(%arg15 : memref<!tpu.dma_semaphore, #tpu.memory_space<semaphore_mem>>) src(%dma_wait3A_174 : memref<256x128xf32, #tpu.memory_space<vmem>>) dst(%dma_wait3A_170 : memref<256x128xf32, #tpu.memory_space<hbm>>)
    %dma_wait3A_175 = arith.constant 1 : i32
    %dma_wait3A_176 = arith.constant 0 : i32
    %dma_wait3A_177 = arith.constant 0 : i32
    %dma_wait3A_178 = tpu.memref_slice %arg13[%dma_wait3A_175, %dma_wait3A_176, %dma_wait3A_177] : memref<3x256x128xf32, #tpu.memory_space<vmem>> -> memref<1x256x128xf32, #tpu.memory_space<vmem>>
    %dma_wait3A_179 = tpu.memref_squeeze %dma_wait3A_178 : memref<1x256x128xf32, #tpu.memory_space<vmem>> -> memref<256x128xf32, #tpu.memory_space<vmem>>
    %dma_wait3A_180 = arith.constant 0 : i32
    %dma_wait3A_181 = tpu.memref_slice %arg7[%mul3A_2, %dma_wait3A_180] : memref<16384x128xf32, #tpu.memory_space<hbm>> -> memref<256x128xf32, #tpu.memory_space<hbm>>
    %dma_wait3A_182 = arith.constant 0 : i32
    %dma_wait3A_183 = tpu.memref_slice %arg7[%mul3A_2, %dma_wait3A_182] : memref<16384x128xf32, #tpu.memory_space<hbm>> -> memref<256x128xf32, #tpu.memory_space<hbm>>
    %dma_wait3A_184 = arith.constant 0 : i32
    %dma_wait3A_185 = arith.constant 0 : i32
    %dma_wait3A_186 = tpu.memref_slice %arg13[%dma_wait3A_175, %dma_wait3A_184, %dma_wait3A_185] : memref<3x256x128xf32, #tpu.memory_space<vmem>> -> memref<1x256x128xf32, #tpu.memory_space<vmem>>
    %dma_wait3A_187 = tpu.memref_squeeze %dma_wait3A_186 : memref<1x256x128xf32, #tpu.memory_space<vmem>> -> memref<256x128xf32, #tpu.memory_space<vmem>>
    tpu.wait_dma2 semaphore(%arg16 : memref<!tpu.dma_semaphore, #tpu.memory_space<semaphore_mem>>) src(%dma_wait3A_187 : memref<256x128xf32, #tpu.memory_space<vmem>>) dst(%dma_wait3A_183 : memref<256x128xf32, #tpu.memory_space<hbm>>)
    %mul3A_188 = arith.constant 5120 : i32
    %mul3A_189 = arith.muli %add3A, %mul3A_188 : i32
    %scan3A_190 = arith.constant 0 : i32
    %scan3A_191 = arith.constant 0 : i32
    %scan3A_192 = arith.constant 6 : i32
    %scan3A_193 = arith.addi %scan3A_191, %scan3A_192 : i32
    %scan3A_194 = arith.constant 1 : i32
    scf.for %scan3A_586 = %scan3A_191 to %scan3A_193 step %scan3A_194  : i32 {
      %gt3A_587 = arith.constant 0 : i32
      %gt3A_588 = arith.cmpi sgt, %scan3A_586, %gt3A_587 : i32
      %convert_element_type3A_589 = arith.extui %gt3A_588 : i1 to i32
      %cond3A_590 = arith.constant 0 : i32
      %cond3A_591 = arith.cmpi ne, %convert_element_type3A_589, %cond3A_590 : i32
      scf.if %cond3A_591 {
        %dma_wait3A_830 = arith.constant 0 : i32
        %dma_wait3A_831 = arith.constant 0 : i32
        %dma_wait3A_832 = arith.constant 0 : i32
        %dma_wait3A_833 = tpu.memref_slice %arg13[%dma_wait3A_830, %dma_wait3A_831, %dma_wait3A_832] : memref<3x256x128xf32, #tpu.memory_space<vmem>> -> memref<1x256x128xf32, #tpu.memory_space<vmem>>
        %dma_wait3A_834 = tpu.memref_squeeze %dma_wait3A_833 : memref<1x256x128xf32, #tpu.memory_space<vmem>> -> memref<256x128xf32, #tpu.memory_space<vmem>>
        %dma_wait3A_835 = arith.constant 0 : i32
        %dma_wait3A_836 = tpu.memref_slice %arg8[%mul3A_189, %dma_wait3A_835] : memref<163840x128xf32, #tpu.memory_space<hbm>> -> memref<256x128xf32, #tpu.memory_space<hbm>>
        %dma_wait3A_837 = arith.constant 0 : i32
        %dma_wait3A_838 = tpu.memref_slice %arg8[%mul3A_189, %dma_wait3A_837] : memref<163840x128xf32, #tpu.memory_space<hbm>> -> memref<256x128xf32, #tpu.memory_space<hbm>>
        %dma_wait3A_839 = arith.constant 0 : i32
        %dma_wait3A_840 = arith.constant 0 : i32
        %dma_wait3A_841 = tpu.memref_slice %arg13[%dma_wait3A_830, %dma_wait3A_839, %dma_wait3A_840] : memref<3x256x128xf32, #tpu.memory_space<vmem>> -> memref<1x256x128xf32, #tpu.memory_space<vmem>>
        %dma_wait3A_842 = tpu.memref_squeeze %dma_wait3A_841 : memref<1x256x128xf32, #tpu.memory_space<vmem>> -> memref<256x128xf32, #tpu.memory_space<vmem>>
        tpu.wait_dma2 semaphore(%arg15 : memref<!tpu.dma_semaphore, #tpu.memory_space<semaphore_mem>>) src(%dma_wait3A_842 : memref<256x128xf32, #tpu.memory_space<vmem>>) dst(%dma_wait3A_838 : memref<256x128xf32, #tpu.memory_space<hbm>>)
      } else {
      }
      %mul3A_592 = arith.constant 3 : i32
      %mul3A_593 = arith.muli %scan3A_586, %mul3A_592 : i32
      %add3A_594 = arith.constant 0 : i32
      %add3A_595 = arith.addi %mul3A_593, %add3A_594 : i32
      %mul3A_596 = arith.constant 2 : i32
      %mul3A_597 = arith.muli %add3A_595, %mul3A_596 : i32
      %add3A_598 = arith.constant 0 : i32
      %add3A_599 = arith.addi %mul3A_597, %add3A_598 : i32
      %dma_start3A_600 = arith.constant 0 : i32
      %dma_start3A_601 = arith.constant 0 : i32
      %dma_start3A_602 = arith.constant 0 : i32
      %dma_start3A_603 = tpu.memref_slice %arg13[%dma_start3A_600, %dma_start3A_601, %dma_start3A_602] : memref<3x256x128xf32, #tpu.memory_space<vmem>> -> memref<1x128x128xf32, #tpu.memory_space<vmem>>
      %dma_start3A_604 = tpu.memref_squeeze %dma_start3A_603 : memref<1x128x128xf32, #tpu.memory_space<vmem>> -> memref<128x128xf32, #tpu.memory_space<vmem>>
      %dma_start3A_605 = arith.constant 0 : i32
      %dma_start3A_606 = tpu.memref_slice %arg11[%add3A_599, %dma_start3A_605] : memref<40x128xi32, #tpu.memory_space<vmem>> -> memref<1x128xi32, #tpu.memory_space<vmem>>
      %dma_start3A_607 = tpu.memref_squeeze %dma_start3A_606 : memref<1x128xi32, #tpu.memory_space<vmem>> -> memref<128xi32, #tpu.memory_space<vmem>>
      %dma_start3A_608 = arith.constant 0 : i32
      %dma_start3A_609 = arith.constant 0 : i32
      %dma_start3A_610 = tpu.memref_slice %arg6[%dma_start3A_608, %dma_start3A_609] : memref<100000x128xf32, #tpu.memory_space<hbm>> -> memref<100000x128xf32, #tpu.memory_space<hbm>>
      tpu.enqueue_indirect_dma source(%dma_start3A_610 : memref<100000x128xf32, #tpu.memory_space<hbm>>) target(%dma_start3A_604 : memref<128x128xf32, #tpu.memory_space<vmem>>) offsets(%dma_start3A_607 : memref<128xi32, #tpu.memory_space<vmem>>) semaphore(%arg14 : memref<!tpu.dma_semaphore, #tpu.memory_space<semaphore_mem>>)
      %mul3A_611 = arith.constant 2 : i32
      %mul3A_612 = arith.muli %add3A_595, %mul3A_611 : i32
      %add3A_613 = arith.constant 1 : i32
      %add3A_614 = arith.addi %mul3A_612, %add3A_613 : i32
      %dma_start3A_615 = arith.constant 0 : i32
      %dma_start3A_616 = arith.constant 128 : i32
      %dma_start3A_617 = arith.constant 0 : i32
      %dma_start3A_618 = tpu.memref_slice %arg13[%dma_start3A_615, %dma_start3A_616, %dma_start3A_617] : memref<3x256x128xf32, #tpu.memory_space<vmem>> -> memref<1x128x128xf32, #tpu.memory_space<vmem>>
      %dma_start3A_619 = tpu.memref_squeeze %dma_start3A_618 : memref<1x128x128xf32, #tpu.memory_space<vmem>> -> memref<128x128xf32, #tpu.memory_space<vmem>>
      %dma_start3A_620 = arith.constant 0 : i32
      %dma_start3A_621 = tpu.memref_slice %arg11[%add3A_614, %dma_start3A_620] : memref<40x128xi32, #tpu.memory_space<vmem>> -> memref<1x128xi32, #tpu.memory_space<vmem>>
      %dma_start3A_622 = tpu.memref_squeeze %dma_start3A_621 : memref<1x128xi32, #tpu.memory_space<vmem>> -> memref<128xi32, #tpu.memory_space<vmem>>
      %dma_start3A_623 = arith.constant 0 : i32
      %dma_start3A_624 = arith.constant 0 : i32
      %dma_start3A_625 = tpu.memref_slice %arg6[%dma_start3A_623, %dma_start3A_624] : memref<100000x128xf32, #tpu.memory_space<hbm>> -> memref<100000x128xf32, #tpu.memory_space<hbm>>
      tpu.enqueue_indirect_dma source(%dma_start3A_625 : memref<100000x128xf32, #tpu.memory_space<hbm>>) target(%dma_start3A_619 : memref<128x128xf32, #tpu.memory_space<vmem>>) offsets(%dma_start3A_622 : memref<128xi32, #tpu.memory_space<vmem>>) semaphore(%arg14 : memref<!tpu.dma_semaphore, #tpu.memory_space<semaphore_mem>>)
      %gt3A_626 = arith.constant 0 : i32
      %gt3A_627 = arith.cmpi sgt, %scan3A_586, %gt3A_626 : i32
      %convert_element_type3A_628 = arith.extui %gt3A_627 : i1 to i32
      %cond3A_629 = arith.constant 0 : i32
      %cond3A_630 = arith.cmpi ne, %convert_element_type3A_628, %cond3A_629 : i32
      scf.if %cond3A_630 {
        %dma_wait3A_830 = arith.constant 1 : i32
        %dma_wait3A_831 = arith.constant 0 : i32
        %dma_wait3A_832 = arith.constant 0 : i32
        %dma_wait3A_833 = tpu.memref_slice %arg13[%dma_wait3A_830, %dma_wait3A_831, %dma_wait3A_832] : memref<3x256x128xf32, #tpu.memory_space<vmem>> -> memref<1x256x128xf32, #tpu.memory_space<vmem>>
        %dma_wait3A_834 = tpu.memref_squeeze %dma_wait3A_833 : memref<1x256x128xf32, #tpu.memory_space<vmem>> -> memref<256x128xf32, #tpu.memory_space<vmem>>
        %dma_wait3A_835 = arith.constant 0 : i32
        %dma_wait3A_836 = tpu.memref_slice %arg8[%mul3A_189, %dma_wait3A_835] : memref<163840x128xf32, #tpu.memory_space<hbm>> -> memref<256x128xf32, #tpu.memory_space<hbm>>
        %dma_wait3A_837 = arith.constant 0 : i32
        %dma_wait3A_838 = tpu.memref_slice %arg8[%mul3A_189, %dma_wait3A_837] : memref<163840x128xf32, #tpu.memory_space<hbm>> -> memref<256x128xf32, #tpu.memory_space<hbm>>
        %dma_wait3A_839 = arith.constant 0 : i32
        %dma_wait3A_840 = arith.constant 0 : i32
        %dma_wait3A_841 = tpu.memref_slice %arg13[%dma_wait3A_830, %dma_wait3A_839, %dma_wait3A_840] : memref<3x256x128xf32, #tpu.memory_space<vmem>> -> memref<1x256x128xf32, #tpu.memory_space<vmem>>
        %dma_wait3A_842 = tpu.memref_squeeze %dma_wait3A_841 : memref<1x256x128xf32, #tpu.memory_space<vmem>> -> memref<256x128xf32, #tpu.memory_space<vmem>>
        tpu.wait_dma2 semaphore(%arg16 : memref<!tpu.dma_semaphore, #tpu.memory_space<semaphore_mem>>) src(%dma_wait3A_842 : memref<256x128xf32, #tpu.memory_space<vmem>>) dst(%dma_wait3A_838 : memref<256x128xf32, #tpu.memory_space<hbm>>)
      } else {
      }
      %mul3A_631 = arith.constant 3 : i32
      %mul3A_632 = arith.muli %scan3A_586, %mul3A_631 : i32
      %add3A_633 = arith.constant 1 : i32
      %add3A_634 = arith.addi %mul3A_632, %add3A_633 : i32
      %mul3A_635 = arith.constant 2 : i32
      %mul3A_636 = arith.muli %add3A_634, %mul3A_635 : i32
      %add3A_637 = arith.constant 0 : i32
      %add3A_638 = arith.addi %mul3A_636, %add3A_637 : i32
      %dma_start3A_639 = arith.constant 1 : i32
      %dma_start3A_640 = arith.constant 0 : i32
      %dma_start3A_641 = arith.constant 0 : i32
      %dma_start3A_642 = tpu.memref_slice %arg13[%dma_start3A_639, %dma_start3A_640, %dma_start3A_641] : memref<3x256x128xf32, #tpu.memory_space<vmem>> -> memref<1x128x128xf32, #tpu.memory_space<vmem>>
      %dma_start3A_643 = tpu.memref_squeeze %dma_start3A_642 : memref<1x128x128xf32, #tpu.memory_space<vmem>> -> memref<128x128xf32, #tpu.memory_space<vmem>>
      %dma_start3A_644 = arith.constant 0 : i32
      %dma_start3A_645 = tpu.memref_slice %arg11[%add3A_638, %dma_start3A_644] : memref<40x128xi32, #tpu.memory_space<vmem>> -> memref<1x128xi32, #tpu.memory_space<vmem>>
      %dma_start3A_646 = tpu.memref_squeeze %dma_start3A_645 : memref<1x128xi32, #tpu.memory_space<vmem>> -> memref<128xi32, #tpu.memory_space<vmem>>
      %dma_start3A_647 = arith.constant 0 : i32
      %dma_start3A_648 = arith.constant 0 : i32
      %dma_start3A_649 = tpu.memref_slice %arg6[%dma_start3A_647, %dma_start3A_648] : memref<100000x128xf32, #tpu.memory_space<hbm>> -> memref<100000x128xf32, #tpu.memory_space<hbm>>
      tpu.enqueue_indirect_dma source(%dma_start3A_649 : memref<100000x128xf32, #tpu.memory_space<hbm>>) target(%dma_start3A_643 : memref<128x128xf32, #tpu.memory_space<vmem>>) offsets(%dma_start3A_646 : memref<128xi32, #tpu.memory_space<vmem>>) semaphore(%arg14 : memref<!tpu.dma_semaphore, #tpu.memory_space<semaphore_mem>>)
      %mul3A_650 = arith.constant 2 : i32
      %mul3A_651 = arith.muli %add3A_634, %mul3A_650 : i32
      %add3A_652 = arith.constant 1 : i32
      %add3A_653 = arith.addi %mul3A_651, %add3A_652 : i32
      %dma_start3A_654 = arith.constant 1 : i32
      %dma_start3A_655 = arith.constant 128 : i32
      %dma_start3A_656 = arith.constant 0 : i32
      %dma_start3A_657 = tpu.memref_slice %arg13[%dma_start3A_654, %dma_start3A_655, %dma_start3A_656] : memref<3x256x128xf32, #tpu.memory_space<vmem>> -> memref<1x128x128xf32, #tpu.memory_space<vmem>>
      %dma_start3A_658 = tpu.memref_squeeze %dma_start3A_657 : memref<1x128x128xf32, #tpu.memory_space<vmem>> -> memref<128x128xf32, #tpu.memory_space<vmem>>
      %dma_start3A_659 = arith.constant 0 : i32
      %dma_start3A_660 = tpu.memref_slice %arg11[%add3A_653, %dma_start3A_659] : memref<40x128xi32, #tpu.memory_space<vmem>> -> memref<1x128xi32, #tpu.memory_space<vmem>>
      %dma_start3A_661 = tpu.memref_squeeze %dma_start3A_660 : memref<1x128xi32, #tpu.memory_space<vmem>> -> memref<128xi32, #tpu.memory_space<vmem>>
      %dma_start3A_662 = arith.constant 0 : i32
      %dma_start3A_663 = arith.constant 0 : i32
      %dma_start3A_664 = tpu.memref_slice %arg6[%dma_start3A_662, %dma_start3A_663] : memref<100000x128xf32, #tpu.memory_space<hbm>> -> memref<100000x128xf32, #tpu.memory_space<hbm>>
      tpu.enqueue_indirect_dma source(%dma_start3A_664 : memref<100000x128xf32, #tpu.memory_space<hbm>>) target(%dma_start3A_658 : memref<128x128xf32, #tpu.memory_space<vmem>>) offsets(%dma_start3A_661 : memref<128xi32, #tpu.memory_space<vmem>>) semaphore(%arg14 : memref<!tpu.dma_semaphore, #tpu.memory_space<semaphore_mem>>)
      %gt3A_665 = arith.constant 0 : i32
      %gt3A_666 = arith.cmpi sgt, %scan3A_586, %gt3A_665 : i32
      %convert_element_type3A_667 = arith.extui %gt3A_666 : i1 to i32
      %cond3A_668 = arith.constant 0 : i32
      %cond3A_669 = arith.cmpi ne, %convert_element_type3A_667, %cond3A_668 : i32
      scf.if %cond3A_669 {
        %dma_wait3A_830 = arith.constant 2 : i32
        %dma_wait3A_831 = arith.constant 0 : i32
        %dma_wait3A_832 = arith.constant 0 : i32
        %dma_wait3A_833 = tpu.memref_slice %arg13[%dma_wait3A_830, %dma_wait3A_831, %dma_wait3A_832] : memref<3x256x128xf32, #tpu.memory_space<vmem>> -> memref<1x256x128xf32, #tpu.memory_space<vmem>>
        %dma_wait3A_834 = tpu.memref_squeeze %dma_wait3A_833 : memref<1x256x128xf32, #tpu.memory_space<vmem>> -> memref<256x128xf32, #tpu.memory_space<vmem>>
        %dma_wait3A_835 = arith.constant 0 : i32
        %dma_wait3A_836 = tpu.memref_slice %arg8[%mul3A_189, %dma_wait3A_835] : memref<163840x128xf32, #tpu.memory_space<hbm>> -> memref<256x128xf32, #tpu.memory_space<hbm>>
        %dma_wait3A_837 = arith.constant 0 : i32
        %dma_wait3A_838 = tpu.memref_slice %arg8[%mul3A_189, %dma_wait3A_837] : memref<163840x128xf32, #tpu.memory_space<hbm>> -> memref<256x128xf32, #tpu.memory_space<hbm>>
        %dma_wait3A_839 = arith.constant 0 : i32
        %dma_wait3A_840 = arith.constant 0 : i32
        %dma_wait3A_841 = tpu.memref_slice %arg13[%dma_wait3A_830, %dma_wait3A_839, %dma_wait3A_840] : memref<3x256x128xf32, #tpu.memory_space<vmem>> -> memref<1x256x128xf32, #tpu.memory_space<vmem>>
        %dma_wait3A_842 = tpu.memref_squeeze %dma_wait3A_841 : memref<1x256x128xf32, #tpu.memory_space<vmem>> -> memref<256x128xf32, #tpu.memory_space<vmem>>
        tpu.wait_dma2 semaphore(%arg17 : memref<!tpu.dma_semaphore, #tpu.memory_space<semaphore_mem>>) src(%dma_wait3A_842 : memref<256x128xf32, #tpu.memory_space<vmem>>) dst(%dma_wait3A_838 : memref<256x128xf32, #tpu.memory_space<hbm>>)
      } else {
      }
      %mul3A_670 = arith.constant 3 : i32
      %mul3A_671 = arith.muli %scan3A_586, %mul3A_670 : i32
      %add3A_672 = arith.constant 2 : i32
      %add3A_673 = arith.addi %mul3A_671, %add3A_672 : i32
      %mul3A_674 = arith.constant 2 : i32
      %mul3A_675 = arith.muli %add3A_673, %mul3A_674 : i32
      %add3A_676 = arith.constant 0 : i32
      %add3A_677 = arith.addi %mul3A_675, %add3A_676 : i32
      %dma_start3A_678 = arith.constant 2 : i32
      %dma_start3A_679 = arith.constant 0 : i32
      %dma_start3A_680 = arith.constant 0 : i32
      %dma_start3A_681 = tpu.memref_slice %arg13[%dma_start3A_678, %dma_start3A_679, %dma_start3A_680] : memref<3x256x128xf32, #tpu.memory_space<vmem>> -> memref<1x128x128xf32, #tpu.memory_space<vmem>>
      %dma_start3A_682 = tpu.memref_squeeze %dma_start3A_681 : memref<1x128x128xf32, #tpu.memory_space<vmem>> -> memref<128x128xf32, #tpu.memory_space<vmem>>
      %dma_start3A_683 = arith.constant 0 : i32
      %dma_start3A_684 = tpu.memref_slice %arg11[%add3A_677, %dma_start3A_683] : memref<40x128xi32, #tpu.memory_space<vmem>> -> memref<1x128xi32, #tpu.memory_space<vmem>>
      %dma_start3A_685 = tpu.memref_squeeze %dma_start3A_684 : memref<1x128xi32, #tpu.memory_space<vmem>> -> memref<128xi32, #tpu.memory_space<vmem>>
      %dma_start3A_686 = arith.constant 0 : i32
      %dma_start3A_687 = arith.constant 0 : i32
      %dma_start3A_688 = tpu.memref_slice %arg6[%dma_start3A_686, %dma_start3A_687] : memref<100000x128xf32, #tpu.memory_space<hbm>> -> memref<100000x128xf32, #tpu.memory_space<hbm>>
      tpu.enqueue_indirect_dma source(%dma_start3A_688 : memref<100000x128xf32, #tpu.memory_space<hbm>>) target(%dma_start3A_682 : memref<128x128xf32, #tpu.memory_space<vmem>>) offsets(%dma_start3A_685 : memref<128xi32, #tpu.memory_space<vmem>>) semaphore(%arg14 : memref<!tpu.dma_semaphore, #tpu.memory_space<semaphore_mem>>)
      %mul3A_689 = arith.constant 2 : i32
      %mul3A_690 = arith.muli %add3A_673, %mul3A_689 : i32
      %add3A_691 = arith.constant 1 : i32
      %add3A_692 = arith.addi %mul3A_690, %add3A_691 : i32
      %dma_start3A_693 = arith.constant 2 : i32
      %dma_start3A_694 = arith.constant 128 : i32
      %dma_start3A_695 = arith.constant 0 : i32
      %dma_start3A_696 = tpu.memref_slice %arg13[%dma_start3A_693, %dma_start3A_694, %dma_start3A_695] : memref<3x256x128xf32, #tpu.memory_space<vmem>> -> memref<1x128x128xf32, #tpu.memory_space<vmem>>
      %dma_start3A_697 = tpu.memref_squeeze %dma_start3A_696 : memref<1x128x128xf32, #tpu.memory_space<vmem>> -> memref<128x128xf32, #tpu.memory_space<vmem>>
      %dma_start3A_698 = arith.constant 0 : i32
      %dma_start3A_699 = tpu.memref_slice %arg11[%add3A_692, %dma_start3A_698] : memref<40x128xi32, #tpu.memory_space<vmem>> -> memref<1x128xi32, #tpu.memory_space<vmem>>
      %dma_start3A_700 = tpu.memref_squeeze %dma_start3A_699 : memref<1x128xi32, #tpu.memory_space<vmem>> -> memref<128xi32, #tpu.memory_space<vmem>>
      %dma_start3A_701 = arith.constant 0 : i32
      %dma_start3A_702 = arith.constant 0 : i32
      %dma_start3A_703 = tpu.memref_slice %arg6[%dma_start3A_701, %dma_start3A_702] : memref<100000x128xf32, #tpu.memory_space<hbm>> -> memref<100000x128xf32, #tpu.memory_space<hbm>>
      tpu.enqueue_indirect_dma source(%dma_start3A_703 : memref<100000x128xf32, #tpu.memory_space<hbm>>) target(%dma_start3A_697 : memref<128x128xf32, #tpu.memory_space<vmem>>) offsets(%dma_start3A_700 : memref<128xi32, #tpu.memory_space<vmem>>) semaphore(%arg14 : memref<!tpu.dma_semaphore, #tpu.memory_space<semaphore_mem>>)
      %mul3A_704 = arith.constant 3 : i32
      %mul3A_705 = arith.muli %scan3A_586, %mul3A_704 : i32
      %add3A_706 = arith.constant 0 : i32
      %add3A_707 = arith.addi %mul3A_705, %add3A_706 : i32
      %dma_wait3A_708 = arith.constant 0 : i32
      %dma_wait3A_709 = arith.constant 0 : i32
      %dma_wait3A_710 = arith.constant 0 : i32
      %dma_wait3A_711 = tpu.memref_slice %arg13[%dma_wait3A_708, %dma_wait3A_709, %dma_wait3A_710] : memref<3x256x128xf32, #tpu.memory_space<vmem>> -> memref<1x128x128xf32, #tpu.memory_space<vmem>>
      %dma_wait3A_712 = tpu.memref_squeeze %dma_wait3A_711 : memref<1x128x128xf32, #tpu.memory_space<vmem>> -> memref<128x128xf32, #tpu.memory_space<vmem>>
      %dma_wait3A_713 = arith.constant 0 : i32
      %dma_wait3A_714 = tpu.memref_slice %arg11[%add3A_599, %dma_wait3A_713] : memref<40x128xi32, #tpu.memory_space<vmem>> -> memref<1x128xi32, #tpu.memory_space<vmem>>
      %dma_wait3A_715 = tpu.memref_squeeze %dma_wait3A_714 : memref<1x128xi32, #tpu.memory_space<vmem>> -> memref<128xi32, #tpu.memory_space<vmem>>
      %dma_wait3A_716 = arith.constant 0 : i32
      %dma_wait3A_717 = arith.constant 0 : i32
      %dma_wait3A_718 = tpu.memref_slice %arg6[%dma_wait3A_716, %dma_wait3A_717] : memref<100000x128xf32, #tpu.memory_space<hbm>> -> memref<100000x128xf32, #tpu.memory_space<hbm>>
      tpu.wait_indirect_dma semaphore(%arg14 : memref<!tpu.dma_semaphore, #tpu.memory_space<semaphore_mem>>) src(%dma_wait3A_718 : memref<100000x128xf32, #tpu.memory_space<hbm>>) dst(%dma_wait3A_712 : memref<128x128xf32, #tpu.memory_space<vmem>>)
      %dma_wait3A_719 = arith.constant 0 : i32
      %dma_wait3A_720 = arith.constant 128 : i32
      %dma_wait3A_721 = arith.constant 0 : i32
      %dma_wait3A_722 = tpu.memref_slice %arg13[%dma_wait3A_719, %dma_wait3A_720, %dma_wait3A_721] : memref<3x256x128xf32, #tpu.memory_space<vmem>> -> memref<1x128x128xf32, #tpu.memory_space<vmem>>
      %dma_wait3A_723 = tpu.memref_squeeze %dma_wait3A_722 : memref<1x128x128xf32, #tpu.memory_space<vmem>> -> memref<128x128xf32, #tpu.memory_space<vmem>>
      %dma_wait3A_724 = arith.constant 0 : i32
      %dma_wait3A_725 = tpu.memref_slice %arg11[%add3A_614, %dma_wait3A_724] : memref<40x128xi32, #tpu.memory_space<vmem>> -> memref<1x128xi32, #tpu.memory_space<vmem>>
      %dma_wait3A_726 = tpu.memref_squeeze %dma_wait3A_725 : memref<1x128xi32, #tpu.memory_space<vmem>> -> memref<128xi32, #tpu.memory_space<vmem>>
      %dma_wait3A_727 = arith.constant 0 : i32
      %dma_wait3A_728 = arith.constant 0 : i32
      %dma_wait3A_729 = tpu.memref_slice %arg6[%dma_wait3A_727, %dma_wait3A_728] : memref<100000x128xf32, #tpu.memory_space<hbm>> -> memref<100000x128xf32, #tpu.memory_space<hbm>>
      tpu.wait_indirect_dma semaphore(%arg14 : memref<!tpu.dma_semaphore, #tpu.memory_space<semaphore_mem>>) src(%dma_wait3A_729 : memref<100000x128xf32, #tpu.memory_space<hbm>>) dst(%dma_wait3A_723 : memref<128x128xf32, #tpu.memory_space<vmem>>)
      %mul3A_730 = arith.constant 256 : i32
      %mul3A_731 = arith.muli %add3A_707, %mul3A_730 : i32
      %add3A_732 = arith.addi %mul3A_189, %mul3A_731 : i32
      %dma_start3A_733 = arith.constant 0 : i32
      %dma_start3A_734 = arith.constant 0 : i32
      %dma_start3A_735 = arith.constant 0 : i32
      %dma_start3A_736 = tpu.memref_slice %arg13[%dma_start3A_733, %dma_start3A_734, %dma_start3A_735] : memref<3x256x128xf32, #tpu.memory_space<vmem>> -> memref<1x256x128xf32, #tpu.memory_space<vmem>>
      %dma_start3A_737 = tpu.memref_squeeze %dma_start3A_736 : memref<1x256x128xf32, #tpu.memory_space<vmem>> -> memref<256x128xf32, #tpu.memory_space<vmem>>
      %dma_start3A_738 = arith.constant 0 : i32
      %dma_start3A_739 = tpu.memref_slice %arg8[%add3A_732, %dma_start3A_738] : memref<163840x128xf32, #tpu.memory_space<hbm>> -> memref<256x128xf32, #tpu.memory_space<hbm>>
      %dma_start3A_740 = arith.constant 0 : i32
      %dma_start3A_741 = tpu.memref_slice %arg8[%add3A_732, %dma_start3A_740] : memref<163840x128xf32, #tpu.memory_space<hbm>> -> memref<256x128xf32, #tpu.memory_space<hbm>>
      %dma_start3A_742 = arith.constant 0 : i32
      %dma_start3A_743 = arith.constant 0 : i32
      %dma_start3A_744 = tpu.memref_slice %arg13[%dma_start3A_733, %dma_start3A_742, %dma_start3A_743] : memref<3x256x128xf32, #tpu.memory_space<vmem>> -> memref<1x256x128xf32, #tpu.memory_space<vmem>>
      %dma_start3A_745 = tpu.memref_squeeze %dma_start3A_744 : memref<1x256x128xf32, #tpu.memory_space<vmem>> -> memref<256x128xf32, #tpu.memory_space<vmem>>
      tpu.enqueue_dma source(%dma_start3A_745 : memref<256x128xf32, #tpu.memory_space<vmem>>) target(%dma_start3A_741 : memref<256x128xf32, #tpu.memory_space<hbm>>) target_semaphore(%arg15 : memref<!tpu.dma_semaphore, #tpu.memory_space<semaphore_mem>>)
      %mul3A_746 = arith.constant 3 : i32
      %mul3A_747 = arith.muli %scan3A_586, %mul3A_746 : i32
      %add3A_748 = arith.constant 1 : i32
      %add3A_749 = arith.addi %mul3A_747, %add3A_748 : i32
      %dma_wait3A_750 = arith.constant 1 : i32
      %dma_wait3A_751 = arith.constant 0 : i32
      %dma_wait3A_752 = arith.constant 0 : i32
      %dma_wait3A_753 = tpu.memref_slice %arg13[%dma_wait3A_750, %dma_wait3A_751, %dma_wait3A_752] : memref<3x256x128xf32, #tpu.memory_space<vmem>> -> memref<1x128x128xf32, #tpu.memory_space<vmem>>
      %dma_wait3A_754 = tpu.memref_squeeze %dma_wait3A_753 : memref<1x128x128xf32, #tpu.memory_space<vmem>> -> memref<128x128xf32, #tpu.memory_space<vmem>>
      %dma_wait3A_755 = arith.constant 0 : i32
      %dma_wait3A_756 = tpu.memref_slice %arg11[%add3A_638, %dma_wait3A_755] : memref<40x128xi32, #tpu.memory_space<vmem>> -> memref<1x128xi32, #tpu.memory_space<vmem>>
      %dma_wait3A_757 = tpu.memref_squeeze %dma_wait3A_756 : memref<1x128xi32, #tpu.memory_space<vmem>> -> memref<128xi32, #tpu.memory_space<vmem>>
      %dma_wait3A_758 = arith.constant 0 : i32
      %dma_wait3A_759 = arith.constant 0 : i32
      %dma_wait3A_760 = tpu.memref_slice %arg6[%dma_wait3A_758, %dma_wait3A_759] : memref<100000x128xf32, #tpu.memory_space<hbm>> -> memref<100000x128xf32, #tpu.memory_space<hbm>>
      tpu.wait_indirect_dma semaphore(%arg14 : memref<!tpu.dma_semaphore, #tpu.memory_space<semaphore_mem>>) src(%dma_wait3A_760 : memref<100000x128xf32, #tpu.memory_space<hbm>>) dst(%dma_wait3A_754 : memref<128x128xf32, #tpu.memory_space<vmem>>)
      %dma_wait3A_761 = arith.constant 1 : i32
      %dma_wait3A_762 = arith.constant 128 : i32
      %dma_wait3A_763 = arith.constant 0 : i32
      %dma_wait3A_764 = tpu.memref_slice %arg13[%dma_wait3A_761, %dma_wait3A_762, %dma_wait3A_763] : memref<3x256x128xf32, #tpu.memory_space<vmem>> -> memref<1x128x128xf32, #tpu.memory_space<vmem>>
      %dma_wait3A_765 = tpu.memref_squeeze %dma_wait3A_764 : memref<1x128x128xf32, #tpu.memory_space<vmem>> -> memref<128x128xf32, #tpu.memory_space<vmem>>
      %dma_wait3A_766 = arith.constant 0 : i32
      %dma_wait3A_767 = tpu.memref_slice %arg11[%add3A_653, %dma_wait3A_766] : memref<40x128xi32, #tpu.memory_space<vmem>> -> memref<1x128xi32, #tpu.memory_space<vmem>>
      %dma_wait3A_768 = tpu.memref_squeeze %dma_wait3A_767 : memref<1x128xi32, #tpu.memory_space<vmem>> -> memref<128xi32, #tpu.memory_space<vmem>>
      %dma_wait3A_769 = arith.constant 0 : i32
      %dma_wait3A_770 = arith.constant 0 : i32
      %dma_wait3A_771 = tpu.memref_slice %arg6[%dma_wait3A_769, %dma_wait3A_770] : memref<100000x128xf32, #tpu.memory_space<hbm>> -> memref<100000x128xf32, #tpu.memory_space<hbm>>
      tpu.wait_indirect_dma semaphore(%arg14 : memref<!tpu.dma_semaphore, #tpu.memory_space<semaphore_mem>>) src(%dma_wait3A_771 : memref<100000x128xf32, #tpu.memory_space<hbm>>) dst(%dma_wait3A_765 : memref<128x128xf32, #tpu.memory_space<vmem>>)
      %mul3A_772 = arith.constant 256 : i32
      %mul3A_773 = arith.muli %add3A_749, %mul3A_772 : i32
      %add3A_774 = arith.addi %mul3A_189, %mul3A_773 : i32
      %dma_start3A_775 = arith.constant 1 : i32
      %dma_start3A_776 = arith.constant 0 : i32
      %dma_start3A_777 = arith.constant 0 : i32
      %dma_start3A_778 = tpu.memref_slice %arg13[%dma_start3A_775, %dma_start3A_776, %dma_start3A_777] : memref<3x256x128xf32, #tpu.memory_space<vmem>> -> memref<1x256x128xf32, #tpu.memory_space<vmem>>
      %dma_start3A_779 = tpu.memref_squeeze %dma_start3A_778 : memref<1x256x128xf32, #tpu.memory_space<vmem>> -> memref<256x128xf32, #tpu.memory_space<vmem>>
      %dma_start3A_780 = arith.constant 0 : i32
      %dma_start3A_781 = tpu.memref_slice %arg8[%add3A_774, %dma_start3A_780] : memref<163840x128xf32, #tpu.memory_space<hbm>> -> memref<256x128xf32, #tpu.memory_space<hbm>>
      %dma_start3A_782 = arith.constant 0 : i32
      %dma_start3A_783 = tpu.memref_slice %arg8[%add3A_774, %dma_start3A_782] : memref<163840x128xf32, #tpu.memory_space<hbm>> -> memref<256x128xf32, #tpu.memory_space<hbm>>
      %dma_start3A_784 = arith.constant 0 : i32
      %dma_start3A_785 = arith.constant 0 : i32
      %dma_start3A_786 = tpu.memref_slice %arg13[%dma_start3A_775, %dma_start3A_784, %dma_start3A_785] : memref<3x256x128xf32, #tpu.memory_space<vmem>> -> memref<1x256x128xf32, #tpu.memory_space<vmem>>
      %dma_start3A_787 = tpu.memref_squeeze %dma_start3A_786 : memref<1x256x128xf32, #tpu.memory_space<vmem>> -> memref<256x128xf32, #tpu.memory_space<vmem>>
      tpu.enqueue_dma source(%dma_start3A_787 : memref<256x128xf32, #tpu.memory_space<vmem>>) target(%dma_start3A_783 : memref<256x128xf32, #tpu.memory_space<hbm>>) target_semaphore(%arg16 : memref<!tpu.dma_semaphore, #tpu.memory_space<semaphore_mem>>)
      %mul3A_788 = arith.constant 3 : i32
      %mul3A_789 = arith.muli %scan3A_586, %mul3A_788 : i32
      %add3A_790 = arith.constant 2 : i32
      %add3A_791 = arith.addi %mul3A_789, %add3A_790 : i32
      %dma_wait3A_792 = arith.constant 2 : i32
      %dma_wait3A_793 = arith.constant 0 : i32
      %dma_wait3A_794 = arith.constant 0 : i32
      %dma_wait3A_795 = tpu.memref_slice %arg13[%dma_wait3A_792, %dma_wait3A_793, %dma_wait3A_794] : memref<3x256x128xf32, #tpu.memory_space<vmem>> -> memref<1x128x128xf32, #tpu.memory_space<vmem>>
      %dma_wait3A_796 = tpu.memref_squeeze %dma_wait3A_795 : memref<1x128x128xf32, #tpu.memory_space<vmem>> -> memref<128x128xf32, #tpu.memory_space<vmem>>
      %dma_wait3A_797 = arith.constant 0 : i32
      %dma_wait3A_798 = tpu.memref_slice %arg11[%add3A_677, %dma_wait3A_797] : memref<40x128xi32, #tpu.memory_space<vmem>> -> memref<1x128xi32, #tpu.memory_space<vmem>>
      %dma_wait3A_799 = tpu.memref_squeeze %dma_wait3A_798 : memref<1x128xi32, #tpu.memory_space<vmem>> -> memref<128xi32, #tpu.memory_space<vmem>>
      %dma_wait3A_800 = arith.constant 0 : i32
      %dma_wait3A_801 = arith.constant 0 : i32
      %dma_wait3A_802 = tpu.memref_slice %arg6[%dma_wait3A_800, %dma_wait3A_801] : memref<100000x128xf32, #tpu.memory_space<hbm>> -> memref<100000x128xf32, #tpu.memory_space<hbm>>
      tpu.wait_indirect_dma semaphore(%arg14 : memref<!tpu.dma_semaphore, #tpu.memory_space<semaphore_mem>>) src(%dma_wait3A_802 : memref<100000x128xf32, #tpu.memory_space<hbm>>) dst(%dma_wait3A_796 : memref<128x128xf32, #tpu.memory_space<vmem>>)
      %dma_wait3A_803 = arith.constant 2 : i32
      %dma_wait3A_804 = arith.constant 128 : i32
      %dma_wait3A_805 = arith.constant 0 : i32
      %dma_wait3A_806 = tpu.memref_slice %arg13[%dma_wait3A_803, %dma_wait3A_804, %dma_wait3A_805] : memref<3x256x128xf32, #tpu.memory_space<vmem>> -> memref<1x128x128xf32, #tpu.memory_space<vmem>>
      %dma_wait3A_807 = tpu.memref_squeeze %dma_wait3A_806 : memref<1x128x128xf32, #tpu.memory_space<vmem>> -> memref<128x128xf32, #tpu.memory_space<vmem>>
      %dma_wait3A_808 = arith.constant 0 : i32
      %dma_wait3A_809 = tpu.memref_slice %arg11[%add3A_692, %dma_wait3A_808] : memref<40x128xi32, #tpu.memory_space<vmem>> -> memref<1x128xi32, #tpu.memory_space<vmem>>
      %dma_wait3A_810 = tpu.memref_squeeze %dma_wait3A_809 : memref<1x128xi32, #tpu.memory_space<vmem>> -> memref<128xi32, #tpu.memory_space<vmem>>
      %dma_wait3A_811 = arith.constant 0 : i32
      %dma_wait3A_812 = arith.constant 0 : i32
      %dma_wait3A_813 = tpu.memref_slice %arg6[%dma_wait3A_811, %dma_wait3A_812] : memref<100000x128xf32, #tpu.memory_space<hbm>> -> memref<100000x128xf32, #tpu.memory_space<hbm>>
      tpu.wait_indirect_dma semaphore(%arg14 : memref<!tpu.dma_semaphore, #tpu.memory_space<semaphore_mem>>) src(%dma_wait3A_813 : memref<100000x128xf32, #tpu.memory_space<hbm>>) dst(%dma_wait3A_807 : memref<128x128xf32, #tpu.memory_space<vmem>>)
      %mul3A_814 = arith.constant 256 : i32
      %mul3A_815 = arith.muli %add3A_791, %mul3A_814 : i32
      %add3A_816 = arith.addi %mul3A_189, %mul3A_815 : i32
      %dma_start3A_817 = arith.constant 2 : i32
      %dma_start3A_818 = arith.constant 0 : i32
      %dma_start3A_819 = arith.constant 0 : i32
      %dma_start3A_820 = tpu.memref_slice %arg13[%dma_start3A_817, %dma_start3A_818, %dma_start3A_819] : memref<3x256x128xf32, #tpu.memory_space<vmem>> -> memref<1x256x128xf32, #tpu.memory_space<vmem>>
      %dma_start3A_821 = tpu.memref_squeeze %dma_start3A_820 : memref<1x256x128xf32, #tpu.memory_space<vmem>> -> memref<256x128xf32, #tpu.memory_space<vmem>>
      %dma_start3A_822 = arith.constant 0 : i32
      %dma_start3A_823 = tpu.memref_slice %arg8[%add3A_816, %dma_start3A_822] : memref<163840x128xf32, #tpu.memory_space<hbm>> -> memref<256x128xf32, #tpu.memory_space<hbm>>
      %dma_start3A_824 = arith.constant 0 : i32
      %dma_start3A_825 = tpu.memref_slice %arg8[%add3A_816, %dma_start3A_824] : memref<163840x128xf32, #tpu.memory_space<hbm>> -> memref<256x128xf32, #tpu.memory_space<hbm>>
      %dma_start3A_826 = arith.constant 0 : i32
      %dma_start3A_827 = arith.constant 0 : i32
      %dma_start3A_828 = tpu.memref_slice %arg13[%dma_start3A_817, %dma_start3A_826, %dma_start3A_827] : memref<3x256x128xf32, #tpu.memory_space<vmem>> -> memref<1x256x128xf32, #tpu.memory_space<vmem>>
      %dma_start3A_829 = tpu.memref_squeeze %dma_start3A_828 : memref<1x256x128xf32, #tpu.memory_space<vmem>> -> memref<256x128xf32, #tpu.memory_space<vmem>>
      tpu.enqueue_dma source(%dma_start3A_829 : memref<256x128xf32, #tpu.memory_space<vmem>>) target(%dma_start3A_825 : memref<256x128xf32, #tpu.memory_space<hbm>>) target_semaphore(%arg17 : memref<!tpu.dma_semaphore, #tpu.memory_space<semaphore_mem>>)
    }
    %scan3A_195 = arith.constant 6 : i32
    %dma_wait3A_196 = arith.constant 0 : i32
    %dma_wait3A_197 = arith.constant 0 : i32
    %dma_wait3A_198 = arith.constant 0 : i32
    %dma_wait3A_199 = tpu.memref_slice %arg13[%dma_wait3A_196, %dma_wait3A_197, %dma_wait3A_198] : memref<3x256x128xf32, #tpu.memory_space<vmem>> -> memref<1x256x128xf32, #tpu.memory_space<vmem>>
    %dma_wait3A_200 = tpu.memref_squeeze %dma_wait3A_199 : memref<1x256x128xf32, #tpu.memory_space<vmem>> -> memref<256x128xf32, #tpu.memory_space<vmem>>
    %dma_wait3A_201 = arith.constant 0 : i32
    %dma_wait3A_202 = tpu.memref_slice %arg8[%mul3A_189, %dma_wait3A_201] : memref<163840x128xf32, #tpu.memory_space<hbm>> -> memref<256x128xf32, #tpu.memory_space<hbm>>
    %dma_wait3A_203 = arith.constant 0 : i32
    %dma_wait3A_204 = tpu.memref_slice %arg8[%mul3A_189, %dma_wait3A_203] : memref<163840x128xf32, #tpu.memory_space<hbm>> -> memref<256x128xf32, #tpu.memory_space<hbm>>
    %dma_wait3A_205 = arith.constant 0 : i32
    %dma_wait3A_206 = arith.constant 0 : i32
    %dma_wait3A_207 = tpu.memref_slice %arg13[%dma_wait3A_196, %dma_wait3A_205, %dma_wait3A_206] : memref<3x256x128xf32, #tpu.memory_space<vmem>> -> memref<1x256x128xf32, #tpu.memory_space<vmem>>
    %dma_wait3A_208 = tpu.memref_squeeze %dma_wait3A_207 : memref<1x256x128xf32, #tpu.memory_space<vmem>> -> memref<256x128xf32, #tpu.memory_space<vmem>>
    tpu.wait_dma2 semaphore(%arg15 : memref<!tpu.dma_semaphore, #tpu.memory_space<semaphore_mem>>) src(%dma_wait3A_208 : memref<256x128xf32, #tpu.memory_space<vmem>>) dst(%dma_wait3A_204 : memref<256x128xf32, #tpu.memory_space<hbm>>)
    %dma_start3A_209 = arith.constant 36 : i32
    %dma_start3A_210 = arith.constant 0 : i32
    %dma_start3A_211 = arith.constant 0 : i32
    %dma_start3A_212 = arith.constant 0 : i32
    %dma_start3A_213 = tpu.memref_slice %arg13[%dma_start3A_210, %dma_start3A_211, %dma_start3A_212] : memref<3x256x128xf32, #tpu.memory_space<vmem>> -> memref<1x128x128xf32, #tpu.memory_space<vmem>>
    %dma_start3A_214 = tpu.memref_squeeze %dma_start3A_213 : memref<1x128x128xf32, #tpu.memory_space<vmem>> -> memref<128x128xf32, #tpu.memory_space<vmem>>
    %dma_start3A_215 = arith.constant 0 : i32
    %dma_start3A_216 = tpu.memref_slice %arg11[%dma_start3A_209, %dma_start3A_215] : memref<40x128xi32, #tpu.memory_space<vmem>> -> memref<1x128xi32, #tpu.memory_space<vmem>>
    %dma_start3A_217 = tpu.memref_squeeze %dma_start3A_216 : memref<1x128xi32, #tpu.memory_space<vmem>> -> memref<128xi32, #tpu.memory_space<vmem>>
    %dma_start3A_218 = arith.constant 0 : i32
    %dma_start3A_219 = arith.constant 0 : i32
    %dma_start3A_220 = tpu.memref_slice %arg6[%dma_start3A_218, %dma_start3A_219] : memref<100000x128xf32, #tpu.memory_space<hbm>> -> memref<100000x128xf32, #tpu.memory_space<hbm>>
    tpu.enqueue_indirect_dma source(%dma_start3A_220 : memref<100000x128xf32, #tpu.memory_space<hbm>>) target(%dma_start3A_214 : memref<128x128xf32, #tpu.memory_space<vmem>>) offsets(%dma_start3A_217 : memref<128xi32, #tpu.memory_space<vmem>>) semaphore(%arg14 : memref<!tpu.dma_semaphore, #tpu.memory_space<semaphore_mem>>)
    %dma_start3A_221 = arith.constant 37 : i32
    %dma_start3A_222 = arith.constant 0 : i32
    %dma_start3A_223 = arith.constant 128 : i32
    %dma_start3A_224 = arith.constant 0 : i32
    %dma_start3A_225 = tpu.memref_slice %arg13[%dma_start3A_222, %dma_start3A_223, %dma_start3A_224] : memref<3x256x128xf32, #tpu.memory_space<vmem>> -> memref<1x128x128xf32, #tpu.memory_space<vmem>>
    %dma_start3A_226 = tpu.memref_squeeze %dma_start3A_225 : memref<1x128x128xf32, #tpu.memory_space<vmem>> -> memref<128x128xf32, #tpu.memory_space<vmem>>
    %dma_start3A_227 = arith.constant 0 : i32
    %dma_start3A_228 = tpu.memref_slice %arg11[%dma_start3A_221, %dma_start3A_227] : memref<40x128xi32, #tpu.memory_space<vmem>> -> memref<1x128xi32, #tpu.memory_space<vmem>>
    %dma_start3A_229 = tpu.memref_squeeze %dma_start3A_228 : memref<1x128xi32, #tpu.memory_space<vmem>> -> memref<128xi32, #tpu.memory_space<vmem>>
    %dma_start3A_230 = arith.constant 0 : i32
    %dma_start3A_231 = arith.constant 0 : i32
    %dma_start3A_232 = tpu.memref_slice %arg6[%dma_start3A_230, %dma_start3A_231] : memref<100000x128xf32, #tpu.memory_space<hbm>> -> memref<100000x128xf32, #tpu.memory_space<hbm>>
    tpu.enqueue_indirect_dma source(%dma_start3A_232 : memref<100000x128xf32, #tpu.memory_space<hbm>>) target(%dma_start3A_226 : memref<128x128xf32, #tpu.memory_space<vmem>>) offsets(%dma_start3A_229 : memref<128xi32, #tpu.memory_space<vmem>>) semaphore(%arg14 : memref<!tpu.dma_semaphore, #tpu.memory_space<semaphore_mem>>)
    %dma_wait3A_233 = arith.constant 1 : i32
    %dma_wait3A_234 = arith.constant 0 : i32
    %dma_wait3A_235 = arith.constant 0 : i32
    %dma_wait3A_236 = tpu.memref_slice %arg13[%dma_wait3A_233, %dma_wait3A_234, %dma_wait3A_235] : memref<3x256x128xf32, #tpu.memory_space<vmem>> -> memref<1x256x128xf32, #tpu.memory_space<vmem>>
    %dma_wait3A_237 = tpu.memref_squeeze %dma_wait3A_236 : memref<1x256x128xf32, #tpu.memory_space<vmem>> -> memref<256x128xf32, #tpu.memory_space<vmem>>
    %dma_wait3A_238 = arith.constant 0 : i32
    %dma_wait3A_239 = tpu.memref_slice %arg8[%mul3A_189, %dma_wait3A_238] : memref<163840x128xf32, #tpu.memory_space<hbm>> -> memref<256x128xf32, #tpu.memory_space<hbm>>
    %dma_wait3A_240 = arith.constant 0 : i32
    %dma_wait3A_241 = tpu.memref_slice %arg8[%mul3A_189, %dma_wait3A_240] : memref<163840x128xf32, #tpu.memory_space<hbm>> -> memref<256x128xf32, #tpu.memory_space<hbm>>
    %dma_wait3A_242 = arith.constant 0 : i32
    %dma_wait3A_243 = arith.constant 0 : i32
    %dma_wait3A_244 = tpu.memref_slice %arg13[%dma_wait3A_233, %dma_wait3A_242, %dma_wait3A_243] : memref<3x256x128xf32, #tpu.memory_space<vmem>> -> memref<1x256x128xf32, #tpu.memory_space<vmem>>
    %dma_wait3A_245 = tpu.memref_squeeze %dma_wait3A_244 : memref<1x256x128xf32, #tpu.memory_space<vmem>> -> memref<256x128xf32, #tpu.memory_space<vmem>>
    tpu.wait_dma2 semaphore(%arg16 : memref<!tpu.dma_semaphore, #tpu.memory_space<semaphore_mem>>) src(%dma_wait3A_245 : memref<256x128xf32, #tpu.memory_space<vmem>>) dst(%dma_wait3A_241 : memref<256x128xf32, #tpu.memory_space<hbm>>)
    %dma_start3A_246 = arith.constant 38 : i32
    %dma_start3A_247 = arith.constant 1 : i32
    %dma_start3A_248 = arith.constant 0 : i32
    %dma_start3A_249 = arith.constant 0 : i32
    %dma_start3A_250 = tpu.memref_slice %arg13[%dma_start3A_247, %dma_start3A_248, %dma_start3A_249] : memref<3x256x128xf32, #tpu.memory_space<vmem>> -> memref<1x128x128xf32, #tpu.memory_space<vmem>>
    %dma_start3A_251 = tpu.memref_squeeze %dma_start3A_250 : memref<1x128x128xf32, #tpu.memory_space<vmem>> -> memref<128x128xf32, #tpu.memory_space<vmem>>
    %dma_start3A_252 = arith.constant 0 : i32
    %dma_start3A_253 = tpu.memref_slice %arg11[%dma_start3A_246, %dma_start3A_252] : memref<40x128xi32, #tpu.memory_space<vmem>> -> memref<1x128xi32, #tpu.memory_space<vmem>>
    %dma_start3A_254 = tpu.memref_squeeze %dma_start3A_253 : memref<1x128xi32, #tpu.memory_space<vmem>> -> memref<128xi32, #tpu.memory_space<vmem>>
    %dma_start3A_255 = arith.constant 0 : i32
    %dma_start3A_256 = arith.constant 0 : i32
    %dma_start3A_257 = tpu.memref_slice %arg6[%dma_start3A_255, %dma_start3A_256] : memref<100000x128xf32, #tpu.memory_space<hbm>> -> memref<100000x128xf32, #tpu.memory_space<hbm>>
    tpu.enqueue_indirect_dma source(%dma_start3A_257 : memref<100000x128xf32, #tpu.memory_space<hbm>>) target(%dma_start3A_251 : memref<128x128xf32, #tpu.memory_space<vmem>>) offsets(%dma_start3A_254 : memref<128xi32, #tpu.memory_space<vmem>>) semaphore(%arg14 : memref<!tpu.dma_semaphore, #tpu.memory_space<semaphore_mem>>)
    %dma_start3A_258 = arith.constant 39 : i32
    %dma_start3A_259 = arith.constant 1 : i32
    %dma_start3A_260 = arith.constant 128 : i32
    %dma_start3A_261 = arith.constant 0 : i32
    %dma_start3A_262 = tpu.memref_slice %arg13[%dma_start3A_259, %dma_start3A_260, %dma_start3A_261] : memref<3x256x128xf32, #tpu.memory_space<vmem>> -> memref<1x128x128xf32, #tpu.memory_space<vmem>>
    %dma_start3A_263 = tpu.memref_squeeze %dma_start3A_262 : memref<1x128x128xf32, #tpu.memory_space<vmem>> -> memref<128x128xf32, #tpu.memory_space<vmem>>
    %dma_start3A_264 = arith.constant 0 : i32
    %dma_start3A_265 = tpu.memref_slice %arg11[%dma_start3A_258, %dma_start3A_264] : memref<40x128xi32, #tpu.memory_space<vmem>> -> memref<1x128xi32, #tpu.memory_space<vmem>>
    %dma_start3A_266 = tpu.memref_squeeze %dma_start3A_265 : memref<1x128xi32, #tpu.memory_space<vmem>> -> memref<128xi32, #tpu.memory_space<vmem>>
    %dma_start3A_267 = arith.constant 0 : i32
    %dma_start3A_268 = arith.constant 0 : i32
    %dma_start3A_269 = tpu.memref_slice %arg6[%dma_start3A_267, %dma_start3A_268] : memref<100000x128xf32, #tpu.memory_space<hbm>> -> memref<100000x128xf32, #tpu.memory_space<hbm>>
    tpu.enqueue_indirect_dma source(%dma_start3A_269 : memref<100000x128xf32, #tpu.memory_space<hbm>>) target(%dma_start3A_263 : memref<128x128xf32, #tpu.memory_space<vmem>>) offsets(%dma_start3A_266 : memref<128xi32, #tpu.memory_space<vmem>>) semaphore(%arg14 : memref<!tpu.dma_semaphore, #tpu.memory_space<semaphore_mem>>)
    %dma_wait3A_270 = arith.constant 36 : i32
    %dma_wait3A_271 = arith.constant 0 : i32
    %dma_wait3A_272 = arith.constant 0 : i32
    %dma_wait3A_273 = arith.constant 0 : i32
    %dma_wait3A_274 = tpu.memref_slice %arg13[%dma_wait3A_271, %dma_wait3A_272, %dma_wait3A_273] : memref<3x256x128xf32, #tpu.memory_space<vmem>> -> memref<1x128x128xf32, #tpu.memory_space<vmem>>
    %dma_wait3A_275 = tpu.memref_squeeze %dma_wait3A_274 : memref<1x128x128xf32, #tpu.memory_space<vmem>> -> memref<128x128xf32, #tpu.memory_space<vmem>>
    %dma_wait3A_276 = arith.constant 0 : i32
    %dma_wait3A_277 = tpu.memref_slice %arg11[%dma_wait3A_270, %dma_wait3A_276] : memref<40x128xi32, #tpu.memory_space<vmem>> -> memref<1x128xi32, #tpu.memory_space<vmem>>
    %dma_wait3A_278 = tpu.memref_squeeze %dma_wait3A_277 : memref<1x128xi32, #tpu.memory_space<vmem>> -> memref<128xi32, #tpu.memory_space<vmem>>
    %dma_wait3A_279 = arith.constant 0 : i32
    %dma_wait3A_280 = arith.constant 0 : i32
    %dma_wait3A_281 = tpu.memref_slice %arg6[%dma_wait3A_279, %dma_wait3A_280] : memref<100000x128xf32, #tpu.memory_space<hbm>> -> memref<100000x128xf32, #tpu.memory_space<hbm>>
    tpu.wait_indirect_dma semaphore(%arg14 : memref<!tpu.dma_semaphore, #tpu.memory_space<semaphore_mem>>) src(%dma_wait3A_281 : memref<100000x128xf32, #tpu.memory_space<hbm>>) dst(%dma_wait3A_275 : memref<128x128xf32, #tpu.memory_space<vmem>>)
    %dma_wait3A_282 = arith.constant 37 : i32
    %dma_wait3A_283 = arith.constant 0 : i32
    %dma_wait3A_284 = arith.constant 128 : i32
    %dma_wait3A_285 = arith.constant 0 : i32
    %dma_wait3A_286 = tpu.memref_slice %arg13[%dma_wait3A_283, %dma_wait3A_284, %dma_wait3A_285] : memref<3x256x128xf32, #tpu.memory_space<vmem>> -> memref<1x128x128xf32, #tpu.memory_space<vmem>>
    %dma_wait3A_287 = tpu.memref_squeeze %dma_wait3A_286 : memref<1x128x128xf32, #tpu.memory_space<vmem>> -> memref<128x128xf32, #tpu.memory_space<vmem>>
    %dma_wait3A_288 = arith.constant 0 : i32
    %dma_wait3A_289 = tpu.memref_slice %arg11[%dma_wait3A_282, %dma_wait3A_288] : memref<40x128xi32, #tpu.memory_space<vmem>> -> memref<1x128xi32, #tpu.memory_space<vmem>>
    %dma_wait3A_290 = tpu.memref_squeeze %dma_wait3A_289 : memref<1x128xi32, #tpu.memory_space<vmem>> -> memref<128xi32, #tpu.memory_space<vmem>>
    %dma_wait3A_291 = arith.constant 0 : i32
    %dma_wait3A_292 = arith.constant 0 : i32
    %dma_wait3A_293 = tpu.memref_slice %arg6[%dma_wait3A_291, %dma_wait3A_292] : memref<100000x128xf32, #tpu.memory_space<hbm>> -> memref<100000x128xf32, #tpu.memory_space<hbm>>
    tpu.wait_indirect_dma semaphore(%arg14 : memref<!tpu.dma_semaphore, #tpu.memory_space<semaphore_mem>>) src(%dma_wait3A_293 : memref<100000x128xf32, #tpu.memory_space<hbm>>) dst(%dma_wait3A_287 : memref<128x128xf32, #tpu.memory_space<vmem>>)
    %add3A_294 = arith.constant 4608 : i32
    %add3A_295 = arith.addi %mul3A_189, %add3A_294 : i32
    %dma_start3A_296 = arith.constant 0 : i32
    %dma_start3A_297 = arith.constant 0 : i32
    %dma_start3A_298 = arith.constant 0 : i32
    %dma_start3A_299 = tpu.memref_slice %arg13[%dma_start3A_296, %dma_start3A_297, %dma_start3A_298] : memref<3x256x128xf32, #tpu.memory_space<vmem>> -> memref<1x256x128xf32, #tpu.memory_space<vmem>>
    %dma_start3A_300 = tpu.memref_squeeze %dma_start3A_299 : memref<1x256x128xf32, #tpu.memory_space<vmem>> -> memref<256x128xf32, #tpu.memory_space<vmem>>
    %dma_start3A_301 = arith.constant 0 : i32
    %dma_start3A_302 = tpu.memref_slice %arg8[%add3A_295, %dma_start3A_301] : memref<163840x128xf32, #tpu.memory_space<hbm>> -> memref<256x128xf32, #tpu.memory_space<hbm>>
    %dma_start3A_303 = arith.constant 0 : i32
    %dma_start3A_304 = tpu.memref_slice %arg8[%add3A_295, %dma_start3A_303] : memref<163840x128xf32, #tpu.memory_space<hbm>> -> memref<256x128xf32, #tpu.memory_space<hbm>>
    %dma_start3A_305 = arith.constant 0 : i32
    %dma_start3A_306 = arith.constant 0 : i32
    %dma_start3A_307 = tpu.memref_slice %arg13[%dma_start3A_296, %dma_start3A_305, %dma_start3A_306] : memref<3x256x128xf32, #tpu.memory_space<vmem>> -> memref<1x256x128xf32, #tpu.memory_space<vmem>>
    %dma_start3A_308 = tpu.memref_squeeze %dma_start3A_307 : memref<1x256x128xf32, #tpu.memory_space<vmem>> -> memref<256x128xf32, #tpu.memory_space<vmem>>
    tpu.enqueue_dma source(%dma_start3A_308 : memref<256x128xf32, #tpu.memory_space<vmem>>) target(%dma_start3A_304 : memref<256x128xf32, #tpu.memory_space<hbm>>) target_semaphore(%arg15 : memref<!tpu.dma_semaphore, #tpu.memory_space<semaphore_mem>>)
    %dma_wait3A_309 = arith.constant 38 : i32
    %dma_wait3A_310 = arith.constant 1 : i32
    %dma_wait3A_311 = arith.constant 0 : i32
    %dma_wait3A_312 = arith.constant 0 : i32
    %dma_wait3A_313 = tpu.memref_slice %arg13[%dma_wait3A_310, %dma_wait3A_311, %dma_wait3A_312] : memref<3x256x128xf32, #tpu.memory_space<vmem>> -> memref<1x128x128xf32, #tpu.memory_space<vmem>>
    %dma_wait3A_314 = tpu.memref_squeeze %dma_wait3A_313 : memref<1x128x128xf32, #tpu.memory_space<vmem>> -> memref<128x128xf32, #tpu.memory_space<vmem>>
    %dma_wait3A_315 = arith.constant 0 : i32
    %dma_wait3A_316 = tpu.memref_slice %arg11[%dma_wait3A_309, %dma_wait3A_315] : memref<40x128xi32, #tpu.memory_space<vmem>> -> memref<1x128xi32, #tpu.memory_space<vmem>>
    %dma_wait3A_317 = tpu.memref_squeeze %dma_wait3A_316 : memref<1x128xi32, #tpu.memory_space<vmem>> -> memref<128xi32, #tpu.memory_space<vmem>>
    %dma_wait3A_318 = arith.constant 0 : i32
    %dma_wait3A_319 = arith.constant 0 : i32
    %dma_wait3A_320 = tpu.memref_slice %arg6[%dma_wait3A_318, %dma_wait3A_319] : memref<100000x128xf32, #tpu.memory_space<hbm>> -> memref<100000x128xf32, #tpu.memory_space<hbm>>
    tpu.wait_indirect_dma semaphore(%arg14 : memref<!tpu.dma_semaphore, #tpu.memory_space<semaphore_mem>>) src(%dma_wait3A_320 : memref<100000x128xf32, #tpu.memory_space<hbm>>) dst(%dma_wait3A_314 : memref<128x128xf32, #tpu.memory_space<vmem>>)
    %dma_wait3A_321 = arith.constant 39 : i32
    %dma_wait3A_322 = arith.constant 1 : i32
    %dma_wait3A_323 = arith.constant 128 : i32
    %dma_wait3A_324 = arith.constant 0 : i32
    %dma_wait3A_325 = tpu.memref_slice %arg13[%dma_wait3A_322, %dma_wait3A_323, %dma_wait3A_324] : memref<3x256x128xf32, #tpu.memory_space<vmem>> -> memref<1x128x128xf32, #tpu.memory_space<vmem>>
    %dma_wait3A_326 = tpu.memref_squeeze %dma_wait3A_325 : memref<1x128x128xf32, #tpu.memory_space<vmem>> -> memref<128x128xf32, #tpu.memory_space<vmem>>
    %dma_wait3A_327 = arith.constant 0 : i32
    %dma_wait3A_328 = tpu.memref_slice %arg11[%dma_wait3A_321, %dma_wait3A_327] : memref<40x128xi32, #tpu.memory_space<vmem>> -> memref<1x128xi32, #tpu.memory_space<vmem>>
    %dma_wait3A_329 = tpu.memref_squeeze %dma_wait3A_328 : memref<1x128xi32, #tpu.memory_space<vmem>> -> memref<128xi32, #tpu.memory_space<vmem>>
    %dma_wait3A_330 = arith.constant 0 : i32
    %dma_wait3A_331 = arith.constant 0 : i32
    %dma_wait3A_332 = tpu.memref_slice %arg6[%dma_wait3A_330, %dma_wait3A_331] : memref<100000x128xf32, #tpu.memory_space<hbm>> -> memref<100000x128xf32, #tpu.memory_space<hbm>>
    tpu.wait_indirect_dma semaphore(%arg14 : memref<!tpu.dma_semaphore, #tpu.memory_space<semaphore_mem>>) src(%dma_wait3A_332 : memref<100000x128xf32, #tpu.memory_space<hbm>>) dst(%dma_wait3A_326 : memref<128x128xf32, #tpu.memory_space<vmem>>)
    %add3A_333 = arith.constant 4864 : i32
    %add3A_334 = arith.addi %mul3A_189, %add3A_333 : i32
    %dma_start3A_335 = arith.constant 1 : i32
    %dma_start3A_336 = arith.constant 0 : i32
    %dma_start3A_337 = arith.constant 0 : i32
    %dma_start3A_338 = tpu.memref_slice %arg13[%dma_start3A_335, %dma_start3A_336, %dma_start3A_337] : memref<3x256x128xf32, #tpu.memory_space<vmem>> -> memref<1x256x128xf32, #tpu.memory_space<vmem>>
    %dma_start3A_339 = tpu.memref_squeeze %dma_start3A_338 : memref<1x256x128xf32, #tpu.memory_space<vmem>> -> memref<256x128xf32, #tpu.memory_space<vmem>>
    %dma_start3A_340 = arith.constant 0 : i32
    %dma_start3A_341 = tpu.memref_slice %arg8[%add3A_334, %dma_start3A_340] : memref<163840x128xf32, #tpu.memory_space<hbm>> -> memref<256x128xf32, #tpu.memory_space<hbm>>
    %dma_start3A_342 = arith.constant 0 : i32
    %dma_start3A_343 = tpu.memref_slice %arg8[%add3A_334, %dma_start3A_342] : memref<163840x128xf32, #tpu.memory_space<hbm>> -> memref<256x128xf32, #tpu.memory_space<hbm>>
    %dma_start3A_344 = arith.constant 0 : i32
    %dma_start3A_345 = arith.constant 0 : i32
    %dma_start3A_346 = tpu.memref_slice %arg13[%dma_start3A_335, %dma_start3A_344, %dma_start3A_345] : memref<3x256x128xf32, #tpu.memory_space<vmem>> -> memref<1x256x128xf32, #tpu.memory_space<vmem>>
    %dma_start3A_347 = tpu.memref_squeeze %dma_start3A_346 : memref<1x256x128xf32, #tpu.memory_space<vmem>> -> memref<256x128xf32, #tpu.memory_space<vmem>>
    tpu.enqueue_dma source(%dma_start3A_347 : memref<256x128xf32, #tpu.memory_space<vmem>>) target(%dma_start3A_343 : memref<256x128xf32, #tpu.memory_space<hbm>>) target_semaphore(%arg16 : memref<!tpu.dma_semaphore, #tpu.memory_space<semaphore_mem>>)
    %dma_wait3A_348 = arith.constant 0 : i32
    %dma_wait3A_349 = arith.constant 0 : i32
    %dma_wait3A_350 = arith.constant 0 : i32
    %dma_wait3A_351 = tpu.memref_slice %arg13[%dma_wait3A_348, %dma_wait3A_349, %dma_wait3A_350] : memref<3x256x128xf32, #tpu.memory_space<vmem>> -> memref<1x256x128xf32, #tpu.memory_space<vmem>>
    %dma_wait3A_352 = tpu.memref_squeeze %dma_wait3A_351 : memref<1x256x128xf32, #tpu.memory_space<vmem>> -> memref<256x128xf32, #tpu.memory_space<vmem>>
    %dma_wait3A_353 = arith.constant 0 : i32
    %dma_wait3A_354 = tpu.memref_slice %arg8[%mul3A_189, %dma_wait3A_353] : memref<163840x128xf32, #tpu.memory_space<hbm>> -> memref<256x128xf32, #tpu.memory_space<hbm>>
    %dma_wait3A_355 = arith.constant 0 : i32
    %dma_wait3A_356 = tpu.memref_slice %arg8[%mul3A_189, %dma_wait3A_355] : memref<163840x128xf32, #tpu.memory_space<hbm>> -> memref<256x128xf32, #tpu.memory_space<hbm>>
    %dma_wait3A_357 = arith.constant 0 : i32
    %dma_wait3A_358 = arith.constant 0 : i32
    %dma_wait3A_359 = tpu.memref_slice %arg13[%dma_wait3A_348, %dma_wait3A_357, %dma_wait3A_358] : memref<3x256x128xf32, #tpu.memory_space<vmem>> -> memref<1x256x128xf32, #tpu.memory_space<vmem>>
    %dma_wait3A_360 = tpu.memref_squeeze %dma_wait3A_359 : memref<1x256x128xf32, #tpu.memory_space<vmem>> -> memref<256x128xf32, #tpu.memory_space<vmem>>
    tpu.wait_dma2 semaphore(%arg15 : memref<!tpu.dma_semaphore, #tpu.memory_space<semaphore_mem>>) src(%dma_wait3A_360 : memref<256x128xf32, #tpu.memory_space<vmem>>) dst(%dma_wait3A_356 : memref<256x128xf32, #tpu.memory_space<hbm>>)
    %dma_wait3A_361 = arith.constant 1 : i32
    %dma_wait3A_362 = arith.constant 0 : i32
    %dma_wait3A_363 = arith.constant 0 : i32
    %dma_wait3A_364 = tpu.memref_slice %arg13[%dma_wait3A_361, %dma_wait3A_362, %dma_wait3A_363] : memref<3x256x128xf32, #tpu.memory_space<vmem>> -> memref<1x256x128xf32, #tpu.memory_space<vmem>>
    %dma_wait3A_365 = tpu.memref_squeeze %dma_wait3A_364 : memref<1x256x128xf32, #tpu.memory_space<vmem>> -> memref<256x128xf32, #tpu.memory_space<vmem>>
    %dma_wait3A_366 = arith.constant 0 : i32
    %dma_wait3A_367 = tpu.memref_slice %arg8[%mul3A_189, %dma_wait3A_366] : memref<163840x128xf32, #tpu.memory_space<hbm>> -> memref<256x128xf32, #tpu.memory_space<hbm>>
    %dma_wait3A_368 = arith.constant 0 : i32
    %dma_wait3A_369 = tpu.memref_slice %arg8[%mul3A_189, %dma_wait3A_368] : memref<163840x128xf32, #tpu.memory_space<hbm>> -> memref<256x128xf32, #tpu.memory_space<hbm>>
    %dma_wait3A_370 = arith.constant 0 : i32
    %dma_wait3A_371 = arith.constant 0 : i32
    %dma_wait3A_372 = tpu.memref_slice %arg13[%dma_wait3A_361, %dma_wait3A_370, %dma_wait3A_371] : memref<3x256x128xf32, #tpu.memory_space<vmem>> -> memref<1x256x128xf32, #tpu.memory_space<vmem>>
    %dma_wait3A_373 = tpu.memref_squeeze %dma_wait3A_372 : memref<1x256x128xf32, #tpu.memory_space<vmem>> -> memref<256x128xf32, #tpu.memory_space<vmem>>
    tpu.wait_dma2 semaphore(%arg16 : memref<!tpu.dma_semaphore, #tpu.memory_space<semaphore_mem>>) src(%dma_wait3A_373 : memref<256x128xf32, #tpu.memory_space<vmem>>) dst(%dma_wait3A_369 : memref<256x128xf32, #tpu.memory_space<hbm>>)
    %dma_wait3A_374 = arith.constant 2 : i32
    %dma_wait3A_375 = arith.constant 0 : i32
    %dma_wait3A_376 = arith.constant 0 : i32
    %dma_wait3A_377 = tpu.memref_slice %arg13[%dma_wait3A_374, %dma_wait3A_375, %dma_wait3A_376] : memref<3x256x128xf32, #tpu.memory_space<vmem>> -> memref<1x256x128xf32, #tpu.memory_space<vmem>>
    %dma_wait3A_378 = tpu.memref_squeeze %dma_wait3A_377 : memref<1x256x128xf32, #tpu.memory_space<vmem>> -> memref<256x128xf32, #tpu.memory_space<vmem>>
    %dma_wait3A_379 = arith.constant 0 : i32
    %dma_wait3A_380 = tpu.memref_slice %arg8[%mul3A_189, %dma_wait3A_379] : memref<163840x128xf32, #tpu.memory_space<hbm>> -> memref<256x128xf32, #tpu.memory_space<hbm>>
    %dma_wait3A_381 = arith.constant 0 : i32
    %dma_wait3A_382 = tpu.memref_slice %arg8[%mul3A_189, %dma_wait3A_381] : memref<163840x128xf32, #tpu.memory_space<hbm>> -> memref<256x128xf32, #tpu.memory_space<hbm>>
    %dma_wait3A_383 = arith.constant 0 : i32
    %dma_wait3A_384 = arith.constant 0 : i32
    %dma_wait3A_385 = tpu.memref_slice %arg13[%dma_wait3A_374, %dma_wait3A_383, %dma_wait3A_384] : memref<3x256x128xf32, #tpu.memory_space<vmem>> -> memref<1x256x128xf32, #tpu.memory_space<vmem>>
    %dma_wait3A_386 = tpu.memref_squeeze %dma_wait3A_385 : memref<1x256x128xf32, #tpu.memory_space<vmem>> -> memref<256x128xf32, #tpu.memory_space<vmem>>
    tpu.wait_dma2 semaphore(%arg17 : memref<!tpu.dma_semaphore, #tpu.memory_space<semaphore_mem>>) src(%dma_wait3A_386 : memref<256x128xf32, #tpu.memory_space<vmem>>) dst(%dma_wait3A_382 : memref<256x128xf32, #tpu.memory_space<hbm>>)
    %mul3A_387 = arith.constant 5120 : i32
    %mul3A_388 = arith.muli %add3A, %mul3A_387 : i32
    %scan3A_389 = arith.constant 0 : i32
    %scan3A_390 = arith.constant 0 : i32
    %scan3A_391 = arith.constant 6 : i32
    %scan3A_392 = arith.addi %scan3A_390, %scan3A_391 : i32
    %scan3A_393 = arith.constant 1 : i32
    scf.for %scan3A_586 = %scan3A_390 to %scan3A_392 step %scan3A_393  : i32 {
      %gt3A_587 = arith.constant 0 : i32
      %gt3A_588 = arith.cmpi sgt, %scan3A_586, %gt3A_587 : i32
      %convert_element_type3A_589 = arith.extui %gt3A_588 : i1 to i32
      %cond3A_590 = arith.constant 0 : i32
      %cond3A_591 = arith.cmpi ne, %convert_element_type3A_589, %cond3A_590 : i32
      scf.if %cond3A_591 {
        %dma_wait3A_830 = arith.constant 0 : i32
        %dma_wait3A_831 = arith.constant 0 : i32
        %dma_wait3A_832 = arith.constant 0 : i32
        %dma_wait3A_833 = tpu.memref_slice %arg13[%dma_wait3A_830, %dma_wait3A_831, %dma_wait3A_832] : memref<3x256x128xf32, #tpu.memory_space<vmem>> -> memref<1x256x128xf32, #tpu.memory_space<vmem>>
        %dma_wait3A_834 = tpu.memref_squeeze %dma_wait3A_833 : memref<1x256x128xf32, #tpu.memory_space<vmem>> -> memref<256x128xf32, #tpu.memory_space<vmem>>
        %dma_wait3A_835 = arith.constant 0 : i32
        %dma_wait3A_836 = tpu.memref_slice %arg9[%mul3A_388, %dma_wait3A_835] : memref<163840x128xf32, #tpu.memory_space<hbm>> -> memref<256x128xf32, #tpu.memory_space<hbm>>
        %dma_wait3A_837 = arith.constant 0 : i32
        %dma_wait3A_838 = tpu.memref_slice %arg9[%mul3A_388, %dma_wait3A_837] : memref<163840x128xf32, #tpu.memory_space<hbm>> -> memref<256x128xf32, #tpu.memory_space<hbm>>
        %dma_wait3A_839 = arith.constant 0 : i32
        %dma_wait3A_840 = arith.constant 0 : i32
        %dma_wait3A_841 = tpu.memref_slice %arg13[%dma_wait3A_830, %dma_wait3A_839, %dma_wait3A_840] : memref<3x256x128xf32, #tpu.memory_space<vmem>> -> memref<1x256x128xf32, #tpu.memory_space<vmem>>
        %dma_wait3A_842 = tpu.memref_squeeze %dma_wait3A_841 : memref<1x256x128xf32, #tpu.memory_space<vmem>> -> memref<256x128xf32, #tpu.memory_space<vmem>>
        tpu.wait_dma2 semaphore(%arg15 : memref<!tpu.dma_semaphore, #tpu.memory_space<semaphore_mem>>) src(%dma_wait3A_842 : memref<256x128xf32, #tpu.memory_space<vmem>>) dst(%dma_wait3A_838 : memref<256x128xf32, #tpu.memory_space<hbm>>)
      } else {
      }
      %mul3A_592 = arith.constant 3 : i32
      %mul3A_593 = arith.muli %scan3A_586, %mul3A_592 : i32
      %add3A_594 = arith.constant 0 : i32
      %add3A_595 = arith.addi %mul3A_593, %add3A_594 : i32
      %mul3A_596 = arith.constant 2 : i32
      %mul3A_597 = arith.muli %add3A_595, %mul3A_596 : i32
      %add3A_598 = arith.constant 0 : i32
      %add3A_599 = arith.addi %mul3A_597, %add3A_598 : i32
      %dma_start3A_600 = arith.constant 0 : i32
      %dma_start3A_601 = arith.constant 0 : i32
      %dma_start3A_602 = arith.constant 0 : i32
      %dma_start3A_603 = tpu.memref_slice %arg13[%dma_start3A_600, %dma_start3A_601, %dma_start3A_602] : memref<3x256x128xf32, #tpu.memory_space<vmem>> -> memref<1x128x128xf32, #tpu.memory_space<vmem>>
      %dma_start3A_604 = tpu.memref_squeeze %dma_start3A_603 : memref<1x128x128xf32, #tpu.memory_space<vmem>> -> memref<128x128xf32, #tpu.memory_space<vmem>>
      %dma_start3A_605 = arith.constant 0 : i32
      %dma_start3A_606 = tpu.memref_slice %arg12[%add3A_599, %dma_start3A_605] : memref<40x128xi32, #tpu.memory_space<vmem>> -> memref<1x128xi32, #tpu.memory_space<vmem>>
      %dma_start3A_607 = tpu.memref_squeeze %dma_start3A_606 : memref<1x128xi32, #tpu.memory_space<vmem>> -> memref<128xi32, #tpu.memory_space<vmem>>
      %dma_start3A_608 = arith.constant 0 : i32
      %dma_start3A_609 = arith.constant 0 : i32
      %dma_start3A_610 = tpu.memref_slice %arg6[%dma_start3A_608, %dma_start3A_609] : memref<100000x128xf32, #tpu.memory_space<hbm>> -> memref<100000x128xf32, #tpu.memory_space<hbm>>
      tpu.enqueue_indirect_dma source(%dma_start3A_610 : memref<100000x128xf32, #tpu.memory_space<hbm>>) target(%dma_start3A_604 : memref<128x128xf32, #tpu.memory_space<vmem>>) offsets(%dma_start3A_607 : memref<128xi32, #tpu.memory_space<vmem>>) semaphore(%arg14 : memref<!tpu.dma_semaphore, #tpu.memory_space<semaphore_mem>>)
      %mul3A_611 = arith.constant 2 : i32
      %mul3A_612 = arith.muli %add3A_595, %mul3A_611 : i32
      %add3A_613 = arith.constant 1 : i32
      %add3A_614 = arith.addi %mul3A_612, %add3A_613 : i32
      %dma_start3A_615 = arith.constant 0 : i32
      %dma_start3A_616 = arith.constant 128 : i32
      %dma_start3A_617 = arith.constant 0 : i32
      %dma_start3A_618 = tpu.memref_slice %arg13[%dma_start3A_615, %dma_start3A_616, %dma_start3A_617] : memref<3x256x128xf32, #tpu.memory_space<vmem>> -> memref<1x128x128xf32, #tpu.memory_space<vmem>>
      %dma_start3A_619 = tpu.memref_squeeze %dma_start3A_618 : memref<1x128x128xf32, #tpu.memory_space<vmem>> -> memref<128x128xf32, #tpu.memory_space<vmem>>
      %dma_start3A_620 = arith.constant 0 : i32
      %dma_start3A_621 = tpu.memref_slice %arg12[%add3A_614, %dma_start3A_620] : memref<40x128xi32, #tpu.memory_space<vmem>> -> memref<1x128xi32, #tpu.memory_space<vmem>>
      %dma_start3A_622 = tpu.memref_squeeze %dma_start3A_621 : memref<1x128xi32, #tpu.memory_space<vmem>> -> memref<128xi32, #tpu.memory_space<vmem>>
      %dma_start3A_623 = arith.constant 0 : i32
      %dma_start3A_624 = arith.constant 0 : i32
      %dma_start3A_625 = tpu.memref_slice %arg6[%dma_start3A_623, %dma_start3A_624] : memref<100000x128xf32, #tpu.memory_space<hbm>> -> memref<100000x128xf32, #tpu.memory_space<hbm>>
      tpu.enqueue_indirect_dma source(%dma_start3A_625 : memref<100000x128xf32, #tpu.memory_space<hbm>>) target(%dma_start3A_619 : memref<128x128xf32, #tpu.memory_space<vmem>>) offsets(%dma_start3A_622 : memref<128xi32, #tpu.memory_space<vmem>>) semaphore(%arg14 : memref<!tpu.dma_semaphore, #tpu.memory_space<semaphore_mem>>)
      %gt3A_626 = arith.constant 0 : i32
      %gt3A_627 = arith.cmpi sgt, %scan3A_586, %gt3A_626 : i32
      %convert_element_type3A_628 = arith.extui %gt3A_627 : i1 to i32
      %cond3A_629 = arith.constant 0 : i32
      %cond3A_630 = arith.cmpi ne, %convert_element_type3A_628, %cond3A_629 : i32
      scf.if %cond3A_630 {
        %dma_wait3A_830 = arith.constant 1 : i32
        %dma_wait3A_831 = arith.constant 0 : i32
        %dma_wait3A_832 = arith.constant 0 : i32
        %dma_wait3A_833 = tpu.memref_slice %arg13[%dma_wait3A_830, %dma_wait3A_831, %dma_wait3A_832] : memref<3x256x128xf32, #tpu.memory_space<vmem>> -> memref<1x256x128xf32, #tpu.memory_space<vmem>>
        %dma_wait3A_834 = tpu.memref_squeeze %dma_wait3A_833 : memref<1x256x128xf32, #tpu.memory_space<vmem>> -> memref<256x128xf32, #tpu.memory_space<vmem>>
        %dma_wait3A_835 = arith.constant 0 : i32
        %dma_wait3A_836 = tpu.memref_slice %arg9[%mul3A_388, %dma_wait3A_835] : memref<163840x128xf32, #tpu.memory_space<hbm>> -> memref<256x128xf32, #tpu.memory_space<hbm>>
        %dma_wait3A_837 = arith.constant 0 : i32
        %dma_wait3A_838 = tpu.memref_slice %arg9[%mul3A_388, %dma_wait3A_837] : memref<163840x128xf32, #tpu.memory_space<hbm>> -> memref<256x128xf32, #tpu.memory_space<hbm>>
        %dma_wait3A_839 = arith.constant 0 : i32
        %dma_wait3A_840 = arith.constant 0 : i32
        %dma_wait3A_841 = tpu.memref_slice %arg13[%dma_wait3A_830, %dma_wait3A_839, %dma_wait3A_840] : memref<3x256x128xf32, #tpu.memory_space<vmem>> -> memref<1x256x128xf32, #tpu.memory_space<vmem>>
        %dma_wait3A_842 = tpu.memref_squeeze %dma_wait3A_841 : memref<1x256x128xf32, #tpu.memory_space<vmem>> -> memref<256x128xf32, #tpu.memory_space<vmem>>
        tpu.wait_dma2 semaphore(%arg16 : memref<!tpu.dma_semaphore, #tpu.memory_space<semaphore_mem>>) src(%dma_wait3A_842 : memref<256x128xf32, #tpu.memory_space<vmem>>) dst(%dma_wait3A_838 : memref<256x128xf32, #tpu.memory_space<hbm>>)
      } else {
      }
      %mul3A_631 = arith.constant 3 : i32
      %mul3A_632 = arith.muli %scan3A_586, %mul3A_631 : i32
      %add3A_633 = arith.constant 1 : i32
      %add3A_634 = arith.addi %mul3A_632, %add3A_633 : i32
      %mul3A_635 = arith.constant 2 : i32
      %mul3A_636 = arith.muli %add3A_634, %mul3A_635 : i32
      %add3A_637 = arith.constant 0 : i32
      %add3A_638 = arith.addi %mul3A_636, %add3A_637 : i32
      %dma_start3A_639 = arith.constant 1 : i32
      %dma_start3A_640 = arith.constant 0 : i32
      %dma_start3A_641 = arith.constant 0 : i32
      %dma_start3A_642 = tpu.memref_slice %arg13[%dma_start3A_639, %dma_start3A_640, %dma_start3A_641] : memref<3x256x128xf32, #tpu.memory_space<vmem>> -> memref<1x128x128xf32, #tpu.memory_space<vmem>>
      %dma_start3A_643 = tpu.memref_squeeze %dma_start3A_642 : memref<1x128x128xf32, #tpu.memory_space<vmem>> -> memref<128x128xf32, #tpu.memory_space<vmem>>
      %dma_start3A_644 = arith.constant 0 : i32
      %dma_start3A_645 = tpu.memref_slice %arg12[%add3A_638, %dma_start3A_644] : memref<40x128xi32, #tpu.memory_space<vmem>> -> memref<1x128xi32, #tpu.memory_space<vmem>>
      %dma_start3A_646 = tpu.memref_squeeze %dma_start3A_645 : memref<1x128xi32, #tpu.memory_space<vmem>> -> memref<128xi32, #tpu.memory_space<vmem>>
      %dma_start3A_647 = arith.constant 0 : i32
      %dma_start3A_648 = arith.constant 0 : i32
      %dma_start3A_649 = tpu.memref_slice %arg6[%dma_start3A_647, %dma_start3A_648] : memref<100000x128xf32, #tpu.memory_space<hbm>> -> memref<100000x128xf32, #tpu.memory_space<hbm>>
      tpu.enqueue_indirect_dma source(%dma_start3A_649 : memref<100000x128xf32, #tpu.memory_space<hbm>>) target(%dma_start3A_643 : memref<128x128xf32, #tpu.memory_space<vmem>>) offsets(%dma_start3A_646 : memref<128xi32, #tpu.memory_space<vmem>>) semaphore(%arg14 : memref<!tpu.dma_semaphore, #tpu.memory_space<semaphore_mem>>)
      %mul3A_650 = arith.constant 2 : i32
      %mul3A_651 = arith.muli %add3A_634, %mul3A_650 : i32
      %add3A_652 = arith.constant 1 : i32
      %add3A_653 = arith.addi %mul3A_651, %add3A_652 : i32
      %dma_start3A_654 = arith.constant 1 : i32
      %dma_start3A_655 = arith.constant 128 : i32
      %dma_start3A_656 = arith.constant 0 : i32
      %dma_start3A_657 = tpu.memref_slice %arg13[%dma_start3A_654, %dma_start3A_655, %dma_start3A_656] : memref<3x256x128xf32, #tpu.memory_space<vmem>> -> memref<1x128x128xf32, #tpu.memory_space<vmem>>
      %dma_start3A_658 = tpu.memref_squeeze %dma_start3A_657 : memref<1x128x128xf32, #tpu.memory_space<vmem>> -> memref<128x128xf32, #tpu.memory_space<vmem>>
      %dma_start3A_659 = arith.constant 0 : i32
      %dma_start3A_660 = tpu.memref_slice %arg12[%add3A_653, %dma_start3A_659] : memref<40x128xi32, #tpu.memory_space<vmem>> -> memref<1x128xi32, #tpu.memory_space<vmem>>
      %dma_start3A_661 = tpu.memref_squeeze %dma_start3A_660 : memref<1x128xi32, #tpu.memory_space<vmem>> -> memref<128xi32, #tpu.memory_space<vmem>>
      %dma_start3A_662 = arith.constant 0 : i32
      %dma_start3A_663 = arith.constant 0 : i32
      %dma_start3A_664 = tpu.memref_slice %arg6[%dma_start3A_662, %dma_start3A_663] : memref<100000x128xf32, #tpu.memory_space<hbm>> -> memref<100000x128xf32, #tpu.memory_space<hbm>>
      tpu.enqueue_indirect_dma source(%dma_start3A_664 : memref<100000x128xf32, #tpu.memory_space<hbm>>) target(%dma_start3A_658 : memref<128x128xf32, #tpu.memory_space<vmem>>) offsets(%dma_start3A_661 : memref<128xi32, #tpu.memory_space<vmem>>) semaphore(%arg14 : memref<!tpu.dma_semaphore, #tpu.memory_space<semaphore_mem>>)
      %gt3A_665 = arith.constant 0 : i32
      %gt3A_666 = arith.cmpi sgt, %scan3A_586, %gt3A_665 : i32
      %convert_element_type3A_667 = arith.extui %gt3A_666 : i1 to i32
      %cond3A_668 = arith.constant 0 : i32
      %cond3A_669 = arith.cmpi ne, %convert_element_type3A_667, %cond3A_668 : i32
      scf.if %cond3A_669 {
        %dma_wait3A_830 = arith.constant 2 : i32
        %dma_wait3A_831 = arith.constant 0 : i32
        %dma_wait3A_832 = arith.constant 0 : i32
        %dma_wait3A_833 = tpu.memref_slice %arg13[%dma_wait3A_830, %dma_wait3A_831, %dma_wait3A_832] : memref<3x256x128xf32, #tpu.memory_space<vmem>> -> memref<1x256x128xf32, #tpu.memory_space<vmem>>
        %dma_wait3A_834 = tpu.memref_squeeze %dma_wait3A_833 : memref<1x256x128xf32, #tpu.memory_space<vmem>> -> memref<256x128xf32, #tpu.memory_space<vmem>>
        %dma_wait3A_835 = arith.constant 0 : i32
        %dma_wait3A_836 = tpu.memref_slice %arg9[%mul3A_388, %dma_wait3A_835] : memref<163840x128xf32, #tpu.memory_space<hbm>> -> memref<256x128xf32, #tpu.memory_space<hbm>>
        %dma_wait3A_837 = arith.constant 0 : i32
        %dma_wait3A_838 = tpu.memref_slice %arg9[%mul3A_388, %dma_wait3A_837] : memref<163840x128xf32, #tpu.memory_space<hbm>> -> memref<256x128xf32, #tpu.memory_space<hbm>>
        %dma_wait3A_839 = arith.constant 0 : i32
        %dma_wait3A_840 = arith.constant 0 : i32
        %dma_wait3A_841 = tpu.memref_slice %arg13[%dma_wait3A_830, %dma_wait3A_839, %dma_wait3A_840] : memref<3x256x128xf32, #tpu.memory_space<vmem>> -> memref<1x256x128xf32, #tpu.memory_space<vmem>>
        %dma_wait3A_842 = tpu.memref_squeeze %dma_wait3A_841 : memref<1x256x128xf32, #tpu.memory_space<vmem>> -> memref<256x128xf32, #tpu.memory_space<vmem>>
        tpu.wait_dma2 semaphore(%arg17 : memref<!tpu.dma_semaphore, #tpu.memory_space<semaphore_mem>>) src(%dma_wait3A_842 : memref<256x128xf32, #tpu.memory_space<vmem>>) dst(%dma_wait3A_838 : memref<256x128xf32, #tpu.memory_space<hbm>>)
      } else {
      }
      %mul3A_670 = arith.constant 3 : i32
      %mul3A_671 = arith.muli %scan3A_586, %mul3A_670 : i32
      %add3A_672 = arith.constant 2 : i32
      %add3A_673 = arith.addi %mul3A_671, %add3A_672 : i32
      %mul3A_674 = arith.constant 2 : i32
      %mul3A_675 = arith.muli %add3A_673, %mul3A_674 : i32
      %add3A_676 = arith.constant 0 : i32
      %add3A_677 = arith.addi %mul3A_675, %add3A_676 : i32
      %dma_start3A_678 = arith.constant 2 : i32
      %dma_start3A_679 = arith.constant 0 : i32
      %dma_start3A_680 = arith.constant 0 : i32
      %dma_start3A_681 = tpu.memref_slice %arg13[%dma_start3A_678, %dma_start3A_679, %dma_start3A_680] : memref<3x256x128xf32, #tpu.memory_space<vmem>> -> memref<1x128x128xf32, #tpu.memory_space<vmem>>
      %dma_start3A_682 = tpu.memref_squeeze %dma_start3A_681 : memref<1x128x128xf32, #tpu.memory_space<vmem>> -> memref<128x128xf32, #tpu.memory_space<vmem>>
      %dma_start3A_683 = arith.constant 0 : i32
      %dma_start3A_684 = tpu.memref_slice %arg12[%add3A_677, %dma_start3A_683] : memref<40x128xi32, #tpu.memory_space<vmem>> -> memref<1x128xi32, #tpu.memory_space<vmem>>
      %dma_start3A_685 = tpu.memref_squeeze %dma_start3A_684 : memref<1x128xi32, #tpu.memory_space<vmem>> -> memref<128xi32, #tpu.memory_space<vmem>>
      %dma_start3A_686 = arith.constant 0 : i32
      %dma_start3A_687 = arith.constant 0 : i32
      %dma_start3A_688 = tpu.memref_slice %arg6[%dma_start3A_686, %dma_start3A_687] : memref<100000x128xf32, #tpu.memory_space<hbm>> -> memref<100000x128xf32, #tpu.memory_space<hbm>>
      tpu.enqueue_indirect_dma source(%dma_start3A_688 : memref<100000x128xf32, #tpu.memory_space<hbm>>) target(%dma_start3A_682 : memref<128x128xf32, #tpu.memory_space<vmem>>) offsets(%dma_start3A_685 : memref<128xi32, #tpu.memory_space<vmem>>) semaphore(%arg14 : memref<!tpu.dma_semaphore, #tpu.memory_space<semaphore_mem>>)
      %mul3A_689 = arith.constant 2 : i32
      %mul3A_690 = arith.muli %add3A_673, %mul3A_689 : i32
      %add3A_691 = arith.constant 1 : i32
      %add3A_692 = arith.addi %mul3A_690, %add3A_691 : i32
      %dma_start3A_693 = arith.constant 2 : i32
      %dma_start3A_694 = arith.constant 128 : i32
      %dma_start3A_695 = arith.constant 0 : i32
      %dma_start3A_696 = tpu.memref_slice %arg13[%dma_start3A_693, %dma_start3A_694, %dma_start3A_695] : memref<3x256x128xf32, #tpu.memory_space<vmem>> -> memref<1x128x128xf32, #tpu.memory_space<vmem>>
      %dma_start3A_697 = tpu.memref_squeeze %dma_start3A_696 : memref<1x128x128xf32, #tpu.memory_space<vmem>> -> memref<128x128xf32, #tpu.memory_space<vmem>>
      %dma_start3A_698 = arith.constant 0 : i32
      %dma_start3A_699 = tpu.memref_slice %arg12[%add3A_692, %dma_start3A_698] : memref<40x128xi32, #tpu.memory_space<vmem>> -> memref<1x128xi32, #tpu.memory_space<vmem>>
      %dma_start3A_700 = tpu.memref_squeeze %dma_start3A_699 : memref<1x128xi32, #tpu.memory_space<vmem>> -> memref<128xi32, #tpu.memory_space<vmem>>
      %dma_start3A_701 = arith.constant 0 : i32
      %dma_start3A_702 = arith.constant 0 : i32
      %dma_start3A_703 = tpu.memref_slice %arg6[%dma_start3A_701, %dma_start3A_702] : memref<100000x128xf32, #tpu.memory_space<hbm>> -> memref<100000x128xf32, #tpu.memory_space<hbm>>
      tpu.enqueue_indirect_dma source(%dma_start3A_703 : memref<100000x128xf32, #tpu.memory_space<hbm>>) target(%dma_start3A_697 : memref<128x128xf32, #tpu.memory_space<vmem>>) offsets(%dma_start3A_700 : memref<128xi32, #tpu.memory_space<vmem>>) semaphore(%arg14 : memref<!tpu.dma_semaphore, #tpu.memory_space<semaphore_mem>>)
      %mul3A_704 = arith.constant 3 : i32
      %mul3A_705 = arith.muli %scan3A_586, %mul3A_704 : i32
      %add3A_706 = arith.constant 0 : i32
      %add3A_707 = arith.addi %mul3A_705, %add3A_706 : i32
      %dma_wait3A_708 = arith.constant 0 : i32
      %dma_wait3A_709 = arith.constant 0 : i32
      %dma_wait3A_710 = arith.constant 0 : i32
      %dma_wait3A_711 = tpu.memref_slice %arg13[%dma_wait3A_708, %dma_wait3A_709, %dma_wait3A_710] : memref<3x256x128xf32, #tpu.memory_space<vmem>> -> memref<1x128x128xf32, #tpu.memory_space<vmem>>
      %dma_wait3A_712 = tpu.memref_squeeze %dma_wait3A_711 : memref<1x128x128xf32, #tpu.memory_space<vmem>> -> memref<128x128xf32, #tpu.memory_space<vmem>>
      %dma_wait3A_713 = arith.constant 0 : i32
      %dma_wait3A_714 = tpu.memref_slice %arg12[%add3A_599, %dma_wait3A_713] : memref<40x128xi32, #tpu.memory_space<vmem>> -> memref<1x128xi32, #tpu.memory_space<vmem>>
      %dma_wait3A_715 = tpu.memref_squeeze %dma_wait3A_714 : memref<1x128xi32, #tpu.memory_space<vmem>> -> memref<128xi32, #tpu.memory_space<vmem>>
      %dma_wait3A_716 = arith.constant 0 : i32
      %dma_wait3A_717 = arith.constant 0 : i32
      %dma_wait3A_718 = tpu.memref_slice %arg6[%dma_wait3A_716, %dma_wait3A_717] : memref<100000x128xf32, #tpu.memory_space<hbm>> -> memref<100000x128xf32, #tpu.memory_space<hbm>>
      tpu.wait_indirect_dma semaphore(%arg14 : memref<!tpu.dma_semaphore, #tpu.memory_space<semaphore_mem>>) src(%dma_wait3A_718 : memref<100000x128xf32, #tpu.memory_space<hbm>>) dst(%dma_wait3A_712 : memref<128x128xf32, #tpu.memory_space<vmem>>)
      %dma_wait3A_719 = arith.constant 0 : i32
      %dma_wait3A_720 = arith.constant 128 : i32
      %dma_wait3A_721 = arith.constant 0 : i32
      %dma_wait3A_722 = tpu.memref_slice %arg13[%dma_wait3A_719, %dma_wait3A_720, %dma_wait3A_721] : memref<3x256x128xf32, #tpu.memory_space<vmem>> -> memref<1x128x128xf32, #tpu.memory_space<vmem>>
      %dma_wait3A_723 = tpu.memref_squeeze %dma_wait3A_722 : memref<1x128x128xf32, #tpu.memory_space<vmem>> -> memref<128x128xf32, #tpu.memory_space<vmem>>
      %dma_wait3A_724 = arith.constant 0 : i32
      %dma_wait3A_725 = tpu.memref_slice %arg12[%add3A_614, %dma_wait3A_724] : memref<40x128xi32, #tpu.memory_space<vmem>> -> memref<1x128xi32, #tpu.memory_space<vmem>>
      %dma_wait3A_726 = tpu.memref_squeeze %dma_wait3A_725 : memref<1x128xi32, #tpu.memory_space<vmem>> -> memref<128xi32, #tpu.memory_space<vmem>>
      %dma_wait3A_727 = arith.constant 0 : i32
      %dma_wait3A_728 = arith.constant 0 : i32
      %dma_wait3A_729 = tpu.memref_slice %arg6[%dma_wait3A_727, %dma_wait3A_728] : memref<100000x128xf32, #tpu.memory_space<hbm>> -> memref<100000x128xf32, #tpu.memory_space<hbm>>
      tpu.wait_indirect_dma semaphore(%arg14 : memref<!tpu.dma_semaphore, #tpu.memory_space<semaphore_mem>>) src(%dma_wait3A_729 : memref<100000x128xf32, #tpu.memory_space<hbm>>) dst(%dma_wait3A_723 : memref<128x128xf32, #tpu.memory_space<vmem>>)
      %mul3A_730 = arith.constant 256 : i32
      %mul3A_731 = arith.muli %add3A_707, %mul3A_730 : i32
      %add3A_732 = arith.addi %mul3A_388, %mul3A_731 : i32
      %dma_start3A_733 = arith.constant 0 : i32
      %dma_start3A_734 = arith.constant 0 : i32
      %dma_start3A_735 = arith.constant 0 : i32
      %dma_start3A_736 = tpu.memref_slice %arg13[%dma_start3A_733, %dma_start3A_734, %dma_start3A_735] : memref<3x256x128xf32, #tpu.memory_space<vmem>> -> memref<1x256x128xf32, #tpu.memory_space<vmem>>
      %dma_start3A_737 = tpu.memref_squeeze %dma_start3A_736 : memref<1x256x128xf32, #tpu.memory_space<vmem>> -> memref<256x128xf32, #tpu.memory_space<vmem>>
      %dma_start3A_738 = arith.constant 0 : i32
      %dma_start3A_739 = tpu.memref_slice %arg9[%add3A_732, %dma_start3A_738] : memref<163840x128xf32, #tpu.memory_space<hbm>> -> memref<256x128xf32, #tpu.memory_space<hbm>>
      %dma_start3A_740 = arith.constant 0 : i32
      %dma_start3A_741 = tpu.memref_slice %arg9[%add3A_732, %dma_start3A_740] : memref<163840x128xf32, #tpu.memory_space<hbm>> -> memref<256x128xf32, #tpu.memory_space<hbm>>
      %dma_start3A_742 = arith.constant 0 : i32
      %dma_start3A_743 = arith.constant 0 : i32
      %dma_start3A_744 = tpu.memref_slice %arg13[%dma_start3A_733, %dma_start3A_742, %dma_start3A_743] : memref<3x256x128xf32, #tpu.memory_space<vmem>> -> memref<1x256x128xf32, #tpu.memory_space<vmem>>
      %dma_start3A_745 = tpu.memref_squeeze %dma_start3A_744 : memref<1x256x128xf32, #tpu.memory_space<vmem>> -> memref<256x128xf32, #tpu.memory_space<vmem>>
      tpu.enqueue_dma source(%dma_start3A_745 : memref<256x128xf32, #tpu.memory_space<vmem>>) target(%dma_start3A_741 : memref<256x128xf32, #tpu.memory_space<hbm>>) target_semaphore(%arg15 : memref<!tpu.dma_semaphore, #tpu.memory_space<semaphore_mem>>)
      %mul3A_746 = arith.constant 3 : i32
      %mul3A_747 = arith.muli %scan3A_586, %mul3A_746 : i32
      %add3A_748 = arith.constant 1 : i32
      %add3A_749 = arith.addi %mul3A_747, %add3A_748 : i32
      %dma_wait3A_750 = arith.constant 1 : i32
      %dma_wait3A_751 = arith.constant 0 : i32
      %dma_wait3A_752 = arith.constant 0 : i32
      %dma_wait3A_753 = tpu.memref_slice %arg13[%dma_wait3A_750, %dma_wait3A_751, %dma_wait3A_752] : memref<3x256x128xf32, #tpu.memory_space<vmem>> -> memref<1x128x128xf32, #tpu.memory_space<vmem>>
      %dma_wait3A_754 = tpu.memref_squeeze %dma_wait3A_753 : memref<1x128x128xf32, #tpu.memory_space<vmem>> -> memref<128x128xf32, #tpu.memory_space<vmem>>
      %dma_wait3A_755 = arith.constant 0 : i32
      %dma_wait3A_756 = tpu.memref_slice %arg12[%add3A_638, %dma_wait3A_755] : memref<40x128xi32, #tpu.memory_space<vmem>> -> memref<1x128xi32, #tpu.memory_space<vmem>>
      %dma_wait3A_757 = tpu.memref_squeeze %dma_wait3A_756 : memref<1x128xi32, #tpu.memory_space<vmem>> -> memref<128xi32, #tpu.memory_space<vmem>>
      %dma_wait3A_758 = arith.constant 0 : i32
      %dma_wait3A_759 = arith.constant 0 : i32
      %dma_wait3A_760 = tpu.memref_slice %arg6[%dma_wait3A_758, %dma_wait3A_759] : memref<100000x128xf32, #tpu.memory_space<hbm>> -> memref<100000x128xf32, #tpu.memory_space<hbm>>
      tpu.wait_indirect_dma semaphore(%arg14 : memref<!tpu.dma_semaphore, #tpu.memory_space<semaphore_mem>>) src(%dma_wait3A_760 : memref<100000x128xf32, #tpu.memory_space<hbm>>) dst(%dma_wait3A_754 : memref<128x128xf32, #tpu.memory_space<vmem>>)
      %dma_wait3A_761 = arith.constant 1 : i32
      %dma_wait3A_762 = arith.constant 128 : i32
      %dma_wait3A_763 = arith.constant 0 : i32
      %dma_wait3A_764 = tpu.memref_slice %arg13[%dma_wait3A_761, %dma_wait3A_762, %dma_wait3A_763] : memref<3x256x128xf32, #tpu.memory_space<vmem>> -> memref<1x128x128xf32, #tpu.memory_space<vmem>>
      %dma_wait3A_765 = tpu.memref_squeeze %dma_wait3A_764 : memref<1x128x128xf32, #tpu.memory_space<vmem>> -> memref<128x128xf32, #tpu.memory_space<vmem>>
      %dma_wait3A_766 = arith.constant 0 : i32
      %dma_wait3A_767 = tpu.memref_slice %arg12[%add3A_653, %dma_wait3A_766] : memref<40x128xi32, #tpu.memory_space<vmem>> -> memref<1x128xi32, #tpu.memory_space<vmem>>
      %dma_wait3A_768 = tpu.memref_squeeze %dma_wait3A_767 : memref<1x128xi32, #tpu.memory_space<vmem>> -> memref<128xi32, #tpu.memory_space<vmem>>
      %dma_wait3A_769 = arith.constant 0 : i32
      %dma_wait3A_770 = arith.constant 0 : i32
      %dma_wait3A_771 = tpu.memref_slice %arg6[%dma_wait3A_769, %dma_wait3A_770] : memref<100000x128xf32, #tpu.memory_space<hbm>> -> memref<100000x128xf32, #tpu.memory_space<hbm>>
      tpu.wait_indirect_dma semaphore(%arg14 : memref<!tpu.dma_semaphore, #tpu.memory_space<semaphore_mem>>) src(%dma_wait3A_771 : memref<100000x128xf32, #tpu.memory_space<hbm>>) dst(%dma_wait3A_765 : memref<128x128xf32, #tpu.memory_space<vmem>>)
      %mul3A_772 = arith.constant 256 : i32
      %mul3A_773 = arith.muli %add3A_749, %mul3A_772 : i32
      %add3A_774 = arith.addi %mul3A_388, %mul3A_773 : i32
      %dma_start3A_775 = arith.constant 1 : i32
      %dma_start3A_776 = arith.constant 0 : i32
      %dma_start3A_777 = arith.constant 0 : i32
      %dma_start3A_778 = tpu.memref_slice %arg13[%dma_start3A_775, %dma_start3A_776, %dma_start3A_777] : memref<3x256x128xf32, #tpu.memory_space<vmem>> -> memref<1x256x128xf32, #tpu.memory_space<vmem>>
      %dma_start3A_779 = tpu.memref_squeeze %dma_start3A_778 : memref<1x256x128xf32, #tpu.memory_space<vmem>> -> memref<256x128xf32, #tpu.memory_space<vmem>>
      %dma_start3A_780 = arith.constant 0 : i32
      %dma_start3A_781 = tpu.memref_slice %arg9[%add3A_774, %dma_start3A_780] : memref<163840x128xf32, #tpu.memory_space<hbm>> -> memref<256x128xf32, #tpu.memory_space<hbm>>
      %dma_start3A_782 = arith.constant 0 : i32
      %dma_start3A_783 = tpu.memref_slice %arg9[%add3A_774, %dma_start3A_782] : memref<163840x128xf32, #tpu.memory_space<hbm>> -> memref<256x128xf32, #tpu.memory_space<hbm>>
      %dma_start3A_784 = arith.constant 0 : i32
      %dma_start3A_785 = arith.constant 0 : i32
      %dma_start3A_786 = tpu.memref_slice %arg13[%dma_start3A_775, %dma_start3A_784, %dma_start3A_785] : memref<3x256x128xf32, #tpu.memory_space<vmem>> -> memref<1x256x128xf32, #tpu.memory_space<vmem>>
      %dma_start3A_787 = tpu.memref_squeeze %dma_start3A_786 : memref<1x256x128xf32, #tpu.memory_space<vmem>> -> memref<256x128xf32, #tpu.memory_space<vmem>>
      tpu.enqueue_dma source(%dma_start3A_787 : memref<256x128xf32, #tpu.memory_space<vmem>>) target(%dma_start3A_783 : memref<256x128xf32, #tpu.memory_space<hbm>>) target_semaphore(%arg16 : memref<!tpu.dma_semaphore, #tpu.memory_space<semaphore_mem>>)
      %mul3A_788 = arith.constant 3 : i32
      %mul3A_789 = arith.muli %scan3A_586, %mul3A_788 : i32
      %add3A_790 = arith.constant 2 : i32
      %add3A_791 = arith.addi %mul3A_789, %add3A_790 : i32
      %dma_wait3A_792 = arith.constant 2 : i32
      %dma_wait3A_793 = arith.constant 0 : i32
      %dma_wait3A_794 = arith.constant 0 : i32
      %dma_wait3A_795 = tpu.memref_slice %arg13[%dma_wait3A_792, %dma_wait3A_793, %dma_wait3A_794] : memref<3x256x128xf32, #tpu.memory_space<vmem>> -> memref<1x128x128xf32, #tpu.memory_space<vmem>>
      %dma_wait3A_796 = tpu.memref_squeeze %dma_wait3A_795 : memref<1x128x128xf32, #tpu.memory_space<vmem>> -> memref<128x128xf32, #tpu.memory_space<vmem>>
      %dma_wait3A_797 = arith.constant 0 : i32
      %dma_wait3A_798 = tpu.memref_slice %arg12[%add3A_677, %dma_wait3A_797] : memref<40x128xi32, #tpu.memory_space<vmem>> -> memref<1x128xi32, #tpu.memory_space<vmem>>
      %dma_wait3A_799 = tpu.memref_squeeze %dma_wait3A_798 : memref<1x128xi32, #tpu.memory_space<vmem>> -> memref<128xi32, #tpu.memory_space<vmem>>
      %dma_wait3A_800 = arith.constant 0 : i32
      %dma_wait3A_801 = arith.constant 0 : i32
      %dma_wait3A_802 = tpu.memref_slice %arg6[%dma_wait3A_800, %dma_wait3A_801] : memref<100000x128xf32, #tpu.memory_space<hbm>> -> memref<100000x128xf32, #tpu.memory_space<hbm>>
      tpu.wait_indirect_dma semaphore(%arg14 : memref<!tpu.dma_semaphore, #tpu.memory_space<semaphore_mem>>) src(%dma_wait3A_802 : memref<100000x128xf32, #tpu.memory_space<hbm>>) dst(%dma_wait3A_796 : memref<128x128xf32, #tpu.memory_space<vmem>>)
      %dma_wait3A_803 = arith.constant 2 : i32
      %dma_wait3A_804 = arith.constant 128 : i32
      %dma_wait3A_805 = arith.constant 0 : i32
      %dma_wait3A_806 = tpu.memref_slice %arg13[%dma_wait3A_803, %dma_wait3A_804, %dma_wait3A_805] : memref<3x256x128xf32, #tpu.memory_space<vmem>> -> memref<1x128x128xf32, #tpu.memory_space<vmem>>
      %dma_wait3A_807 = tpu.memref_squeeze %dma_wait3A_806 : memref<1x128x128xf32, #tpu.memory_space<vmem>> -> memref<128x128xf32, #tpu.memory_space<vmem>>
      %dma_wait3A_808 = arith.constant 0 : i32
      %dma_wait3A_809 = tpu.memref_slice %arg12[%add3A_692, %dma_wait3A_808] : memref<40x128xi32, #tpu.memory_space<vmem>> -> memref<1x128xi32, #tpu.memory_space<vmem>>
      %dma_wait3A_810 = tpu.memref_squeeze %dma_wait3A_809 : memref<1x128xi32, #tpu.memory_space<vmem>> -> memref<128xi32, #tpu.memory_space<vmem>>
      %dma_wait3A_811 = arith.constant 0 : i32
      %dma_wait3A_812 = arith.constant 0 : i32
      %dma_wait3A_813 = tpu.memref_slice %arg6[%dma_wait3A_811, %dma_wait3A_812] : memref<100000x128xf32, #tpu.memory_space<hbm>> -> memref<100000x128xf32, #tpu.memory_space<hbm>>
      tpu.wait_indirect_dma semaphore(%arg14 : memref<!tpu.dma_semaphore, #tpu.memory_space<semaphore_mem>>) src(%dma_wait3A_813 : memref<100000x128xf32, #tpu.memory_space<hbm>>) dst(%dma_wait3A_807 : memref<128x128xf32, #tpu.memory_space<vmem>>)
      %mul3A_814 = arith.constant 256 : i32
      %mul3A_815 = arith.muli %add3A_791, %mul3A_814 : i32
      %add3A_816 = arith.addi %mul3A_388, %mul3A_815 : i32
      %dma_start3A_817 = arith.constant 2 : i32
      %dma_start3A_818 = arith.constant 0 : i32
      %dma_start3A_819 = arith.constant 0 : i32
      %dma_start3A_820 = tpu.memref_slice %arg13[%dma_start3A_817, %dma_start3A_818, %dma_start3A_819] : memref<3x256x128xf32, #tpu.memory_space<vmem>> -> memref<1x256x128xf32, #tpu.memory_space<vmem>>
      %dma_start3A_821 = tpu.memref_squeeze %dma_start3A_820 : memref<1x256x128xf32, #tpu.memory_space<vmem>> -> memref<256x128xf32, #tpu.memory_space<vmem>>
      %dma_start3A_822 = arith.constant 0 : i32
      %dma_start3A_823 = tpu.memref_slice %arg9[%add3A_816, %dma_start3A_822] : memref<163840x128xf32, #tpu.memory_space<hbm>> -> memref<256x128xf32, #tpu.memory_space<hbm>>
      %dma_start3A_824 = arith.constant 0 : i32
      %dma_start3A_825 = tpu.memref_slice %arg9[%add3A_816, %dma_start3A_824] : memref<163840x128xf32, #tpu.memory_space<hbm>> -> memref<256x128xf32, #tpu.memory_space<hbm>>
      %dma_start3A_826 = arith.constant 0 : i32
      %dma_start3A_827 = arith.constant 0 : i32
      %dma_start3A_828 = tpu.memref_slice %arg13[%dma_start3A_817, %dma_start3A_826, %dma_start3A_827] : memref<3x256x128xf32, #tpu.memory_space<vmem>> -> memref<1x256x128xf32, #tpu.memory_space<vmem>>
      %dma_start3A_829 = tpu.memref_squeeze %dma_start3A_828 : memref<1x256x128xf32, #tpu.memory_space<vmem>> -> memref<256x128xf32, #tpu.memory_space<vmem>>
      tpu.enqueue_dma source(%dma_start3A_829 : memref<256x128xf32, #tpu.memory_space<vmem>>) target(%dma_start3A_825 : memref<256x128xf32, #tpu.memory_space<hbm>>) target_semaphore(%arg17 : memref<!tpu.dma_semaphore, #tpu.memory_space<semaphore_mem>>)
    }
    %scan3A_394 = arith.constant 6 : i32
    %dma_wait3A_395 = arith.constant 0 : i32
    %dma_wait3A_396 = arith.constant 0 : i32
    %dma_wait3A_397 = arith.constant 0 : i32
    %dma_wait3A_398 = tpu.memref_slice %arg13[%dma_wait3A_395, %dma_wait3A_396, %dma_wait3A_397] : memref<3x256x128xf32, #tpu.memory_space<vmem>> -> memref<1x256x128xf32, #tpu.memory_space<vmem>>
    %dma_wait3A_399 = tpu.memref_squeeze %dma_wait3A_398 : memref<1x256x128xf32, #tpu.memory_space<vmem>> -> memref<256x128xf32, #tpu.memory_space<vmem>>
    %dma_wait3A_400 = arith.constant 0 : i32
    %dma_wait3A_401 = tpu.memref_slice %arg9[%mul3A_388, %dma_wait3A_400] : memref<163840x128xf32, #tpu.memory_space<hbm>> -> memref<256x128xf32, #tpu.memory_space<hbm>>
    %dma_wait3A_402 = arith.constant 0 : i32
    %dma_wait3A_403 = tpu.memref_slice %arg9[%mul3A_388, %dma_wait3A_402] : memref<163840x128xf32, #tpu.memory_space<hbm>> -> memref<256x128xf32, #tpu.memory_space<hbm>>
    %dma_wait3A_404 = arith.constant 0 : i32
    %dma_wait3A_405 = arith.constant 0 : i32
    %dma_wait3A_406 = tpu.memref_slice %arg13[%dma_wait3A_395, %dma_wait3A_404, %dma_wait3A_405] : memref<3x256x128xf32, #tpu.memory_space<vmem>> -> memref<1x256x128xf32, #tpu.memory_space<vmem>>
    %dma_wait3A_407 = tpu.memref_squeeze %dma_wait3A_406 : memref<1x256x128xf32, #tpu.memory_space<vmem>> -> memref<256x128xf32, #tpu.memory_space<vmem>>
    tpu.wait_dma2 semaphore(%arg15 : memref<!tpu.dma_semaphore, #tpu.memory_space<semaphore_mem>>) src(%dma_wait3A_407 : memref<256x128xf32, #tpu.memory_space<vmem>>) dst(%dma_wait3A_403 : memref<256x128xf32, #tpu.memory_space<hbm>>)
    %dma_start3A_408 = arith.constant 36 : i32
    %dma_start3A_409 = arith.constant 0 : i32
    %dma_start3A_410 = arith.constant 0 : i32
    %dma_start3A_411 = arith.constant 0 : i32
    %dma_start3A_412 = tpu.memref_slice %arg13[%dma_start3A_409, %dma_start3A_410, %dma_start3A_411] : memref<3x256x128xf32, #tpu.memory_space<vmem>> -> memref<1x128x128xf32, #tpu.memory_space<vmem>>
    %dma_start3A_413 = tpu.memref_squeeze %dma_start3A_412 : memref<1x128x128xf32, #tpu.memory_space<vmem>> -> memref<128x128xf32, #tpu.memory_space<vmem>>
    %dma_start3A_414 = arith.constant 0 : i32
    %dma_start3A_415 = tpu.memref_slice %arg12[%dma_start3A_408, %dma_start3A_414] : memref<40x128xi32, #tpu.memory_space<vmem>> -> memref<1x128xi32, #tpu.memory_space<vmem>>
    %dma_start3A_416 = tpu.memref_squeeze %dma_start3A_415 : memref<1x128xi32, #tpu.memory_space<vmem>> -> memref<128xi32, #tpu.memory_space<vmem>>
    %dma_start3A_417 = arith.constant 0 : i32
    %dma_start3A_418 = arith.constant 0 : i32
    %dma_start3A_419 = tpu.memref_slice %arg6[%dma_start3A_417, %dma_start3A_418] : memref<100000x128xf32, #tpu.memory_space<hbm>> -> memref<100000x128xf32, #tpu.memory_space<hbm>>
    tpu.enqueue_indirect_dma source(%dma_start3A_419 : memref<100000x128xf32, #tpu.memory_space<hbm>>) target(%dma_start3A_413 : memref<128x128xf32, #tpu.memory_space<vmem>>) offsets(%dma_start3A_416 : memref<128xi32, #tpu.memory_space<vmem>>) semaphore(%arg14 : memref<!tpu.dma_semaphore, #tpu.memory_space<semaphore_mem>>)
    %dma_start3A_420 = arith.constant 37 : i32
    %dma_start3A_421 = arith.constant 0 : i32
    %dma_start3A_422 = arith.constant 128 : i32
    %dma_start3A_423 = arith.constant 0 : i32
    %dma_start3A_424 = tpu.memref_slice %arg13[%dma_start3A_421, %dma_start3A_422, %dma_start3A_423] : memref<3x256x128xf32, #tpu.memory_space<vmem>> -> memref<1x128x128xf32, #tpu.memory_space<vmem>>
    %dma_start3A_425 = tpu.memref_squeeze %dma_start3A_424 : memref<1x128x128xf32, #tpu.memory_space<vmem>> -> memref<128x128xf32, #tpu.memory_space<vmem>>
    %dma_start3A_426 = arith.constant 0 : i32
    %dma_start3A_427 = tpu.memref_slice %arg12[%dma_start3A_420, %dma_start3A_426] : memref<40x128xi32, #tpu.memory_space<vmem>> -> memref<1x128xi32, #tpu.memory_space<vmem>>
    %dma_start3A_428 = tpu.memref_squeeze %dma_start3A_427 : memref<1x128xi32, #tpu.memory_space<vmem>> -> memref<128xi32, #tpu.memory_space<vmem>>
    %dma_start3A_429 = arith.constant 0 : i32
    %dma_start3A_430 = arith.constant 0 : i32
    %dma_start3A_431 = tpu.memref_slice %arg6[%dma_start3A_429, %dma_start3A_430] : memref<100000x128xf32, #tpu.memory_space<hbm>> -> memref<100000x128xf32, #tpu.memory_space<hbm>>
    tpu.enqueue_indirect_dma source(%dma_start3A_431 : memref<100000x128xf32, #tpu.memory_space<hbm>>) target(%dma_start3A_425 : memref<128x128xf32, #tpu.memory_space<vmem>>) offsets(%dma_start3A_428 : memref<128xi32, #tpu.memory_space<vmem>>) semaphore(%arg14 : memref<!tpu.dma_semaphore, #tpu.memory_space<semaphore_mem>>)
    %dma_wait3A_432 = arith.constant 1 : i32
    %dma_wait3A_433 = arith.constant 0 : i32
    %dma_wait3A_434 = arith.constant 0 : i32
    %dma_wait3A_435 = tpu.memref_slice %arg13[%dma_wait3A_432, %dma_wait3A_433, %dma_wait3A_434] : memref<3x256x128xf32, #tpu.memory_space<vmem>> -> memref<1x256x128xf32, #tpu.memory_space<vmem>>
    %dma_wait3A_436 = tpu.memref_squeeze %dma_wait3A_435 : memref<1x256x128xf32, #tpu.memory_space<vmem>> -> memref<256x128xf32, #tpu.memory_space<vmem>>
    %dma_wait3A_437 = arith.constant 0 : i32
    %dma_wait3A_438 = tpu.memref_slice %arg9[%mul3A_388, %dma_wait3A_437] : memref<163840x128xf32, #tpu.memory_space<hbm>> -> memref<256x128xf32, #tpu.memory_space<hbm>>
    %dma_wait3A_439 = arith.constant 0 : i32
    %dma_wait3A_440 = tpu.memref_slice %arg9[%mul3A_388, %dma_wait3A_439] : memref<163840x128xf32, #tpu.memory_space<hbm>> -> memref<256x128xf32, #tpu.memory_space<hbm>>
    %dma_wait3A_441 = arith.constant 0 : i32
    %dma_wait3A_442 = arith.constant 0 : i32
    %dma_wait3A_443 = tpu.memref_slice %arg13[%dma_wait3A_432, %dma_wait3A_441, %dma_wait3A_442] : memref<3x256x128xf32, #tpu.memory_space<vmem>> -> memref<1x256x128xf32, #tpu.memory_space<vmem>>
    %dma_wait3A_444 = tpu.memref_squeeze %dma_wait3A_443 : memref<1x256x128xf32, #tpu.memory_space<vmem>> -> memref<256x128xf32, #tpu.memory_space<vmem>>
    tpu.wait_dma2 semaphore(%arg16 : memref<!tpu.dma_semaphore, #tpu.memory_space<semaphore_mem>>) src(%dma_wait3A_444 : memref<256x128xf32, #tpu.memory_space<vmem>>) dst(%dma_wait3A_440 : memref<256x128xf32, #tpu.memory_space<hbm>>)
    %dma_start3A_445 = arith.constant 38 : i32
    %dma_start3A_446 = arith.constant 1 : i32
    %dma_start3A_447 = arith.constant 0 : i32
    %dma_start3A_448 = arith.constant 0 : i32
    %dma_start3A_449 = tpu.memref_slice %arg13[%dma_start3A_446, %dma_start3A_447, %dma_start3A_448] : memref<3x256x128xf32, #tpu.memory_space<vmem>> -> memref<1x128x128xf32, #tpu.memory_space<vmem>>
    %dma_start3A_450 = tpu.memref_squeeze %dma_start3A_449 : memref<1x128x128xf32, #tpu.memory_space<vmem>> -> memref<128x128xf32, #tpu.memory_space<vmem>>
    %dma_start3A_451 = arith.constant 0 : i32
    %dma_start3A_452 = tpu.memref_slice %arg12[%dma_start3A_445, %dma_start3A_451] : memref<40x128xi32, #tpu.memory_space<vmem>> -> memref<1x128xi32, #tpu.memory_space<vmem>>
    %dma_start3A_453 = tpu.memref_squeeze %dma_start3A_452 : memref<1x128xi32, #tpu.memory_space<vmem>> -> memref<128xi32, #tpu.memory_space<vmem>>
    %dma_start3A_454 = arith.constant 0 : i32
    %dma_start3A_455 = arith.constant 0 : i32
    %dma_start3A_456 = tpu.memref_slice %arg6[%dma_start3A_454, %dma_start3A_455] : memref<100000x128xf32, #tpu.memory_space<hbm>> -> memref<100000x128xf32, #tpu.memory_space<hbm>>
    tpu.enqueue_indirect_dma source(%dma_start3A_456 : memref<100000x128xf32, #tpu.memory_space<hbm>>) target(%dma_start3A_450 : memref<128x128xf32, #tpu.memory_space<vmem>>) offsets(%dma_start3A_453 : memref<128xi32, #tpu.memory_space<vmem>>) semaphore(%arg14 : memref<!tpu.dma_semaphore, #tpu.memory_space<semaphore_mem>>)
    %dma_start3A_457 = arith.constant 39 : i32
    %dma_start3A_458 = arith.constant 1 : i32
    %dma_start3A_459 = arith.constant 128 : i32
    %dma_start3A_460 = arith.constant 0 : i32
    %dma_start3A_461 = tpu.memref_slice %arg13[%dma_start3A_458, %dma_start3A_459, %dma_start3A_460] : memref<3x256x128xf32, #tpu.memory_space<vmem>> -> memref<1x128x128xf32, #tpu.memory_space<vmem>>
    %dma_start3A_462 = tpu.memref_squeeze %dma_start3A_461 : memref<1x128x128xf32, #tpu.memory_space<vmem>> -> memref<128x128xf32, #tpu.memory_space<vmem>>
    %dma_start3A_463 = arith.constant 0 : i32
    %dma_start3A_464 = tpu.memref_slice %arg12[%dma_start3A_457, %dma_start3A_463] : memref<40x128xi32, #tpu.memory_space<vmem>> -> memref<1x128xi32, #tpu.memory_space<vmem>>
    %dma_start3A_465 = tpu.memref_squeeze %dma_start3A_464 : memref<1x128xi32, #tpu.memory_space<vmem>> -> memref<128xi32, #tpu.memory_space<vmem>>
    %dma_start3A_466 = arith.constant 0 : i32
    %dma_start3A_467 = arith.constant 0 : i32
    %dma_start3A_468 = tpu.memref_slice %arg6[%dma_start3A_466, %dma_start3A_467] : memref<100000x128xf32, #tpu.memory_space<hbm>> -> memref<100000x128xf32, #tpu.memory_space<hbm>>
    tpu.enqueue_indirect_dma source(%dma_start3A_468 : memref<100000x128xf32, #tpu.memory_space<hbm>>) target(%dma_start3A_462 : memref<128x128xf32, #tpu.memory_space<vmem>>) offsets(%dma_start3A_465 : memref<128xi32, #tpu.memory_space<vmem>>) semaphore(%arg14 : memref<!tpu.dma_semaphore, #tpu.memory_space<semaphore_mem>>)
    %dma_wait3A_469 = arith.constant 36 : i32
    %dma_wait3A_470 = arith.constant 0 : i32
    %dma_wait3A_471 = arith.constant 0 : i32
    %dma_wait3A_472 = arith.constant 0 : i32
    %dma_wait3A_473 = tpu.memref_slice %arg13[%dma_wait3A_470, %dma_wait3A_471, %dma_wait3A_472] : memref<3x256x128xf32, #tpu.memory_space<vmem>> -> memref<1x128x128xf32, #tpu.memory_space<vmem>>
    %dma_wait3A_474 = tpu.memref_squeeze %dma_wait3A_473 : memref<1x128x128xf32, #tpu.memory_space<vmem>> -> memref<128x128xf32, #tpu.memory_space<vmem>>
    %dma_wait3A_475 = arith.constant 0 : i32
    %dma_wait3A_476 = tpu.memref_slice %arg12[%dma_wait3A_469, %dma_wait3A_475] : memref<40x128xi32, #tpu.memory_space<vmem>> -> memref<1x128xi32, #tpu.memory_space<vmem>>
    %dma_wait3A_477 = tpu.memref_squeeze %dma_wait3A_476 : memref<1x128xi32, #tpu.memory_space<vmem>> -> memref<128xi32, #tpu.memory_space<vmem>>
    %dma_wait3A_478 = arith.constant 0 : i32
    %dma_wait3A_479 = arith.constant 0 : i32
    %dma_wait3A_480 = tpu.memref_slice %arg6[%dma_wait3A_478, %dma_wait3A_479] : memref<100000x128xf32, #tpu.memory_space<hbm>> -> memref<100000x128xf32, #tpu.memory_space<hbm>>
    tpu.wait_indirect_dma semaphore(%arg14 : memref<!tpu.dma_semaphore, #tpu.memory_space<semaphore_mem>>) src(%dma_wait3A_480 : memref<100000x128xf32, #tpu.memory_space<hbm>>) dst(%dma_wait3A_474 : memref<128x128xf32, #tpu.memory_space<vmem>>)
    %dma_wait3A_481 = arith.constant 37 : i32
    %dma_wait3A_482 = arith.constant 0 : i32
    %dma_wait3A_483 = arith.constant 128 : i32
    %dma_wait3A_484 = arith.constant 0 : i32
    %dma_wait3A_485 = tpu.memref_slice %arg13[%dma_wait3A_482, %dma_wait3A_483, %dma_wait3A_484] : memref<3x256x128xf32, #tpu.memory_space<vmem>> -> memref<1x128x128xf32, #tpu.memory_space<vmem>>
    %dma_wait3A_486 = tpu.memref_squeeze %dma_wait3A_485 : memref<1x128x128xf32, #tpu.memory_space<vmem>> -> memref<128x128xf32, #tpu.memory_space<vmem>>
    %dma_wait3A_487 = arith.constant 0 : i32
    %dma_wait3A_488 = tpu.memref_slice %arg12[%dma_wait3A_481, %dma_wait3A_487] : memref<40x128xi32, #tpu.memory_space<vmem>> -> memref<1x128xi32, #tpu.memory_space<vmem>>
    %dma_wait3A_489 = tpu.memref_squeeze %dma_wait3A_488 : memref<1x128xi32, #tpu.memory_space<vmem>> -> memref<128xi32, #tpu.memory_space<vmem>>
    %dma_wait3A_490 = arith.constant 0 : i32
    %dma_wait3A_491 = arith.constant 0 : i32
    %dma_wait3A_492 = tpu.memref_slice %arg6[%dma_wait3A_490, %dma_wait3A_491] : memref<100000x128xf32, #tpu.memory_space<hbm>> -> memref<100000x128xf32, #tpu.memory_space<hbm>>
    tpu.wait_indirect_dma semaphore(%arg14 : memref<!tpu.dma_semaphore, #tpu.memory_space<semaphore_mem>>) src(%dma_wait3A_492 : memref<100000x128xf32, #tpu.memory_space<hbm>>) dst(%dma_wait3A_486 : memref<128x128xf32, #tpu.memory_space<vmem>>)
    %add3A_493 = arith.constant 4608 : i32
    %add3A_494 = arith.addi %mul3A_388, %add3A_493 : i32
    %dma_start3A_495 = arith.constant 0 : i32
    %dma_start3A_496 = arith.constant 0 : i32
    %dma_start3A_497 = arith.constant 0 : i32
    %dma_start3A_498 = tpu.memref_slice %arg13[%dma_start3A_495, %dma_start3A_496, %dma_start3A_497] : memref<3x256x128xf32, #tpu.memory_space<vmem>> -> memref<1x256x128xf32, #tpu.memory_space<vmem>>
    %dma_start3A_499 = tpu.memref_squeeze %dma_start3A_498 : memref<1x256x128xf32, #tpu.memory_space<vmem>> -> memref<256x128xf32, #tpu.memory_space<vmem>>
    %dma_start3A_500 = arith.constant 0 : i32
    %dma_start3A_501 = tpu.memref_slice %arg9[%add3A_494, %dma_start3A_500] : memref<163840x128xf32, #tpu.memory_space<hbm>> -> memref<256x128xf32, #tpu.memory_space<hbm>>
    %dma_start3A_502 = arith.constant 0 : i32
    %dma_start3A_503 = tpu.memref_slice %arg9[%add3A_494, %dma_start3A_502] : memref<163840x128xf32, #tpu.memory_space<hbm>> -> memref<256x128xf32, #tpu.memory_space<hbm>>
    %dma_start3A_504 = arith.constant 0 : i32
    %dma_start3A_505 = arith.constant 0 : i32
    %dma_start3A_506 = tpu.memref_slice %arg13[%dma_start3A_495, %dma_start3A_504, %dma_start3A_505] : memref<3x256x128xf32, #tpu.memory_space<vmem>> -> memref<1x256x128xf32, #tpu.memory_space<vmem>>
    %dma_start3A_507 = tpu.memref_squeeze %dma_start3A_506 : memref<1x256x128xf32, #tpu.memory_space<vmem>> -> memref<256x128xf32, #tpu.memory_space<vmem>>
    tpu.enqueue_dma source(%dma_start3A_507 : memref<256x128xf32, #tpu.memory_space<vmem>>) target(%dma_start3A_503 : memref<256x128xf32, #tpu.memory_space<hbm>>) target_semaphore(%arg15 : memref<!tpu.dma_semaphore, #tpu.memory_space<semaphore_mem>>)
    %dma_wait3A_508 = arith.constant 38 : i32
    %dma_wait3A_509 = arith.constant 1 : i32
    %dma_wait3A_510 = arith.constant 0 : i32
    %dma_wait3A_511 = arith.constant 0 : i32
    %dma_wait3A_512 = tpu.memref_slice %arg13[%dma_wait3A_509, %dma_wait3A_510, %dma_wait3A_511] : memref<3x256x128xf32, #tpu.memory_space<vmem>> -> memref<1x128x128xf32, #tpu.memory_space<vmem>>
    %dma_wait3A_513 = tpu.memref_squeeze %dma_wait3A_512 : memref<1x128x128xf32, #tpu.memory_space<vmem>> -> memref<128x128xf32, #tpu.memory_space<vmem>>
    %dma_wait3A_514 = arith.constant 0 : i32
    %dma_wait3A_515 = tpu.memref_slice %arg12[%dma_wait3A_508, %dma_wait3A_514] : memref<40x128xi32, #tpu.memory_space<vmem>> -> memref<1x128xi32, #tpu.memory_space<vmem>>
    %dma_wait3A_516 = tpu.memref_squeeze %dma_wait3A_515 : memref<1x128xi32, #tpu.memory_space<vmem>> -> memref<128xi32, #tpu.memory_space<vmem>>
    %dma_wait3A_517 = arith.constant 0 : i32
    %dma_wait3A_518 = arith.constant 0 : i32
    %dma_wait3A_519 = tpu.memref_slice %arg6[%dma_wait3A_517, %dma_wait3A_518] : memref<100000x128xf32, #tpu.memory_space<hbm>> -> memref<100000x128xf32, #tpu.memory_space<hbm>>
    tpu.wait_indirect_dma semaphore(%arg14 : memref<!tpu.dma_semaphore, #tpu.memory_space<semaphore_mem>>) src(%dma_wait3A_519 : memref<100000x128xf32, #tpu.memory_space<hbm>>) dst(%dma_wait3A_513 : memref<128x128xf32, #tpu.memory_space<vmem>>)
    %dma_wait3A_520 = arith.constant 39 : i32
    %dma_wait3A_521 = arith.constant 1 : i32
    %dma_wait3A_522 = arith.constant 128 : i32
    %dma_wait3A_523 = arith.constant 0 : i32
    %dma_wait3A_524 = tpu.memref_slice %arg13[%dma_wait3A_521, %dma_wait3A_522, %dma_wait3A_523] : memref<3x256x128xf32, #tpu.memory_space<vmem>> -> memref<1x128x128xf32, #tpu.memory_space<vmem>>
    %dma_wait3A_525 = tpu.memref_squeeze %dma_wait3A_524 : memref<1x128x128xf32, #tpu.memory_space<vmem>> -> memref<128x128xf32, #tpu.memory_space<vmem>>
    %dma_wait3A_526 = arith.constant 0 : i32
    %dma_wait3A_527 = tpu.memref_slice %arg12[%dma_wait3A_520, %dma_wait3A_526] : memref<40x128xi32, #tpu.memory_space<vmem>> -> memref<1x128xi32, #tpu.memory_space<vmem>>
    %dma_wait3A_528 = tpu.memref_squeeze %dma_wait3A_527 : memref<1x128xi32, #tpu.memory_space<vmem>> -> memref<128xi32, #tpu.memory_space<vmem>>
    %dma_wait3A_529 = arith.constant 0 : i32
    %dma_wait3A_530 = arith.constant 0 : i32
    %dma_wait3A_531 = tpu.memref_slice %arg6[%dma_wait3A_529, %dma_wait3A_530] : memref<100000x128xf32, #tpu.memory_space<hbm>> -> memref<100000x128xf32, #tpu.memory_space<hbm>>
    tpu.wait_indirect_dma semaphore(%arg14 : memref<!tpu.dma_semaphore, #tpu.memory_space<semaphore_mem>>) src(%dma_wait3A_531 : memref<100000x128xf32, #tpu.memory_space<hbm>>) dst(%dma_wait3A_525 : memref<128x128xf32, #tpu.memory_space<vmem>>)
    %add3A_532 = arith.constant 4864 : i32
    %add3A_533 = arith.addi %mul3A_388, %add3A_532 : i32
    %dma_start3A_534 = arith.constant 1 : i32
    %dma_start3A_535 = arith.constant 0 : i32
    %dma_start3A_536 = arith.constant 0 : i32
    %dma_start3A_537 = tpu.memref_slice %arg13[%dma_start3A_534, %dma_start3A_535, %dma_start3A_536] : memref<3x256x128xf32, #tpu.memory_space<vmem>> -> memref<1x256x128xf32, #tpu.memory_space<vmem>>
    %dma_start3A_538 = tpu.memref_squeeze %dma_start3A_537 : memref<1x256x128xf32, #tpu.memory_space<vmem>> -> memref<256x128xf32, #tpu.memory_space<vmem>>
    %dma_start3A_539 = arith.constant 0 : i32
    %dma_start3A_540 = tpu.memref_slice %arg9[%add3A_533, %dma_start3A_539] : memref<163840x128xf32, #tpu.memory_space<hbm>> -> memref<256x128xf32, #tpu.memory_space<hbm>>
    %dma_start3A_541 = arith.constant 0 : i32
    %dma_start3A_542 = tpu.memref_slice %arg9[%add3A_533, %dma_start3A_541] : memref<163840x128xf32, #tpu.memory_space<hbm>> -> memref<256x128xf32, #tpu.memory_space<hbm>>
    %dma_start3A_543 = arith.constant 0 : i32
    %dma_start3A_544 = arith.constant 0 : i32
    %dma_start3A_545 = tpu.memref_slice %arg13[%dma_start3A_534, %dma_start3A_543, %dma_start3A_544] : memref<3x256x128xf32, #tpu.memory_space<vmem>> -> memref<1x256x128xf32, #tpu.memory_space<vmem>>
    %dma_start3A_546 = tpu.memref_squeeze %dma_start3A_545 : memref<1x256x128xf32, #tpu.memory_space<vmem>> -> memref<256x128xf32, #tpu.memory_space<vmem>>
    tpu.enqueue_dma source(%dma_start3A_546 : memref<256x128xf32, #tpu.memory_space<vmem>>) target(%dma_start3A_542 : memref<256x128xf32, #tpu.memory_space<hbm>>) target_semaphore(%arg16 : memref<!tpu.dma_semaphore, #tpu.memory_space<semaphore_mem>>)
    %dma_wait3A_547 = arith.constant 0 : i32
    %dma_wait3A_548 = arith.constant 0 : i32
    %dma_wait3A_549 = arith.constant 0 : i32
    %dma_wait3A_550 = tpu.memref_slice %arg13[%dma_wait3A_547, %dma_wait3A_548, %dma_wait3A_549] : memref<3x256x128xf32, #tpu.memory_space<vmem>> -> memref<1x256x128xf32, #tpu.memory_space<vmem>>
    %dma_wait3A_551 = tpu.memref_squeeze %dma_wait3A_550 : memref<1x256x128xf32, #tpu.memory_space<vmem>> -> memref<256x128xf32, #tpu.memory_space<vmem>>
    %dma_wait3A_552 = arith.constant 0 : i32
    %dma_wait3A_553 = tpu.memref_slice %arg9[%mul3A_388, %dma_wait3A_552] : memref<163840x128xf32, #tpu.memory_space<hbm>> -> memref<256x128xf32, #tpu.memory_space<hbm>>
    %dma_wait3A_554 = arith.constant 0 : i32
    %dma_wait3A_555 = tpu.memref_slice %arg9[%mul3A_388, %dma_wait3A_554] : memref<163840x128xf32, #tpu.memory_space<hbm>> -> memref<256x128xf32, #tpu.memory_space<hbm>>
    %dma_wait3A_556 = arith.constant 0 : i32
    %dma_wait3A_557 = arith.constant 0 : i32
    %dma_wait3A_558 = tpu.memref_slice %arg13[%dma_wait3A_547, %dma_wait3A_556, %dma_wait3A_557] : memref<3x256x128xf32, #tpu.memory_space<vmem>> -> memref<1x256x128xf32, #tpu.memory_space<vmem>>
    %dma_wait3A_559 = tpu.memref_squeeze %dma_wait3A_558 : memref<1x256x128xf32, #tpu.memory_space<vmem>> -> memref<256x128xf32, #tpu.memory_space<vmem>>
    tpu.wait_dma2 semaphore(%arg15 : memref<!tpu.dma_semaphore, #tpu.memory_space<semaphore_mem>>) src(%dma_wait3A_559 : memref<256x128xf32, #tpu.memory_space<vmem>>) dst(%dma_wait3A_555 : memref<256x128xf32, #tpu.memory_space<hbm>>)
    %dma_wait3A_560 = arith.constant 1 : i32
    %dma_wait3A_561 = arith.constant 0 : i32
    %dma_wait3A_562 = arith.constant 0 : i32
    %dma_wait3A_563 = tpu.memref_slice %arg13[%dma_wait3A_560, %dma_wait3A_561, %dma_wait3A_562] : memref<3x256x128xf32, #tpu.memory_space<vmem>> -> memref<1x256x128xf32, #tpu.memory_space<vmem>>
    %dma_wait3A_564 = tpu.memref_squeeze %dma_wait3A_563 : memref<1x256x128xf32, #tpu.memory_space<vmem>> -> memref<256x128xf32, #tpu.memory_space<vmem>>
    %dma_wait3A_565 = arith.constant 0 : i32
    %dma_wait3A_566 = tpu.memref_slice %arg9[%mul3A_388, %dma_wait3A_565] : memref<163840x128xf32, #tpu.memory_space<hbm>> -> memref<256x128xf32, #tpu.memory_space<hbm>>
    %dma_wait3A_567 = arith.constant 0 : i32
    %dma_wait3A_568 = tpu.memref_slice %arg9[%mul3A_388, %dma_wait3A_567] : memref<163840x128xf32, #tpu.memory_space<hbm>> -> memref<256x128xf32, #tpu.memory_space<hbm>>
    %dma_wait3A_569 = arith.constant 0 : i32
    %dma_wait3A_570 = arith.constant 0 : i32
    %dma_wait3A_571 = tpu.memref_slice %arg13[%dma_wait3A_560, %dma_wait3A_569, %dma_wait3A_570] : memref<3x256x128xf32, #tpu.memory_space<vmem>> -> memref<1x256x128xf32, #tpu.memory_space<vmem>>
    %dma_wait3A_572 = tpu.memref_squeeze %dma_wait3A_571 : memref<1x256x128xf32, #tpu.memory_space<vmem>> -> memref<256x128xf32, #tpu.memory_space<vmem>>
    tpu.wait_dma2 semaphore(%arg16 : memref<!tpu.dma_semaphore, #tpu.memory_space<semaphore_mem>>) src(%dma_wait3A_572 : memref<256x128xf32, #tpu.memory_space<vmem>>) dst(%dma_wait3A_568 : memref<256x128xf32, #tpu.memory_space<hbm>>)
    %dma_wait3A_573 = arith.constant 2 : i32
    %dma_wait3A_574 = arith.constant 0 : i32
    %dma_wait3A_575 = arith.constant 0 : i32
    %dma_wait3A_576 = tpu.memref_slice %arg13[%dma_wait3A_573, %dma_wait3A_574, %dma_wait3A_575] : memref<3x256x128xf32, #tpu.memory_space<vmem>> -> memref<1x256x128xf32, #tpu.memory_space<vmem>>
    %dma_wait3A_577 = tpu.memref_squeeze %dma_wait3A_576 : memref<1x256x128xf32, #tpu.memory_space<vmem>> -> memref<256x128xf32, #tpu.memory_space<vmem>>
    %dma_wait3A_578 = arith.constant 0 : i32
    %dma_wait3A_579 = tpu.memref_slice %arg9[%mul3A_388, %dma_wait3A_578] : memref<163840x128xf32, #tpu.memory_space<hbm>> -> memref<256x128xf32, #tpu.memory_space<hbm>>
    %dma_wait3A_580 = arith.constant 0 : i32
    %dma_wait3A_581 = tpu.memref_slice %arg9[%mul3A_388, %dma_wait3A_580] : memref<163840x128xf32, #tpu.memory_space<hbm>> -> memref<256x128xf32, #tpu.memory_space<hbm>>
    %dma_wait3A_582 = arith.constant 0 : i32
    %dma_wait3A_583 = arith.constant 0 : i32
    %dma_wait3A_584 = tpu.memref_slice %arg13[%dma_wait3A_573, %dma_wait3A_582, %dma_wait3A_583] : memref<3x256x128xf32, #tpu.memory_space<vmem>> -> memref<1x256x128xf32, #tpu.memory_space<vmem>>
    %dma_wait3A_585 = tpu.memref_squeeze %dma_wait3A_584 : memref<1x256x128xf32, #tpu.memory_space<vmem>> -> memref<256x128xf32, #tpu.memory_space<vmem>>
    tpu.wait_dma2 semaphore(%arg17 : memref<!tpu.dma_semaphore, #tpu.memory_space<semaphore_mem>>) src(%dma_wait3A_585 : memref<256x128xf32, #tpu.memory_space<vmem>>) dst(%dma_wait3A_581 : memref<256x128xf32, #tpu.memory_space<hbm>>)
    return
  }
}

module attributes {stable_mosaic.version = 14 : i64} {
  func.func @_loss_body(%arg0: i32, %arg1: memref<10x1024x128xf32, #tpu.memory_space<vmem>>, %arg2: memref<10x1024x128xf32, #tpu.memory_space<vmem>>, %arg3: memref<1024x128xf32, #tpu.memory_space<vmem>>, %arg4: memref<10x128x128xf32, #tpu.memory_space<vmem>>, %arg5: memref<1x128xf32, #tpu.memory_space<vmem>>, %arg6: memref<8x128xf32, #tpu.memory_space<vmem>>, %arg7: memref<8x128xf32, #tpu.memory_space<vmem>>) attributes {dimension_semantics = [#tpu.dimension_semantics<arbitrary>], iteration_bounds = array<i64: 16>, scalar_prefetch = 0 : i64, scratch_operands = 1 : i64, tpu.core_type = #tpu.core_type<tc>, window_params = [{transform_indices = @transform_0, window_bounds = array<i64: 10, 1024, 128>}, {transform_indices = @transform_1, window_bounds = array<i64: 10, 1024, 128>}, {transform_indices = @transform_2, window_bounds = array<i64: 1024, 128>}, {pipeline_mode = #tpu.pipeline_mode<synchronous>, transform_indices = @transform_3, window_bounds = array<i64: 10, 128, 128>}, {pipeline_mode = #tpu.pipeline_mode<synchronous>, transform_indices = @transform_4, window_bounds = array<i64: 1, 128>}, {pipeline_mode = #tpu.pipeline_mode<synchronous>, transform_indices = @transform_5, window_bounds = array<i64: 8, 128>}]} {
    %get3A = arith.constant 0 : index
    %get3A_0 = arith.constant 0 : index
    %get3A_1 = vector.load %arg3[%get3A, %get3A_0] : memref<1024x128xf32, #tpu.memory_space<vmem>>, vector<1024x128xf32>
    %mul3A = arith.mulf %get3A_1, %get3A_1 : vector<1024x128xf32>
    %reduce_sum3A = arith.constant dense<0.000000e+00> : vector<1024xf32>
    %reduce_sum3A_2 = vector.multi_reduction <add>, %mul3A, %reduce_sum3A [1] : vector<1024x128xf32> to vector<1024xf32>
    %sqrt3A = math.sqrt %reduce_sum3A_2 : vector<1024xf32>
    %broadcast_in_dim3A = arith.constant 0.000000e+00 : f32
    %broadcast_in_dim3A_3 = vector.broadcast %broadcast_in_dim3A : f32 to vector<1024x128xf32>
    %get3A_4 = arith.constant 0 : index
    %get3A_5 = arith.constant 0 : index
    %get3A_6 = vector.load %arg5[%get3A_4, %get3A_5] : memref<1x128xf32, #tpu.memory_space<vmem>>, vector<1x128xf32>
    %add3A = vector.broadcast %get3A_6 : vector<1x128xf32> to vector<1024x128xf32>
    %add3A_7 = arith.addf %broadcast_in_dim3A_3, %add3A : vector<1024x128xf32>
    %get3A_8 = arith.constant 0 : index
    %get3A_9 = arith.constant 0 : index
    %get3A_10 = arith.constant 0 : index
    %get3A_11 = vector.load %arg1[%get3A_8, %get3A_9, %get3A_10] : memref<10x1024x128xf32, #tpu.memory_space<vmem>>, vector<1x1024x128xf32>
    %get3A_12 = vector.shape_cast %get3A_11 : vector<1x1024x128xf32> to vector<1024x128xf32>
    %get3A_13 = arith.constant 0 : index
    %get3A_14 = arith.constant 0 : index
    %get3A_15 = arith.constant 0 : index
    %get3A_16 = vector.load %arg4[%get3A_13, %get3A_14, %get3A_15] : memref<10x128x128xf32, #tpu.memory_space<vmem>>, vector<1x128x128xf32>
    %get3A_17 = vector.shape_cast %get3A_16 : vector<1x128x128xf32> to vector<128x128xf32>
    %dot_general3A = arith.constant dense<0.000000e+00> : vector<1024x128xf32>
    %dot_general3A_18 = tpu.matmul %get3A_12, %get3A_17, %dot_general3A {dimension_numbers = #tpu.dot_dimension_numbers<[1], [0], [0], [1], [0, 0, 1, 1], [], []>, transpose_lhs_hint = false} : vector<1024x128xf32>, vector<128x128xf32>, vector<1024x128xf32> -> vector<1024x128xf32>
    %add3A_19 = arith.addf %add3A_7, %dot_general3A_18 : vector<1024x128xf32>
    %get3A_20 = arith.constant 1 : index
    %get3A_21 = arith.constant 0 : index
    %get3A_22 = arith.constant 0 : index
    %get3A_23 = vector.load %arg1[%get3A_20, %get3A_21, %get3A_22] : memref<10x1024x128xf32, #tpu.memory_space<vmem>>, vector<1x1024x128xf32>
    %get3A_24 = vector.shape_cast %get3A_23 : vector<1x1024x128xf32> to vector<1024x128xf32>
    %get3A_25 = arith.constant 1 : index
    %get3A_26 = arith.constant 0 : index
    %get3A_27 = arith.constant 0 : index
    %get3A_28 = vector.load %arg4[%get3A_25, %get3A_26, %get3A_27] : memref<10x128x128xf32, #tpu.memory_space<vmem>>, vector<1x128x128xf32>
    %get3A_29 = vector.shape_cast %get3A_28 : vector<1x128x128xf32> to vector<128x128xf32>
    %dot_general3A_30 = arith.constant dense<0.000000e+00> : vector<1024x128xf32>
    %dot_general3A_31 = tpu.matmul %get3A_24, %get3A_29, %dot_general3A_30 {dimension_numbers = #tpu.dot_dimension_numbers<[1], [0], [0], [1], [0, 0, 1, 1], [], []>, transpose_lhs_hint = false} : vector<1024x128xf32>, vector<128x128xf32>, vector<1024x128xf32> -> vector<1024x128xf32>
    %add3A_32 = arith.addf %add3A_19, %dot_general3A_31 : vector<1024x128xf32>
    %get3A_33 = arith.constant 2 : index
    %get3A_34 = arith.constant 0 : index
    %get3A_35 = arith.constant 0 : index
    %get3A_36 = vector.load %arg1[%get3A_33, %get3A_34, %get3A_35] : memref<10x1024x128xf32, #tpu.memory_space<vmem>>, vector<1x1024x128xf32>
    %get3A_37 = vector.shape_cast %get3A_36 : vector<1x1024x128xf32> to vector<1024x128xf32>
    %get3A_38 = arith.constant 2 : index
    %get3A_39 = arith.constant 0 : index
    %get3A_40 = arith.constant 0 : index
    %get3A_41 = vector.load %arg4[%get3A_38, %get3A_39, %get3A_40] : memref<10x128x128xf32, #tpu.memory_space<vmem>>, vector<1x128x128xf32>
    %get3A_42 = vector.shape_cast %get3A_41 : vector<1x128x128xf32> to vector<128x128xf32>
    %dot_general3A_43 = arith.constant dense<0.000000e+00> : vector<1024x128xf32>
    %dot_general3A_44 = tpu.matmul %get3A_37, %get3A_42, %dot_general3A_43 {dimension_numbers = #tpu.dot_dimension_numbers<[1], [0], [0], [1], [0, 0, 1, 1], [], []>, transpose_lhs_hint = false} : vector<1024x128xf32>, vector<128x128xf32>, vector<1024x128xf32> -> vector<1024x128xf32>
    %add3A_45 = arith.addf %add3A_32, %dot_general3A_44 : vector<1024x128xf32>
    %get3A_46 = arith.constant 3 : index
    %get3A_47 = arith.constant 0 : index
    %get3A_48 = arith.constant 0 : index
    %get3A_49 = vector.load %arg1[%get3A_46, %get3A_47, %get3A_48] : memref<10x1024x128xf32, #tpu.memory_space<vmem>>, vector<1x1024x128xf32>
    %get3A_50 = vector.shape_cast %get3A_49 : vector<1x1024x128xf32> to vector<1024x128xf32>
    %get3A_51 = arith.constant 3 : index
    %get3A_52 = arith.constant 0 : index
    %get3A_53 = arith.constant 0 : index
    %get3A_54 = vector.load %arg4[%get3A_51, %get3A_52, %get3A_53] : memref<10x128x128xf32, #tpu.memory_space<vmem>>, vector<1x128x128xf32>
    %get3A_55 = vector.shape_cast %get3A_54 : vector<1x128x128xf32> to vector<128x128xf32>
    %dot_general3A_56 = arith.constant dense<0.000000e+00> : vector<1024x128xf32>
    %dot_general3A_57 = tpu.matmul %get3A_50, %get3A_55, %dot_general3A_56 {dimension_numbers = #tpu.dot_dimension_numbers<[1], [0], [0], [1], [0, 0, 1, 1], [], []>, transpose_lhs_hint = false} : vector<1024x128xf32>, vector<128x128xf32>, vector<1024x128xf32> -> vector<1024x128xf32>
    %add3A_58 = arith.addf %add3A_45, %dot_general3A_57 : vector<1024x128xf32>
    %get3A_59 = arith.constant 4 : index
    %get3A_60 = arith.constant 0 : index
    %get3A_61 = arith.constant 0 : index
    %get3A_62 = vector.load %arg1[%get3A_59, %get3A_60, %get3A_61] : memref<10x1024x128xf32, #tpu.memory_space<vmem>>, vector<1x1024x128xf32>
    %get3A_63 = vector.shape_cast %get3A_62 : vector<1x1024x128xf32> to vector<1024x128xf32>
    %get3A_64 = arith.constant 4 : index
    %get3A_65 = arith.constant 0 : index
    %get3A_66 = arith.constant 0 : index
    %get3A_67 = vector.load %arg4[%get3A_64, %get3A_65, %get3A_66] : memref<10x128x128xf32, #tpu.memory_space<vmem>>, vector<1x128x128xf32>
    %get3A_68 = vector.shape_cast %get3A_67 : vector<1x128x128xf32> to vector<128x128xf32>
    %dot_general3A_69 = arith.constant dense<0.000000e+00> : vector<1024x128xf32>
    %dot_general3A_70 = tpu.matmul %get3A_63, %get3A_68, %dot_general3A_69 {dimension_numbers = #tpu.dot_dimension_numbers<[1], [0], [0], [1], [0, 0, 1, 1], [], []>, transpose_lhs_hint = false} : vector<1024x128xf32>, vector<128x128xf32>, vector<1024x128xf32> -> vector<1024x128xf32>
    %add3A_71 = arith.addf %add3A_58, %dot_general3A_70 : vector<1024x128xf32>
    %get3A_72 = arith.constant 5 : index
    %get3A_73 = arith.constant 0 : index
    %get3A_74 = arith.constant 0 : index
    %get3A_75 = vector.load %arg1[%get3A_72, %get3A_73, %get3A_74] : memref<10x1024x128xf32, #tpu.memory_space<vmem>>, vector<1x1024x128xf32>
    %get3A_76 = vector.shape_cast %get3A_75 : vector<1x1024x128xf32> to vector<1024x128xf32>
    %get3A_77 = arith.constant 5 : index
    %get3A_78 = arith.constant 0 : index
    %get3A_79 = arith.constant 0 : index
    %get3A_80 = vector.load %arg4[%get3A_77, %get3A_78, %get3A_79] : memref<10x128x128xf32, #tpu.memory_space<vmem>>, vector<1x128x128xf32>
    %get3A_81 = vector.shape_cast %get3A_80 : vector<1x128x128xf32> to vector<128x128xf32>
    %dot_general3A_82 = arith.constant dense<0.000000e+00> : vector<1024x128xf32>
    %dot_general3A_83 = tpu.matmul %get3A_76, %get3A_81, %dot_general3A_82 {dimension_numbers = #tpu.dot_dimension_numbers<[1], [0], [0], [1], [0, 0, 1, 1], [], []>, transpose_lhs_hint = false} : vector<1024x128xf32>, vector<128x128xf32>, vector<1024x128xf32> -> vector<1024x128xf32>
    %add3A_84 = arith.addf %add3A_71, %dot_general3A_83 : vector<1024x128xf32>
    %get3A_85 = arith.constant 6 : index
    %get3A_86 = arith.constant 0 : index
    %get3A_87 = arith.constant 0 : index
    %get3A_88 = vector.load %arg1[%get3A_85, %get3A_86, %get3A_87] : memref<10x1024x128xf32, #tpu.memory_space<vmem>>, vector<1x1024x128xf32>
    %get3A_89 = vector.shape_cast %get3A_88 : vector<1x1024x128xf32> to vector<1024x128xf32>
    %get3A_90 = arith.constant 6 : index
    %get3A_91 = arith.constant 0 : index
    %get3A_92 = arith.constant 0 : index
    %get3A_93 = vector.load %arg4[%get3A_90, %get3A_91, %get3A_92] : memref<10x128x128xf32, #tpu.memory_space<vmem>>, vector<1x128x128xf32>
    %get3A_94 = vector.shape_cast %get3A_93 : vector<1x128x128xf32> to vector<128x128xf32>
    %dot_general3A_95 = arith.constant dense<0.000000e+00> : vector<1024x128xf32>
    %dot_general3A_96 = tpu.matmul %get3A_89, %get3A_94, %dot_general3A_95 {dimension_numbers = #tpu.dot_dimension_numbers<[1], [0], [0], [1], [0, 0, 1, 1], [], []>, transpose_lhs_hint = false} : vector<1024x128xf32>, vector<128x128xf32>, vector<1024x128xf32> -> vector<1024x128xf32>
    %add3A_97 = arith.addf %add3A_84, %dot_general3A_96 : vector<1024x128xf32>
    %get3A_98 = arith.constant 7 : index
    %get3A_99 = arith.constant 0 : index
    %get3A_100 = arith.constant 0 : index
    %get3A_101 = vector.load %arg1[%get3A_98, %get3A_99, %get3A_100] : memref<10x1024x128xf32, #tpu.memory_space<vmem>>, vector<1x1024x128xf32>
    %get3A_102 = vector.shape_cast %get3A_101 : vector<1x1024x128xf32> to vector<1024x128xf32>
    %get3A_103 = arith.constant 7 : index
    %get3A_104 = arith.constant 0 : index
    %get3A_105 = arith.constant 0 : index
    %get3A_106 = vector.load %arg4[%get3A_103, %get3A_104, %get3A_105] : memref<10x128x128xf32, #tpu.memory_space<vmem>>, vector<1x128x128xf32>
    %get3A_107 = vector.shape_cast %get3A_106 : vector<1x128x128xf32> to vector<128x128xf32>
    %dot_general3A_108 = arith.constant dense<0.000000e+00> : vector<1024x128xf32>
    %dot_general3A_109 = tpu.matmul %get3A_102, %get3A_107, %dot_general3A_108 {dimension_numbers = #tpu.dot_dimension_numbers<[1], [0], [0], [1], [0, 0, 1, 1], [], []>, transpose_lhs_hint = false} : vector<1024x128xf32>, vector<128x128xf32>, vector<1024x128xf32> -> vector<1024x128xf32>
    %add3A_110 = arith.addf %add3A_97, %dot_general3A_109 : vector<1024x128xf32>
    %get3A_111 = arith.constant 8 : index
    %get3A_112 = arith.constant 0 : index
    %get3A_113 = arith.constant 0 : index
    %get3A_114 = vector.load %arg1[%get3A_111, %get3A_112, %get3A_113] : memref<10x1024x128xf32, #tpu.memory_space<vmem>>, vector<1x1024x128xf32>
    %get3A_115 = vector.shape_cast %get3A_114 : vector<1x1024x128xf32> to vector<1024x128xf32>
    %get3A_116 = arith.constant 8 : index
    %get3A_117 = arith.constant 0 : index
    %get3A_118 = arith.constant 0 : index
    %get3A_119 = vector.load %arg4[%get3A_116, %get3A_117, %get3A_118] : memref<10x128x128xf32, #tpu.memory_space<vmem>>, vector<1x128x128xf32>
    %get3A_120 = vector.shape_cast %get3A_119 : vector<1x128x128xf32> to vector<128x128xf32>
    %dot_general3A_121 = arith.constant dense<0.000000e+00> : vector<1024x128xf32>
    %dot_general3A_122 = tpu.matmul %get3A_115, %get3A_120, %dot_general3A_121 {dimension_numbers = #tpu.dot_dimension_numbers<[1], [0], [0], [1], [0, 0, 1, 1], [], []>, transpose_lhs_hint = false} : vector<1024x128xf32>, vector<128x128xf32>, vector<1024x128xf32> -> vector<1024x128xf32>
    %add3A_123 = arith.addf %add3A_110, %dot_general3A_122 : vector<1024x128xf32>
    %get3A_124 = arith.constant 9 : index
    %get3A_125 = arith.constant 0 : index
    %get3A_126 = arith.constant 0 : index
    %get3A_127 = vector.load %arg1[%get3A_124, %get3A_125, %get3A_126] : memref<10x1024x128xf32, #tpu.memory_space<vmem>>, vector<1x1024x128xf32>
    %get3A_128 = vector.shape_cast %get3A_127 : vector<1x1024x128xf32> to vector<1024x128xf32>
    %get3A_129 = arith.constant 9 : index
    %get3A_130 = arith.constant 0 : index
    %get3A_131 = arith.constant 0 : index
    %get3A_132 = vector.load %arg4[%get3A_129, %get3A_130, %get3A_131] : memref<10x128x128xf32, #tpu.memory_space<vmem>>, vector<1x128x128xf32>
    %get3A_133 = vector.shape_cast %get3A_132 : vector<1x128x128xf32> to vector<128x128xf32>
    %dot_general3A_134 = arith.constant dense<0.000000e+00> : vector<1024x128xf32>
    %dot_general3A_135 = tpu.matmul %get3A_128, %get3A_133, %dot_general3A_134 {dimension_numbers = #tpu.dot_dimension_numbers<[1], [0], [0], [1], [0, 0, 1, 1], [], []>, transpose_lhs_hint = false} : vector<1024x128xf32>, vector<128x128xf32>, vector<1024x128xf32> -> vector<1024x128xf32>
    %add3A_136 = arith.addf %add3A_123, %dot_general3A_135 : vector<1024x128xf32>
    %mul3A_137 = arith.mulf %get3A_1, %add3A_136 : vector<1024x128xf32>
    %reduce_sum3A_138 = arith.constant dense<0.000000e+00> : vector<1024xf32>
    %reduce_sum3A_139 = vector.multi_reduction <add>, %mul3A_137, %reduce_sum3A_138 [1] : vector<1024x128xf32> to vector<1024xf32>
    %mul3A_140 = arith.mulf %add3A_136, %add3A_136 : vector<1024x128xf32>
    %reduce_sum3A_141 = arith.constant dense<0.000000e+00> : vector<1024xf32>
    %reduce_sum3A_142 = vector.multi_reduction <add>, %mul3A_140, %reduce_sum3A_141 [1] : vector<1024x128xf32> to vector<1024xf32>
    %sqrt3A_143 = math.sqrt %reduce_sum3A_142 : vector<1024xf32>
    %mul3A_144 = arith.mulf %sqrt3A, %sqrt3A_143 : vector<1024xf32>
    %max3A = arith.constant 9.99999993E-9 : f32
    %max3A_145 = vector.broadcast %max3A : f32 to vector<1024xf32>
    %max3A_146 = arith.maximumf %mul3A_144, %max3A_145 : vector<1024xf32>
    %div3A = arith.divf %reduce_sum3A_139, %max3A_146 : vector<1024xf32>
    %sub3A = arith.constant 1.000000e+00 : f32
    %sub3A_147 = vector.broadcast %sub3A : f32 to vector<1024xf32>
    %sub3A_148 = arith.subf %sub3A_147, %div3A : vector<1024xf32>
    %broadcast_in_dim3A_149 = arith.constant 0.000000e+00 : f32
    %broadcast_in_dim3A_150 = vector.broadcast %broadcast_in_dim3A_149 : f32 to vector<1024x128xf32>
    %get3A_151 = arith.constant 0 : index
    %get3A_152 = arith.constant 0 : index
    %get3A_153 = vector.load %arg5[%get3A_151, %get3A_152] : memref<1x128xf32, #tpu.memory_space<vmem>>, vector<1x128xf32>
    %add3A_154 = vector.broadcast %get3A_153 : vector<1x128xf32> to vector<1024x128xf32>
    %add3A_155 = arith.addf %broadcast_in_dim3A_150, %add3A_154 : vector<1024x128xf32>
    %get3A_156 = arith.constant 0 : index
    %get3A_157 = arith.constant 0 : index
    %get3A_158 = arith.constant 0 : index
    %get3A_159 = vector.load %arg2[%get3A_156, %get3A_157, %get3A_158] : memref<10x1024x128xf32, #tpu.memory_space<vmem>>, vector<1x1024x128xf32>
    %get3A_160 = vector.shape_cast %get3A_159 : vector<1x1024x128xf32> to vector<1024x128xf32>
    %get3A_161 = arith.constant 0 : index
    %get3A_162 = arith.constant 0 : index
    %get3A_163 = arith.constant 0 : index
    %get3A_164 = vector.load %arg4[%get3A_161, %get3A_162, %get3A_163] : memref<10x128x128xf32, #tpu.memory_space<vmem>>, vector<1x128x128xf32>
    %get3A_165 = vector.shape_cast %get3A_164 : vector<1x128x128xf32> to vector<128x128xf32>
    %dot_general3A_166 = arith.constant dense<0.000000e+00> : vector<1024x128xf32>
    %dot_general3A_167 = tpu.matmul %get3A_160, %get3A_165, %dot_general3A_166 {dimension_numbers = #tpu.dot_dimension_numbers<[1], [0], [0], [1], [0, 0, 1, 1], [], []>, transpose_lhs_hint = false} : vector<1024x128xf32>, vector<128x128xf32>, vector<1024x128xf32> -> vector<1024x128xf32>
    %add3A_168 = arith.addf %add3A_155, %dot_general3A_167 : vector<1024x128xf32>
    %get3A_169 = arith.constant 1 : index
    %get3A_170 = arith.constant 0 : index
    %get3A_171 = arith.constant 0 : index
    %get3A_172 = vector.load %arg2[%get3A_169, %get3A_170, %get3A_171] : memref<10x1024x128xf32, #tpu.memory_space<vmem>>, vector<1x1024x128xf32>
    %get3A_173 = vector.shape_cast %get3A_172 : vector<1x1024x128xf32> to vector<1024x128xf32>
    %get3A_174 = arith.constant 1 : index
    %get3A_175 = arith.constant 0 : index
    %get3A_176 = arith.constant 0 : index
    %get3A_177 = vector.load %arg4[%get3A_174, %get3A_175, %get3A_176] : memref<10x128x128xf32, #tpu.memory_space<vmem>>, vector<1x128x128xf32>
    %get3A_178 = vector.shape_cast %get3A_177 : vector<1x128x128xf32> to vector<128x128xf32>
    %dot_general3A_179 = arith.constant dense<0.000000e+00> : vector<1024x128xf32>
    %dot_general3A_180 = tpu.matmul %get3A_173, %get3A_178, %dot_general3A_179 {dimension_numbers = #tpu.dot_dimension_numbers<[1], [0], [0], [1], [0, 0, 1, 1], [], []>, transpose_lhs_hint = false} : vector<1024x128xf32>, vector<128x128xf32>, vector<1024x128xf32> -> vector<1024x128xf32>
    %add3A_181 = arith.addf %add3A_168, %dot_general3A_180 : vector<1024x128xf32>
    %get3A_182 = arith.constant 2 : index
    %get3A_183 = arith.constant 0 : index
    %get3A_184 = arith.constant 0 : index
    %get3A_185 = vector.load %arg2[%get3A_182, %get3A_183, %get3A_184] : memref<10x1024x128xf32, #tpu.memory_space<vmem>>, vector<1x1024x128xf32>
    %get3A_186 = vector.shape_cast %get3A_185 : vector<1x1024x128xf32> to vector<1024x128xf32>
    %get3A_187 = arith.constant 2 : index
    %get3A_188 = arith.constant 0 : index
    %get3A_189 = arith.constant 0 : index
    %get3A_190 = vector.load %arg4[%get3A_187, %get3A_188, %get3A_189] : memref<10x128x128xf32, #tpu.memory_space<vmem>>, vector<1x128x128xf32>
    %get3A_191 = vector.shape_cast %get3A_190 : vector<1x128x128xf32> to vector<128x128xf32>
    %dot_general3A_192 = arith.constant dense<0.000000e+00> : vector<1024x128xf32>
    %dot_general3A_193 = tpu.matmul %get3A_186, %get3A_191, %dot_general3A_192 {dimension_numbers = #tpu.dot_dimension_numbers<[1], [0], [0], [1], [0, 0, 1, 1], [], []>, transpose_lhs_hint = false} : vector<1024x128xf32>, vector<128x128xf32>, vector<1024x128xf32> -> vector<1024x128xf32>
    %add3A_194 = arith.addf %add3A_181, %dot_general3A_193 : vector<1024x128xf32>
    %get3A_195 = arith.constant 3 : index
    %get3A_196 = arith.constant 0 : index
    %get3A_197 = arith.constant 0 : index
    %get3A_198 = vector.load %arg2[%get3A_195, %get3A_196, %get3A_197] : memref<10x1024x128xf32, #tpu.memory_space<vmem>>, vector<1x1024x128xf32>
    %get3A_199 = vector.shape_cast %get3A_198 : vector<1x1024x128xf32> to vector<1024x128xf32>
    %get3A_200 = arith.constant 3 : index
    %get3A_201 = arith.constant 0 : index
    %get3A_202 = arith.constant 0 : index
    %get3A_203 = vector.load %arg4[%get3A_200, %get3A_201, %get3A_202] : memref<10x128x128xf32, #tpu.memory_space<vmem>>, vector<1x128x128xf32>
    %get3A_204 = vector.shape_cast %get3A_203 : vector<1x128x128xf32> to vector<128x128xf32>
    %dot_general3A_205 = arith.constant dense<0.000000e+00> : vector<1024x128xf32>
    %dot_general3A_206 = tpu.matmul %get3A_199, %get3A_204, %dot_general3A_205 {dimension_numbers = #tpu.dot_dimension_numbers<[1], [0], [0], [1], [0, 0, 1, 1], [], []>, transpose_lhs_hint = false} : vector<1024x128xf32>, vector<128x128xf32>, vector<1024x128xf32> -> vector<1024x128xf32>
    %add3A_207 = arith.addf %add3A_194, %dot_general3A_206 : vector<1024x128xf32>
    %get3A_208 = arith.constant 4 : index
    %get3A_209 = arith.constant 0 : index
    %get3A_210 = arith.constant 0 : index
    %get3A_211 = vector.load %arg2[%get3A_208, %get3A_209, %get3A_210] : memref<10x1024x128xf32, #tpu.memory_space<vmem>>, vector<1x1024x128xf32>
    %get3A_212 = vector.shape_cast %get3A_211 : vector<1x1024x128xf32> to vector<1024x128xf32>
    %get3A_213 = arith.constant 4 : index
    %get3A_214 = arith.constant 0 : index
    %get3A_215 = arith.constant 0 : index
    %get3A_216 = vector.load %arg4[%get3A_213, %get3A_214, %get3A_215] : memref<10x128x128xf32, #tpu.memory_space<vmem>>, vector<1x128x128xf32>
    %get3A_217 = vector.shape_cast %get3A_216 : vector<1x128x128xf32> to vector<128x128xf32>
    %dot_general3A_218 = arith.constant dense<0.000000e+00> : vector<1024x128xf32>
    %dot_general3A_219 = tpu.matmul %get3A_212, %get3A_217, %dot_general3A_218 {dimension_numbers = #tpu.dot_dimension_numbers<[1], [0], [0], [1], [0, 0, 1, 1], [], []>, transpose_lhs_hint = false} : vector<1024x128xf32>, vector<128x128xf32>, vector<1024x128xf32> -> vector<1024x128xf32>
    %add3A_220 = arith.addf %add3A_207, %dot_general3A_219 : vector<1024x128xf32>
    %get3A_221 = arith.constant 5 : index
    %get3A_222 = arith.constant 0 : index
    %get3A_223 = arith.constant 0 : index
    %get3A_224 = vector.load %arg2[%get3A_221, %get3A_222, %get3A_223] : memref<10x1024x128xf32, #tpu.memory_space<vmem>>, vector<1x1024x128xf32>
    %get3A_225 = vector.shape_cast %get3A_224 : vector<1x1024x128xf32> to vector<1024x128xf32>
    %get3A_226 = arith.constant 5 : index
    %get3A_227 = arith.constant 0 : index
    %get3A_228 = arith.constant 0 : index
    %get3A_229 = vector.load %arg4[%get3A_226, %get3A_227, %get3A_228] : memref<10x128x128xf32, #tpu.memory_space<vmem>>, vector<1x128x128xf32>
    %get3A_230 = vector.shape_cast %get3A_229 : vector<1x128x128xf32> to vector<128x128xf32>
    %dot_general3A_231 = arith.constant dense<0.000000e+00> : vector<1024x128xf32>
    %dot_general3A_232 = tpu.matmul %get3A_225, %get3A_230, %dot_general3A_231 {dimension_numbers = #tpu.dot_dimension_numbers<[1], [0], [0], [1], [0, 0, 1, 1], [], []>, transpose_lhs_hint = false} : vector<1024x128xf32>, vector<128x128xf32>, vector<1024x128xf32> -> vector<1024x128xf32>
    %add3A_233 = arith.addf %add3A_220, %dot_general3A_232 : vector<1024x128xf32>
    %get3A_234 = arith.constant 6 : index
    %get3A_235 = arith.constant 0 : index
    %get3A_236 = arith.constant 0 : index
    %get3A_237 = vector.load %arg2[%get3A_234, %get3A_235, %get3A_236] : memref<10x1024x128xf32, #tpu.memory_space<vmem>>, vector<1x1024x128xf32>
    %get3A_238 = vector.shape_cast %get3A_237 : vector<1x1024x128xf32> to vector<1024x128xf32>
    %get3A_239 = arith.constant 6 : index
    %get3A_240 = arith.constant 0 : index
    %get3A_241 = arith.constant 0 : index
    %get3A_242 = vector.load %arg4[%get3A_239, %get3A_240, %get3A_241] : memref<10x128x128xf32, #tpu.memory_space<vmem>>, vector<1x128x128xf32>
    %get3A_243 = vector.shape_cast %get3A_242 : vector<1x128x128xf32> to vector<128x128xf32>
    %dot_general3A_244 = arith.constant dense<0.000000e+00> : vector<1024x128xf32>
    %dot_general3A_245 = tpu.matmul %get3A_238, %get3A_243, %dot_general3A_244 {dimension_numbers = #tpu.dot_dimension_numbers<[1], [0], [0], [1], [0, 0, 1, 1], [], []>, transpose_lhs_hint = false} : vector<1024x128xf32>, vector<128x128xf32>, vector<1024x128xf32> -> vector<1024x128xf32>
    %add3A_246 = arith.addf %add3A_233, %dot_general3A_245 : vector<1024x128xf32>
    %get3A_247 = arith.constant 7 : index
    %get3A_248 = arith.constant 0 : index
    %get3A_249 = arith.constant 0 : index
    %get3A_250 = vector.load %arg2[%get3A_247, %get3A_248, %get3A_249] : memref<10x1024x128xf32, #tpu.memory_space<vmem>>, vector<1x1024x128xf32>
    %get3A_251 = vector.shape_cast %get3A_250 : vector<1x1024x128xf32> to vector<1024x128xf32>
    %get3A_252 = arith.constant 7 : index
    %get3A_253 = arith.constant 0 : index
    %get3A_254 = arith.constant 0 : index
    %get3A_255 = vector.load %arg4[%get3A_252, %get3A_253, %get3A_254] : memref<10x128x128xf32, #tpu.memory_space<vmem>>, vector<1x128x128xf32>
    %get3A_256 = vector.shape_cast %get3A_255 : vector<1x128x128xf32> to vector<128x128xf32>
    %dot_general3A_257 = arith.constant dense<0.000000e+00> : vector<1024x128xf32>
    %dot_general3A_258 = tpu.matmul %get3A_251, %get3A_256, %dot_general3A_257 {dimension_numbers = #tpu.dot_dimension_numbers<[1], [0], [0], [1], [0, 0, 1, 1], [], []>, transpose_lhs_hint = false} : vector<1024x128xf32>, vector<128x128xf32>, vector<1024x128xf32> -> vector<1024x128xf32>
    %add3A_259 = arith.addf %add3A_246, %dot_general3A_258 : vector<1024x128xf32>
    %get3A_260 = arith.constant 8 : index
    %get3A_261 = arith.constant 0 : index
    %get3A_262 = arith.constant 0 : index
    %get3A_263 = vector.load %arg2[%get3A_260, %get3A_261, %get3A_262] : memref<10x1024x128xf32, #tpu.memory_space<vmem>>, vector<1x1024x128xf32>
    %get3A_264 = vector.shape_cast %get3A_263 : vector<1x1024x128xf32> to vector<1024x128xf32>
    %get3A_265 = arith.constant 8 : index
    %get3A_266 = arith.constant 0 : index
    %get3A_267 = arith.constant 0 : index
    %get3A_268 = vector.load %arg4[%get3A_265, %get3A_266, %get3A_267] : memref<10x128x128xf32, #tpu.memory_space<vmem>>, vector<1x128x128xf32>
    %get3A_269 = vector.shape_cast %get3A_268 : vector<1x128x128xf32> to vector<128x128xf32>
    %dot_general3A_270 = arith.constant dense<0.000000e+00> : vector<1024x128xf32>
    %dot_general3A_271 = tpu.matmul %get3A_264, %get3A_269, %dot_general3A_270 {dimension_numbers = #tpu.dot_dimension_numbers<[1], [0], [0], [1], [0, 0, 1, 1], [], []>, transpose_lhs_hint = false} : vector<1024x128xf32>, vector<128x128xf32>, vector<1024x128xf32> -> vector<1024x128xf32>
    %add3A_272 = arith.addf %add3A_259, %dot_general3A_271 : vector<1024x128xf32>
    %get3A_273 = arith.constant 9 : index
    %get3A_274 = arith.constant 0 : index
    %get3A_275 = arith.constant 0 : index
    %get3A_276 = vector.load %arg2[%get3A_273, %get3A_274, %get3A_275] : memref<10x1024x128xf32, #tpu.memory_space<vmem>>, vector<1x1024x128xf32>
    %get3A_277 = vector.shape_cast %get3A_276 : vector<1x1024x128xf32> to vector<1024x128xf32>
    %get3A_278 = arith.constant 9 : index
    %get3A_279 = arith.constant 0 : index
    %get3A_280 = arith.constant 0 : index
    %get3A_281 = vector.load %arg4[%get3A_278, %get3A_279, %get3A_280] : memref<10x128x128xf32, #tpu.memory_space<vmem>>, vector<1x128x128xf32>
    %get3A_282 = vector.shape_cast %get3A_281 : vector<1x128x128xf32> to vector<128x128xf32>
    %dot_general3A_283 = arith.constant dense<0.000000e+00> : vector<1024x128xf32>
    %dot_general3A_284 = tpu.matmul %get3A_277, %get3A_282, %dot_general3A_283 {dimension_numbers = #tpu.dot_dimension_numbers<[1], [0], [0], [1], [0, 0, 1, 1], [], []>, transpose_lhs_hint = false} : vector<1024x128xf32>, vector<128x128xf32>, vector<1024x128xf32> -> vector<1024x128xf32>
    %add3A_285 = arith.addf %add3A_272, %dot_general3A_284 : vector<1024x128xf32>
    %mul3A_286 = arith.mulf %get3A_1, %add3A_285 : vector<1024x128xf32>
    %reduce_sum3A_287 = arith.constant dense<0.000000e+00> : vector<1024xf32>
    %reduce_sum3A_288 = vector.multi_reduction <add>, %mul3A_286, %reduce_sum3A_287 [1] : vector<1024x128xf32> to vector<1024xf32>
    %mul3A_289 = arith.mulf %add3A_285, %add3A_285 : vector<1024x128xf32>
    %reduce_sum3A_290 = arith.constant dense<0.000000e+00> : vector<1024xf32>
    %reduce_sum3A_291 = vector.multi_reduction <add>, %mul3A_289, %reduce_sum3A_290 [1] : vector<1024x128xf32> to vector<1024xf32>
    %sqrt3A_292 = math.sqrt %reduce_sum3A_291 : vector<1024xf32>
    %mul3A_293 = arith.mulf %sqrt3A, %sqrt3A_292 : vector<1024xf32>
    %max3A_294 = arith.constant 9.99999993E-9 : f32
    %max3A_295 = vector.broadcast %max3A_294 : f32 to vector<1024xf32>
    %max3A_296 = arith.maximumf %mul3A_293, %max3A_295 : vector<1024xf32>
    %div3A_297 = arith.divf %reduce_sum3A_288, %max3A_296 : vector<1024xf32>
    %max3A_298 = arith.constant 0.000000e+00 : f32
    %max3A_299 = vector.broadcast %max3A_298 : f32 to vector<1024xf32>
    %max3A_300 = arith.maximumf %div3A_297, %max3A_299 : vector<1024xf32>
    %add3A_301 = arith.addf %sub3A_148, %max3A_300 : vector<1024xf32>
    %eq3A = arith.constant 0 : i32
    %eq3A_302 = arith.cmpi eq, %arg0, %eq3A : i32
    %convert_element_type3A = arith.extui %eq3A_302 : i1 to i32
    %cond3A = arith.constant 0 : i32
    %cond3A_303 = arith.cmpi ne, %convert_element_type3A, %cond3A : i32
    scf.if %cond3A_303 {
      %broadcast_in_dim3A_315 = arith.constant 0.000000e+00 : f32
      %broadcast_in_dim3A_316 = vector.broadcast %broadcast_in_dim3A_315 : f32 to vector<8x128xf32>
      %swap3A_317 = arith.constant 0 : index
      %swap3A_318 = arith.constant 0 : index
      %swap3A_319 = vector.load %arg7[%swap3A_317, %swap3A_318] : memref<8x128xf32, #tpu.memory_space<vmem>>, vector<8x128xf32>
      tpu.vector_store %arg7[%swap3A_317, %swap3A_318], %broadcast_in_dim3A_316 {strides = array<i32>} : memref<8x128xf32, #tpu.memory_space<vmem>>, vector<8x128xf32>,
    } else {
    }
    %get3A_304 = arith.constant 0 : index
    %get3A_305 = arith.constant 0 : index
    %get3A_306 = vector.load %arg7[%get3A_304, %get3A_305] : memref<8x128xf32, #tpu.memory_space<vmem>>, vector<8x128xf32>
    %reshape3A = vector.shape_cast %add3A_301 : vector<1024xf32> to vector<8x128xf32>
    %add3A_307 = arith.addf %get3A_306, %reshape3A : vector<8x128xf32>
    %swap3A = arith.constant 0 : index
    %swap3A_308 = arith.constant 0 : index
    %swap3A_309 = vector.load %arg7[%swap3A, %swap3A_308] : memref<8x128xf32, #tpu.memory_space<vmem>>, vector<8x128xf32>
    tpu.vector_store %arg7[%swap3A, %swap3A_308], %add3A_307 {strides = array<i32>} : memref<8x128xf32, #tpu.memory_space<vmem>>, vector<8x128xf32>,
    %eq3A_310 = arith.constant 15 : i32
    %eq3A_311 = arith.cmpi eq, %arg0, %eq3A_310 : i32
    %convert_element_type3A_312 = arith.extui %eq3A_311 : i1 to i32
    %cond3A_313 = arith.constant 0 : i32
    %cond3A_314 = arith.cmpi ne, %convert_element_type3A_312, %cond3A_313 : i32
    scf.if %cond3A_314 {
      %get3A_315 = arith.constant 0 : index
      %get3A_316 = arith.constant 0 : index
      %get3A_317 = vector.load %arg7[%get3A_315, %get3A_316] : memref<8x128xf32, #tpu.memory_space<vmem>>, vector<8x128xf32>
      %reduce_sum3A_318 = vector.shape_cast %get3A_317 : vector<8x128xf32> to vector<1x8x128xf32>
      %reduce_sum3A_319 = arith.constant dense<0.000000e+00> : vector<1xf32>
      %reduce_sum3A_320 = vector.multi_reduction <add>, %reduce_sum3A_318, %reduce_sum3A_319 [1, 2] : vector<1x8x128xf32> to vector<1xf32>
      %reduce_sum3A_321 = vector.shape_cast %reduce_sum3A_320 : vector<1xf32> to vector<1x1x1xf32>
      %reduce_sum3A_322 = vector.extract %reduce_sum3A_321[0, 0, 0] : f32 from vector<1x1x1xf32>
      %mul3A_323 = arith.constant 6.10351563E-5 : f32
      %mul3A_324 = arith.mulf %reduce_sum3A_322, %mul3A_323 : f32
      %broadcast_in_dim3A_325 = arith.constant 0.000000e+00 : f32
      %broadcast_in_dim3A_326 = vector.broadcast %broadcast_in_dim3A_325 : f32 to vector<8x128xf32>
      %add3A_327 = vector.broadcast %mul3A_324 : f32 to vector<8x128xf32>
      %add3A_328 = arith.addf %add3A_327, %broadcast_in_dim3A_326 : vector<8x128xf32>
      %swap3A_329 = arith.constant 0 : index
      %swap3A_330 = arith.constant 0 : index
      %swap3A_331 = vector.load %arg6[%swap3A_329, %swap3A_330] : memref<8x128xf32, #tpu.memory_space<vmem>>, vector<8x128xf32>
      tpu.vector_store %arg6[%swap3A_329, %swap3A_330], %add3A_328 {strides = array<i32>} : memref<8x128xf32, #tpu.memory_space<vmem>>, vector<8x128xf32>,
    } else {
    }
    return
  }
  func.func @transform_0(%arg0: i32) -> (i32, i32, i32) {
    %c0_i32 = arith.constant 0 : i32
    %c0_i32_0 = arith.constant 0 : i32
    %c0_i32_1 = arith.constant 0 : i32
    return %c0_i32, %arg0, %c0_i32_0 : i32, i32, i32
  }
  func.func @transform_1(%arg0: i32) -> (i32, i32, i32) {
    %c0_i32 = arith.constant 0 : i32
    %c0_i32_0 = arith.constant 0 : i32
    %c0_i32_1 = arith.constant 0 : i32
    return %c0_i32, %arg0, %c0_i32_0 : i32, i32, i32
  }
  func.func @transform_2(%arg0: i32) -> (i32, i32) {
    %c0_i32 = arith.constant 0 : i32
    %c0_i32_0 = arith.constant 0 : i32
    return %arg0, %c0_i32 : i32, i32
  }
  func.func @transform_3(%arg0: i32) -> (i32, i32, i32) {
    %c0_i32 = arith.constant 0 : i32
    %c0_i32_0 = arith.constant 0 : i32
    %c0_i32_1 = arith.constant 0 : i32
    %c0_i32_2 = arith.constant 0 : i32
    return %c0_i32, %c0_i32_0, %c0_i32_1 : i32, i32, i32
  }
  func.func @transform_4(%arg0: i32) -> (i32, i32) {
    %c0_i32 = arith.constant 0 : i32
    %c0_i32_0 = arith.constant 0 : i32
    %c0_i32_1 = arith.constant 0 : i32
    return %c0_i32, %c0_i32_0 : i32, i32
  }
  func.func @transform_5(%arg0: i32) -> (i32, i32) {
    %c0_i32 = arith.constant 0 : i32
    %c0_i32_0 = arith.constant 0 : i32
    %c0_i32_1 = arith.constant 0 : i32
    return %c0_i32, %c0_i32_0 : i32, i32
  }
}

</mosaic_0001>

<sc_bundles>
// kernel: kernel.4.cloned.1.call-start
scs
__scs_entry_jumppad:
0x0: {  	(pc) =	sbr.rel $0x88, $3  }
0x1: {  	(tag) =	ssettag $0x0;
	lr =	simm.s32 $0x1  }
0x2: {  	[smem:$0x3F9A] =	sst lr;
	_ =	strace $0xD0000000  }
0x3: {  	_ = 	snop  }
0x4: {  	_ = 	snop  }
0x5: {  	_ = 	snop  }
0x6: {  	_ = 	snop  }
0x7: {  	_ = 	snop  }
__scs_overlays_trampoline_lowered:
0x8: {  	[smem:$0x3FA9] =	sst s0  }
0x9: {  	[smem:$0x3FAA] =	sst s1  }
0xa: {  	[smem:$0x3FAB] =	sst s2  }
0xb: {  	[smem:$0x3FAC] =	sst s3  }
0xc: {  	[smem:$0x3FAD] =	sst s4  }
0xd: {  	[smem:$0x3FAE] =	sst s5  }
0xe: {  	[smem:$0x3FAF] =	sst s6  }
0xf: {  	[smem:$0x3FB0] =	sst s7  }
0x10: {  	[smem:$0x3FB1] =	sst s8  }
0x11: {  	[smem:$0x3FB2] =	sst s9;
	s0 =	simm.s32 @!p0 $0x0  }
0x12: {  	s1 =	sld [smem:$0x3F98];
	s0 =	simm.s32 @p0 $0x1  }
0x13: {  	[smem:$0x3FB3] =	sst s0;
	s0 =	simm.s32 @!p1 $0x0  }
0x14: {  	s2 =	sld [smem:$0x3F97];
	s0 =	simm.s32 @p1 $0x1  }
0x15: {  	[smem:$0x3FB4] =	sst s0;
	s0 =	simm.s32 @!p2 $0x0  }
0x16: {  	s3 =	sld [smem:$0x3FDB];
	s0 =	simm.s32 @p2 $0x1  }
0x17: {  	s4 =	simm.s32 $0x1BF5;
	[smem:$0x3FB6] =	sst s0  }
0x18: {  	s0 =	sld [smem:$0x3F99];
	_ =	swait.ge [sflag:s4], $0x0  }
0x19: {  	s7 =	sld [smem:$0x3F9A]  }
0x1a: {  	s8 =	sadd.s32 $0xFFFFE003, lr  }
0x1b: {  	s9 =	sadd.s32 $0xFFFFFEF7, lr;
	s5 =	simm.s32 $0xFFFFFFFF;
	p2 =	slt.u32 s8, $0xFFFFF086  }
0x1c: {  	p1 =	slt.u32 s9, $0xF7A;
	s5 =	simm.s32 @!p2 $0x0  }
0x1d: {  	s5 =	simm.s32 @p1 $0x1;
	p0 =	seq.s32 s7, s2  }
0x1e: {  	s7 =	smul.u32 @!p0 $0xF7A, s2;
	p2 =	seq.s32 @!p0 s5, $0x0  }
0x1f: {  	s9 =	smul.u32 $0xF7A, s1;
	s8 =	simm.s32 @!p0 $0x1BF5;
	p2 =	por !p2, p0  }
0x20: {  	[sflag:s8] =	ssyncset.s32 @!p0 $0xFFFFF086;
	s6 =	sadd.s32 @!p0 s3, s7;
	s7 =	simm.s32 @!p0 $0x108  }
0x21: {  	s3 =	sadd.s32 s3, s9;
	s6 =	sadd.s32 @!p0 $0x88, s6;
	s7 =	simm.s32 @p2 $0x1082  }
0x22: {  	[simem:s7], [sflag:s8] =	dma.local @!p0 [hbm:s6], $0xF7A  }
0x23: {  	s9 =	sor.u32 $0xD0000000, s2;
	s6 =	simm.s32 $0x108;
	_ =	swait.ge @!p0 [sflag:s8], $0x0  }
0x24: {  	s3 =	sadd.s32 $0x88, s3;
	s6 =	simm.s32 @!p1 $0x1082;
	[sflag:s4] =	ssyncset.s32 $0xFFFFF086  }
0x25: {  	[simem:s6], [sflag:s4] =	dma.local [hbm:s3], $0xF7A  }
0x26: {  	[smem:$0x3F9A] =	sst s1;
	(tag) =	ssettag s2;
	_ =	strace s9  }
0x27: {  	s1 =	sld [smem:$0x3FAA]  }
0x28: {  	s2 =	sld [smem:$0x3FAB]  }
0x29: {  	s4 =	sld [smem:$0x3FAD]  }
0x2a: {  	p0 =	seq.s32 s5, $0x0;
	s5 =	sld [smem:$0x3FAE]  }
0x2b: {  	s6 =	sld [smem:$0x3FAF]  }
0x2c: {  	s7 =	sld [smem:$0x3FB0]  }
0x2d: {  	s3 =	simm.s32 $0x108;
	s8 =	sld [smem:$0x3FB1]  }
0x2e: {  	s3 =	simm.s32 @!p0 $0x1082;
	s9 =	sld [smem:$0x3FB2]  }
0x2f: {  	lr =	sadd.s32 s0, s3;
	s0 =	sld [smem:$0x3FA9]  }
0x30: {  	s3 =	sld [smem:$0x3FAC]  }
0x31: {  	[smem:$0x3FB5] =	sst s10  }
0x32: {  	s10 =	sld [smem:$0x3FB3];
	_ =	sdelay $0x3  }
0x33: {  	p0 =	seq.s32 s10, $0x1;
	s10 =	sld [smem:$0x3FB5];
	_ =	sdelay $0x3  }
0x34: {  	[smem:$0x3FB5] =	sst s10  }
0x35: {  	s10 =	sld [smem:$0x3FB4];
	_ =	sdelay $0x3  }
0x36: {  	p1 =	seq.s32 s10, $0x1;
	s10 =	sld [smem:$0x3FB5];
	_ =	sdelay $0x3  }
0x37: {  	[smem:$0x3FB5] =	sst s10  }
0x38: {  	s10 =	sld [smem:$0x3FB6]  }
0x39: {  	_ = 	snop;
	(pc) =	sbr.ind lr, $3  }
0x3a: {  	_ = 	snop  }
0x3b: {  	_ = 	snop  }
0x3c: {  	p2 =	seq.s32 s10, $0x1;
	s10 =	sld [smem:$0x3FB5]  }
0x3d: {  	_ =	shalt  }
0x3e: {  	_ =	shalt  }
0x3f: {  	_ =	shalt  }
0x40: {  	_ =	shalt  }
0x41: {  	_ =	shalt  }
0x42: {  	_ =	shalt  }
0x43: {  	_ =	shalt  }
0x44: {  	_ =	shalt  }
0x45: {  	_ =	shalt  }
0x46: {  	_ =	shalt  }
0x47: {  	_ =	shalt  }
0x48: {  	_ =	shalt  }
0x49: {  	_ =	shalt  }
0x4a: {  	_ =	shalt  }
0x4b: {  	_ =	shalt  }
0x4c: {  	_ =	shalt  }
0x4d: {  	_ =	shalt  }
0x4e: {  	_ =	shalt  }
0x4f: {  	_ =	shalt  }
0x50: {  	_ =	shalt  }
0x51: {  	_ =	shalt  }
0x52: {  	_ =	shalt  }
0x53: {  	_ =	shalt  }
0x54: {  	_ =	shalt  }
0x55: {  	_ =	shalt  }
0x56: {  	_ =	shalt  }
0x57: {  	_ =	shalt  }
0x58: {  	_ =	shalt  }
0x59: {  	_ =	shalt  }
0x5a: {  	_ =	shalt  }
0x5b: {  	_ =	shalt  }
0x5c: {  	_ =	shalt  }
0x5d: {  	_ =	shalt  }
0x5e: {  	_ =	shalt  }
0x5f: {  	_ =	shalt  }
0x60: {  	_ =	shalt  }
0x61: {  	_ =	shalt  }
0x62: {  	_ =	shalt  }
0x63: {  	_ =	shalt  }
0x64: {  	_ =	shalt  }
0x65: {  	_ =	shalt  }
0x66: {  	_ =	shalt  }
0x67: {  	_ =	shalt  }
0x68: {  	_ =	shalt  }
0x69: {  	_ =	shalt  }
0x6a: {  	_ =	shalt  }
0x6b: {  	_ =	shalt  }
0x6c: {  	_ =	shalt  }
0x6d: {  	_ =	shalt  }
0x6e: {  	_ =	shalt  }
0x6f: {  	_ =	shalt  }
0x70: {  	_ =	shalt  }
0x71: {  	_ =	shalt  }
0x72: {  	_ =	shalt  }
0x73: {  	_ =	shalt  }
0x74: {  	_ =	shalt  }
0x75: {  	_ =	shalt  }
0x76: {  	_ =	shalt  }
0x77: {  	_ =	shalt  }
0x78: {  	_ =	shalt  }
0x79: {  	_ =	shalt  }
0x7a: {  	_ =	shalt  }
0x7b: {  	_ =	shalt  }
0x7c: {  	_ =	shalt  }
0x7d: {  	_ =	shalt  }
0x7e: {  	_ =	shalt  }
0x7f: {  	_ =	shalt  }
0x80: {  	_ =	shalt  }
0x81: {  	_ =	shalt  }
0x82: {  	_ =	shalt  }
0x83: {  	_ =	shalt  }
0x84: {  	_ =	shalt  }
0x85: {  	_ =	shalt  }
0x86: {  	_ =	shalt  }
0x87: {  	_ =	shalt  }
.Lfunc_end0:
.L_simem_size_0:
called_computation_lowered:
.L_overlay_start_0:
0x88: {  	s2 =	sld [smem:$0x3FD9]  }
0x89: {  	s3 =	sld [smem:$0x3FFE];
	_ =	sdelay $0x1  }
0x8a: {  	s1 =	srdreg.scid  }
0x8b: {  	s0 =	sand.u32 $0x1, s1  }
0x8c: {  	s17 =	sshll.u32 s0, $0xA;
	s2 =	sadd.s32 s3, s2  }
0x8d: {  	s2 =	sadd.s32 s2, s17  }
0x8e: {  	[smem:$0x3FC1] =	sst s2  }
0x8f: {  	_ = 	snop  }
0x90: {  	s2 =	sld [smem:$0x3FC9]  }
0x91: {  	s18 =	sld [smem:$0x3FC6]  }
0x92: {  	s4 =	sld [smem:$0x3FC5];
	(tm) =	ssettm $0x1  }
0x93: {  	s5 =	sld [smem:$0x3FFB];
	_ =	sdelay $0x3  }
0x94: {  	_ =	strace s5  }
0x95: {  	s5 =	sld [smem:$0x3FFC];
	_ =	sdelay $0x3  }
0x96: {  	_ =	strace s5  }
0x97: {  	s5 =	sld [smem:$0x3FFD];
	_ =	sdelay $0x3  }
0x98: {  	_ =	strace s5  }
0x99: {  	_ =	strace $0x8FFFFFFF  }
0x9a: {  	s19 =	sld [smem:$0x3FDB];
	_ =	sdelay $0x1  }
0x9b: {  	s6 =	simm.s32 $_scs_section_size  }
0x9c: {  	s7 =	simm.s32 $_size__tile_overlayer_lowered;
	s8 =	simm.s32 $_tile_overlayer_lowered  }
0x9d: {  	s22 =	simm.s32 $0x1BFF;
	s21 =	sshll.u32 s8, $0x1;
	s5 =	sadd.s32 s6, s19  }
0x9e: {  	s9 =	simm.s32 $0x0;
	s20 =	sshll.u32 s7, $0x1;
	s7 =	sadd.s32 s21, s5  }
0x9f: {  	[timem:s9], [sflag:s22] =	dma.local [hbm:s7], s20  }
0xa0: {  	_ =	swait.ge [sflag:s22], s20  }
0xa1: {  	s6 =	ssub.s32 $0x0, s20;
	[sflag:s22] =	ssyncset.done $0x0  }
0xa2: {  	[sflag:s22] =	ssyncadd.s32 s6;
	_ =	sdelay $0x1  }
0xa3: {  	s23 =	simm.s32 $0x1B8B  }
0xa4: {  	_ =	swait.ge [sflag:s23], $0x1  }
0xa5: {  	[sflag:s23] =	ssyncset.done $0x0  }
0xa6: {  	s25 =	simm.s32 $0x1B8E;
	s24 =	sld [smem:$0x3FFE];
	[sflag:s23] =	ssyncadd.s32 $0xFFFFFFFF  }
0xa7: {  	s26 =	simm.s32 $execute0_lowered;
	[smem:$0x3FD2] =	sst s25  }
0xa8: {  	s7 =	sshll.u32 s26, $0x1;
	_ =	strace $0x80000046;
	[dreg:$0x1] =	wrdreg $0xFFFFFFFF  }
0xa9: {  	s28 =	simm.s32 $_size_execute0_lowered;
	s5 =	sadd.s32 s5, s7;
	[dreg:$0x0] =	wrdreg $0x0  }
0xaa: {  	s7 =	sshll.u32 s28, $0x1;
	[dreg:$0x2] =	wrdreg s5  }
0xab: {  	[dreg:$0x3] =	wrdreg s7  }
0xac: {  	[dreg:$0x4] =	wrdreg $0xC0  }
0xad: {  	_ =	task [dreg:s9], $0x5FFFF  }
0xae: {  	[dreg:$0x1] =	wrdreg $0xFFFFFFFF  }
0xaf: {  	[dreg:$0x0] =	wrdreg $0x60  }
0xb0: {  	[dreg:$0x2] =	wrdreg s2  }
0xb1: {  	[dreg:$0x3] =	wrdreg s24  }
0xb2: {  	[dreg:$0x4] =	wrdreg s18  }
0xb3: {  	[dreg:$0x5] =	wrdreg s4  }
0xb4: {  	[dreg:$0x6] =	wrdreg $0x9  }
0xb5: {  	_ =	task.clear_ibuf [dreg:s9], $0x7FFFF;
	_ =	strace $0x90000046  }
0xb6: {  	s29 =	simm.s32 $0x9;
	_ =	strace $0x80000048  }
0xb7: {  	_ =	swait.ge [sflag:s29], $0x1  }
0xb8: {  	[sflag:s29] =	ssyncadd.s32 $0xFFFFFFFF  }
0xb9: {  	_ =	strace $0x90000048  }
0xba: {  	_ =	sfence  }
0xbb: {  	s30 =	sld [smem:$0x0];
	_ =	sdelay $0x2  }
0xbc: {  	s31 =	sshll.u32 s1, $0xD;
	s1 =	sshrl.u32 s1, $0x2  }
0xbd: {  	s3 =	sand.u32 $0x4000, s31;
	s1 =	sadd.s32 s1, s30  }
0xbe: {  	s0 =	sor.u32 s3, s0;
	s1 =	sshll.u32 s1, $0x11  }
0xbf: {  	s0 =	sor.u32 s1, s0  }
0xc0: {  	s0 =	sadd.s32 $0x8F2B, s0  }
0xc1: {  	[sflag:s0] =	ssyncadd.remote.s32 $0x1  }
0xc2: {  	_ =	sfence.sel $0xFFFF  }
0xc3: {  	[dreg:$0x0] =	wrdreg $0xFFFFFFFF;
	(pc) =	sbr.abs _section_cstart, $3  }
0xc4: {  	[dreg:$0x1] =	wrdreg $0xFFFFFFFF  }
0xc5: {  	_ =	task.clear_ibuf [dreg:s9], $0x2FFFF;
	_ =	strace $0x9FFFFFFF  }
0xc6: {  	(tm) =	ssettm $0x7FFFFFFF  }
0xc7: {  	_ =	shalt  }
tec
execute0_lowered:
.L_overlay_start_1:
0x0: {  	(tag) =	ssettag $0x1  }
0x1: {  	s0 =	rddreg [dreg:$0x0]  }
0x2: {  	s1 =	srdreg.scid;
	s5 =	rddreg [dreg:$0x1]  }
0x3: {  	s13 =	stileid.u32;
	s2 =	rddreg [dreg:$0x2]  }
0x4: {  	s4 =	simm.s32 $0x0;
	s28 =	simm.s32 $0x5;
	s16 =	smul.u32 $0x28000, s13  }
0x5: {  	s1 =	sand.u32 $0x1, s1;
	s3 =	sshll.u32 s13, $0x1;
	s13 =	smul.u32 $0x140000, s13  }
0x6: {  	s31 =	simm.s32 $0x80;
	[smem:$0x7FF] =	sst s4;
	s20 =	smul.u32 $0xA0000, s1  }
0x7: {  	s6 =	sor.u32 s1, s3;
	s9 =	ssub.s32 $0x2, s1;
	s1 =	smul.u32 $0x14000, s1  }
0x8: {  	s11 =	sadd.s32 $0x4AE00, s5;
	s3 =	rddreg [dreg:$0x3];
	s7 =	smul.u32 $0x1400, s6  }
0x9: {  	_ =	strace $0x80000047;
	s8 =	sshll.u32 s6, $0xD;
	s10 =	smul.u32 $0xA0000, s6  }
0xa: {  	s12 =	sshrl.u32 s9, $0x1;
	s25 =	sshll.u32 s6, $0x6;
	s6 =	smul.u32 $0x14000, s6  }
0xb: {  	s22 =	sadd.s32 s16, s11;
	s8 =	sadd.s32 s8, s5;
	s9 =	ssub.s32 s9, s12  }
0xc: {  	s0 =	sadd.s32 s0, s25;
	s23 =	sadd.s32 s20, s13;
	s13 =	simm.s32 $0x0  }
0xd: {  	s7 =	sshrl.u32 s7, $0x3;
	s10 =	sshrl.u32 s10, $0x3;
	[dreg:$0x5] =	wrdreg s0  }
0xe: {  	s17 =	sadd.s32 s11, s6;
	s24 =	sadd.s32 $0x28000, s23;
	s12 =	sadd.s32 $0x20000, s23  }
0xf: {  	s23 =	sadd.s32 $0xBE00, s8;
	s7 =	sadd.s32 s7, s5;
	s26 =	sadd.s32 $0x12000, s10  }
0x10: {  	s29 =	sadd.s32 $0x13000, s10;
	[dreg:$0xa] =	wrdreg s17;
	s14 =	sadd.s32 s11, s26  }
0x11: {  	s5 =	sadd.s32 $0x2CAE00, s5;
	s30 =	sadd.s32 s11, s29;
	[dreg:$0x6] =	wrdreg s14  }
0x12: {  	s18 =	sor.u32 $0x1000, s10;
	s0 =	sadd.s32 s5, s26;
	[dreg:$0x7] =	wrdreg s30  }
0x13: {  	s10 =	sor.u32 $0x2000, s10;
	s15 =	sadd.s32 s5, s29;
	[dreg:$0x8] =	wrdreg s0  }
0x14: {  	s25 =	sshrl.u32 s12, $0x3;
	s19 =	sadd.s32 s11, s18;
	[dreg:$0x9] =	wrdreg s15  }
0x15: {  	s12 =	simm.s32 $0x4;
	s6 =	sadd.s32 s5, s6;
	[dreg:$0xb] =	wrdreg s19  }
0x16: {  	s21 =	sadd.s32 s5, s18;
	s17 =	sadd.s32 s25, s11;
	[dreg:$0xd] =	wrdreg s6  }
0x17: {  	s26 =	sadd.s32 $0xE00, s7;
	s29 =	sadd.s32 $0x5E00, s7;
	[dreg:$0xe] =	wrdreg s21  }
0x18: {  	s7 =	simm.s32 $0x1;
	s15 =	sadd.s32 s11, s10;
	[dreg:$0x10] =	wrdreg s26  }
0x19: {  	s10 =	sadd.s32 s5, s10;
	s6 =	sadd.s32 s1, s22;
	[dreg:$0x11] =	wrdreg s29  }
0x1a: {  	s0 =	sadd.s32 s16, s5;
	s19 =	sadd.s32 s25, s5;
	[dreg:$0xc] =	wrdreg s15  }
0x1b: {  	s30 =	sadd.s32 $0xAE00, s8;
	s8 =	simm.s32 $0x2;
	[dreg:$0xf] =	wrdreg s10  }
0x1c: {  	s10 =	sshrl.u32 s24, $0x3;
	s0 =	sadd.s32 s1, s0;
	[dreg:$0x12] =	wrdreg s30  }
0x1d: {  	s24 =	smax.u32 s9, $0x1;
	s25 =	sadd.s32 $0x3000, s6;
	s1 =	simm.s32 $0x2A00  }
0x1e: {  	s6 =	simm.s32 $0xEA00;
	s9 =	simm.s32 $0x3;
	s21 =	sadd.s32 s10, s11  }
0x1f: {  	s18 =	sadd.s32 s10, s5;
	s26 =	sadd.s32 $0x3000, s0;
	s0 =	simm.s32 $0x6A00  }
0x20: {  	s5 =	simm.s32 $0xAA00;
	s10 =	simm.s32 $0x12A00;
	s11 =	simm.s32 $0x16A00  }
.LBB2_1:
0x21: {  	s14 =	rddreg [dreg:$0x5]  }
0x22: {  	[tilespmem:s4], [sflag:$0x5] =	stream.linear.gather [hbm4b:s14+s4], $0x200, $0x38;
	[tilespmem:$0x1AA00] =	vst v63  }
0x23: {  	_ =	swait.ge [sflag:s28], $0x200  }
0x24: {  	[sflag:s28] =	ssyncset.done $0x0  }
0x25: {  	s15 =	simm.s32 $0x200;
	s22 =	rddreg [dreg:$0x10];
	[sflag:s28] =	ssyncadd.s32 $0xFFFFFE00  }
0x26: {  	[tilespmem:s15], [sflag:$0x5] =	stream.linear.gather [hbm4b:s22+s4], $0x1400, $0x38;
	[tilespmem:$0x1AA00] =	vst v63  }
0x27: {  	_ =	swait.ge [sflag:s28], $0x1400  }
0x28: {  	[sflag:s28] =	ssyncset.done $0x0  }
0x29: {  	s16 =	simm.s32 $0x1600;
	s30 =	rddreg [dreg:$0x11];
	[sflag:s28] =	ssyncadd.s32 $0xFFFFEC00  }
0x2a: {  	[tilespmem:s16], [sflag:$0x5] =	stream.linear.gather [hbm4b:s30+s4], $0x1400, $0x38;
	[tilespmem:$0x1AA00] =	vst v63  }
0x2b: {  	_ =	swait.ge [sflag:s28], $0x1400  }
0x2c: {  	[sflag:s28] =	ssyncset.done $0x0  }
0x2d: {  	[sflag:s28] =	ssyncadd.s32 $0xFFFFEC00  }
0x2e: {  	[tilespmem:s1], [sflag:$0x1] =	stream.indirect.gather [hbm4b:s2+s31], $0x80, s4, s31, $0xb8;
	[tilespmem:$0x1AA00] =	vst v63  }
0x2f: {  	_ = 	snop  }
0x30: {  	[tilespmem:s0], [sflag:$0x1] =	stream.indirect.gather [hbm4b:s2+s31], $0x80, s31, s31, $0xb8;
	[tilespmem:$0x1AA00] =	vst v63  }
0x31: {  	s20 =	simm.s32 $0x100  }
0x32: {  	[tilespmem:s5], [sflag:$0x1] =	stream.indirect.gather [hbm4b:s2+s31], $0x80, s20, s31, $0xb8;
	[tilespmem:$0x1AA00] =	vst v63  }
0x33: {  	s22 =	simm.s32 $0x180  }
0x34: {  	[tilespmem:s6], [sflag:$0x1] =	stream.indirect.gather [hbm4b:s2+s31], $0x80, s22, s31, $0xb8;
	[tilespmem:$0x1AA00] =	vst v63  }
0x35: {  	_ =	swait.ge [sflag:s7], $0x4000  }
0x36: {  	[sflag:s7] =	ssyncset.done $0x0  }
0x37: {  	[sflag:s7] =	ssyncadd.s32 $0xFFFFC000  }
0x38: {  	_ =	swait.ge [sflag:s7], $0x4000  }
0x39: {  	[sflag:s7] =	ssyncset.done $0x0  }
0x3a: {  	s30 =	rddreg [dreg:$0x12];
	[sflag:s7] =	ssyncadd.s32 $0xFFFFC000  }
0x3b: {  	[hbm4b:s30+s4] =	stream.linear.scatter [tilespmem:s1], [sflag:$0x2], $0x8000, $0x38;
	[tilespmem:$0x1AA00] =	vst v63  }
0x3c: {  	_ =	swait.ge [sflag:s7], $0x4000  }
0x3d: {  	[sflag:s7] =	ssyncset.done $0x0  }
0x3e: {  	[sflag:s7] =	ssyncadd.s32 $0xFFFFC000  }
0x3f: {  	_ =	swait.ge [sflag:s7], $0x4000  }
0x40: {  	[sflag:s7] =	ssyncset.done $0x0  }
0x41: {  	[sflag:s7] =	ssyncadd.s32 $0xFFFFC000  }
0x42: {  	[hbm4b:s23+s4] =	stream.linear.scatter [tilespmem:s5], [sflag:$0x3], $0x8000, $0x38;
	[tilespmem:$0x1AA00] =	vst v63  }
0x43: {  	_ =	swait.ge [sflag:s8], $0x8000  }
0x44: {  	[sflag:s8] =	ssyncset.done $0x0  }
0x45: {  	[sflag:s8] =	ssyncadd.s32 $0xFFFF8000  }
0x46: {  	_ =	swait.ge [sflag:s9], $0x8000  }
0x47: {  	[sflag:s9] =	ssyncset.done $0x0  }
0x48: {  	[sflag:s9] =	ssyncadd.s32 $0xFFFF8000  }
0x49: {  	[tilespmem:s1], [sflag:$0x1] =	stream.indirect.gather [hbm4b:s3+s31], $0x80, s15, s31, $0xb8;
	[tilespmem:$0x1AA00] =	vst v63  }
0x4a: {  	s16 =	simm.s32 $0x280  }
0x4b: {  	[tilespmem:s0], [sflag:$0x1] =	stream.indirect.gather [hbm4b:s3+s31], $0x80, s16, s31, $0xb8;
	[tilespmem:$0x1AA00] =	vst v63  }
0x4c: {  	s20 =	simm.s32 $0x300  }
0x4d: {  	[tilespmem:s5], [sflag:$0x1] =	stream.indirect.gather [hbm4b:s3+s31], $0x80, s20, s31, $0xb8;
	[tilespmem:$0x1AA00] =	vst v63  }
0x4e: {  	s22 =	simm.s32 $0x380  }
0x4f: {  	[tilespmem:s6], [sflag:$0x1] =	stream.indirect.gather [hbm4b:s3+s31], $0x80, s22, s31, $0xb8;
	[tilespmem:$0x1AA00] =	vst v63  }
0x50: {  	s30 =	simm.s32 $0x400  }
0x51: {  	[tilespmem:s10], [sflag:$0x1] =	stream.indirect.gather [hbm4b:s3+s31], $0x80, s30, s31, $0xb8;
	[tilespmem:$0x1AA00] =	vst v63  }
0x52: {  	s15 =	simm.s32 $0x480  }
0x53: {  	[tilespmem:s11], [sflag:$0x1] =	stream.indirect.gather [hbm4b:s3+s31], $0x80, s15, s31, $0xb8;
	[tilespmem:$0x1AA00] =	vst v63  }
0x54: {  	_ =	swait.ge [sflag:s7], $0x4000  }
0x55: {  	[sflag:s7] =	ssyncset.done $0x0  }
0x56: {  	[sflag:s7] =	ssyncadd.s32 $0xFFFFC000  }
0x57: {  	_ =	swait.ge [sflag:s7], $0x4000  }
0x58: {  	[sflag:s7] =	ssyncset.done $0x0  }
0x59: {  	s16 =	rddreg [dreg:$0xa];
	[sflag:s7] =	ssyncadd.s32 $0xFFFFC000  }
0x5a: {  	[hbm4b:s16+s4] =	stream.linear.scatter [tilespmem:s1], [sflag:$0x2], $0x8000, $0x38;
	[tilespmem:$0x1AA00] =	vst v63  }
0x5b: {  	_ =	swait.ge [sflag:s7], $0x4000  }
0x5c: {  	[sflag:s7] =	ssyncset.done $0x0  }
0x5d: {  	[sflag:s7] =	ssyncadd.s32 $0xFFFFC000  }
0x5e: {  	_ =	swait.ge [sflag:s7], $0x4000  }
0x5f: {  	[sflag:s7] =	ssyncset.done $0x0  }
0x60: {  	s20 =	rddreg [dreg:$0xb];
	[sflag:s7] =	ssyncadd.s32 $0xFFFFC000  }
0x61: {  	[hbm4b:s20+s4] =	stream.linear.scatter [tilespmem:s5], [sflag:$0x3], $0x8000, $0x38;
	[tilespmem:$0x1AA00] =	vst v63  }
0x62: {  	_ =	swait.ge [sflag:s7], $0x4000  }
0x63: {  	[sflag:s7] =	ssyncset.done $0x0  }
0x64: {  	[sflag:s7] =	ssyncadd.s32 $0xFFFFC000  }
0x65: {  	_ =	swait.ge [sflag:s7], $0x4000  }
0x66: {  	[sflag:s7] =	ssyncset.done $0x0  }
0x67: {  	s22 =	rddreg [dreg:$0xc];
	[sflag:s7] =	ssyncadd.s32 $0xFFFFC000  }
0x68: {  	[hbm4b:s22+s4] =	stream.linear.scatter [tilespmem:s10], [sflag:$0x4], $0x8000, $0x38;
	[tilespmem:$0x1AA00] =	vst v63  }
0x69: {  	_ =	swait.ge [sflag:s8], $0x8000  }
0x6a: {  	[sflag:s8] =	ssyncset.done $0x0  }
0x6b: {  	s30 =	simm.s32 $0x500;
	[sflag:s8] =	ssyncadd.s32 $0xFFFF8000  }
0x6c: {  	[tilespmem:s1], [sflag:$0x1] =	stream.indirect.gather [hbm4b:s3+s31], $0x80, s30, s31, $0xb8;
	[tilespmem:$0x1AA00] =	vst v63  }
0x6d: {  	s15 =	simm.s32 $0x580  }
0x6e: {  	[tilespmem:s0], [sflag:$0x1] =	stream.indirect.gather [hbm4b:s3+s31], $0x80, s15, s31, $0xb8;
	[tilespmem:$0x1AA00] =	vst v63  }
0x6f: {  	_ =	swait.ge [sflag:s9], $0x8000  }
0x70: {  	[sflag:s9] =	ssyncset.done $0x0  }
0x71: {  	s16 =	simm.s32 $0x600;
	[sflag:s9] =	ssyncadd.s32 $0xFFFF8000  }
0x72: {  	[tilespmem:s5], [sflag:$0x1] =	stream.indirect.gather [hbm4b:s3+s31], $0x80, s16, s31, $0xb8;
	[tilespmem:$0x1AA00] =	vst v63  }
0x73: {  	s20 =	simm.s32 $0x680  }
0x74: {  	[tilespmem:s6], [sflag:$0x1] =	stream.indirect.gather [hbm4b:s3+s31], $0x80, s20, s31, $0xb8;
	[tilespmem:$0x1AA00] =	vst v63  }
0x75: {  	_ =	swait.ge [sflag:s12], $0x8000  }
0x76: {  	[sflag:s12] =	ssyncset.done $0x0  }
0x77: {  	s22 =	simm.s32 $0x700;
	[sflag:s12] =	ssyncadd.s32 $0xFFFF8000  }
0x78: {  	[tilespmem:s10], [sflag:$0x1] =	stream.indirect.gather [hbm4b:s3+s31], $0x80, s22, s31, $0xb8;
	[tilespmem:$0x1AA00] =	vst v63  }
0x79: {  	s30 =	simm.s32 $0x780  }
0x7a: {  	[tilespmem:s11], [sflag:$0x1] =	stream.indirect.gather [hbm4b:s3+s31], $0x80, s30, s31, $0xb8;
	[tilespmem:$0x1AA00] =	vst v63  }
0x7b: {  	_ =	swait.ge [sflag:s7], $0x4000  }
0x7c: {  	[sflag:s7] =	ssyncset.done $0x0  }
0x7d: {  	[sflag:s7] =	ssyncadd.s32 $0xFFFFC000  }
0x7e: {  	_ =	swait.ge [sflag:s7], $0x4000  }
0x7f: {  	[sflag:s7] =	ssyncset.done $0x0  }
0x80: {  	[sflag:s7] =	ssyncadd.s32 $0xFFFFC000  }
0x81: {  	[hbm4b:s25+s4] =	stream.linear.scatter [tilespmem:s1], [sflag:$0x2], $0x8000, $0x38;
	[tilespmem:$0x1AA00] =	vst v63  }
0x82: {  	_ =	swait.ge [sflag:s7], $0x4000  }
0x83: {  	[sflag:s7] =	ssyncset.done $0x0  }
0x84: {  	[sflag:s7] =	ssyncadd.s32 $0xFFFFC000  }
0x85: {  	_ =	swait.ge [sflag:s7], $0x4000  }
0x86: {  	[sflag:s7] =	ssyncset.done $0x0  }
0x87: {  	[sflag:s7] =	ssyncadd.s32 $0xFFFFC000  }
0x88: {  	[hbm4b:s17+s4] =	stream.linear.scatter [tilespmem:s5], [sflag:$0x3], $0x8000, $0x38;
	[tilespmem:$0x1AA00] =	vst v63  }
0x89: {  	_ =	swait.ge [sflag:s7], $0x4000  }
0x8a: {  	[sflag:s7] =	ssyncset.done $0x0  }
0x8b: {  	[sflag:s7] =	ssyncadd.s32 $0xFFFFC000  }
0x8c: {  	s29 =	sadd.s32 $0x3000, s21;
	_ =	swait.ge [sflag:s7], $0x4000  }
0x8d: {  	s14 =	simm.s32 $0xC00;
	s15 =	sadd.s32 $0x3000, s17;
	[sflag:s7] =	ssyncset.done $0x0  }
0x8e: {  	s16 =	smov.u32 s21;
	s20 =	sadd.s32 $0x3000, s25;
	[sflag:s7] =	ssyncadd.s32 $0xFFFFC000  }
.LBB2_2:
0x8f: {  	[hbm4b:s16+s4] =	stream.linear.scatter [tilespmem:s10], [sflag:$0x4], $0x8000, $0x38;
	[tilespmem:$0x1AA00] =	vst v63  }
0x90: {  	s30 =	smov.u32 s14;
	s16 =	smov.u32 s29  }
0x91: {  	p0 =	sne.s32 s14, $0x3000;
	s14 =	sadd.s32 $0xC00, s14;
	_ =	swait.ge [sflag:s8], $0x8000  }
0x92: {  	s30 =	sshra.s32 s30, $0x2;
	[sflag:s8] =	ssyncset.done $0x0  }
0x93: {  	s22 =	sadd.s32 $0x500, s30;
	[sflag:s8] =	ssyncadd.s32 $0xFFFF8000  }
0x94: {  	[tilespmem:s1], [sflag:$0x1] =	stream.indirect.gather [hbm4b:s3+s31], $0x80, s22, s31, $0xb8;
	[tilespmem:$0x1AA00] =	vst v63  }
0x95: {  	s22 =	sadd.s32 $0x580, s30  }
0x96: {  	[tilespmem:s0], [sflag:$0x1] =	stream.indirect.gather [hbm4b:s3+s31], $0x80, s22, s31, $0xb8;
	[tilespmem:$0x1AA00] =	vst v63  }
0x97: {  	_ =	swait.ge [sflag:s9], $0x8000  }
0x98: {  	[sflag:s9] =	ssyncset.done $0x0  }
0x99: {  	s22 =	sadd.s32 $0x600, s30;
	[sflag:s9] =	ssyncadd.s32 $0xFFFF8000  }
0x9a: {  	[tilespmem:s5], [sflag:$0x1] =	stream.indirect.gather [hbm4b:s3+s31], $0x80, s22, s31, $0xb8;
	[tilespmem:$0x1AA00] =	vst v63  }
0x9b: {  	s22 =	sadd.s32 $0x680, s30  }
0x9c: {  	[tilespmem:s6], [sflag:$0x1] =	stream.indirect.gather [hbm4b:s3+s31], $0x80, s22, s31, $0xb8;
	[tilespmem:$0x1AA00] =	vst v63  }
0x9d: {  	_ =	swait.ge [sflag:s12], $0x8000  }
0x9e: {  	[sflag:s12] =	ssyncset.done $0x0  }
0x9f: {  	s22 =	sadd.s32 $0x700, s30;
	[sflag:s12] =	ssyncadd.s32 $0xFFFF8000  }
0xa0: {  	[tilespmem:s10], [sflag:$0x1] =	stream.indirect.gather [hbm4b:s3+s31], $0x80, s22, s31, $0xb8;
	[tilespmem:$0x1AA00] =	vst v63  }
0xa1: {  	s22 =	sadd.s32 $0x780, s30  }
0xa2: {  	[tilespmem:s11], [sflag:$0x1] =	stream.indirect.gather [hbm4b:s3+s31], $0x80, s22, s31, $0xb8;
	[tilespmem:$0x1AA00] =	vst v63  }
0xa3: {  	_ =	swait.ge [sflag:s7], $0x4000  }
0xa4: {  	[sflag:s7] =	ssyncset.done $0x0  }
0xa5: {  	[sflag:s7] =	ssyncadd.s32 $0xFFFFC000  }
0xa6: {  	_ =	swait.ge [sflag:s7], $0x4000  }
0xa7: {  	[sflag:s7] =	ssyncset.done $0x0  }
0xa8: {  	[sflag:s7] =	ssyncadd.s32 $0xFFFFC000  }
0xa9: {  	[hbm4b:s20+s4] =	stream.linear.scatter [tilespmem:s1], [sflag:$0x2], $0x8000, $0x38;
	[tilespmem:$0x1AA00] =	vst v63  }
0xaa: {  	_ =	swait.ge [sflag:s7], $0x4000  }
0xab: {  	[sflag:s7] =	ssyncset.done $0x0  }
0xac: {  	[sflag:s7] =	ssyncadd.s32 $0xFFFFC000  }
0xad: {  	_ =	swait.ge [sflag:s7], $0x4000  }
0xae: {  	[sflag:s7] =	ssyncset.done $0x0  }
0xaf: {  	[sflag:s7] =	ssyncadd.s32 $0xFFFFC000  }
0xb0: {  	[hbm4b:s15+s4] =	stream.linear.scatter [tilespmem:s5], [sflag:$0x3], $0x8000, $0x38;
	[tilespmem:$0x1AA00] =	vst v63  }
0xb1: {  	_ =	swait.ge [sflag:s7], $0x4000  }
.Ltmp0:
0xb2: {  	[sflag:s7] =	ssyncset.done $0x0;
	(pc) =	sbr.rel @p0 .LBB2_2-.Ltmp0, $4  }
0xb3: {  	[sflag:s7] =	ssyncadd.s32 $0xFFFFC000  }
0xb4: {  	_ =	swait.ge [sflag:s7], $0x4000  }
0xb5: {  	s15 =	sadd.s32 $0x3000, s15;
	[sflag:s7] =	ssyncset.done $0x0  }
0xb6: {  	s29 =	sadd.s32 $0x3000, s29;
	s20 =	sadd.s32 $0x3000, s20;
	[sflag:s7] =	ssyncadd.s32 $0xFFFFC000  }
0xb7: {  	[hbm4b:s16+s4] =	stream.linear.scatter [tilespmem:s10], [sflag:$0x4], $0x8000, $0x38;
	[tilespmem:$0x1AA00] =	vst v63  }
0xb8: {  	_ =	swait.ge [sflag:s8], $0x8000  }
0xb9: {  	[sflag:s8] =	ssyncset.done $0x0  }
0xba: {  	s14 =	simm.s32 $0x1400;
	[sflag:s8] =	ssyncadd.s32 $0xFFFF8000  }
0xbb: {  	[tilespmem:s1], [sflag:$0x1] =	stream.indirect.gather [hbm4b:s3+s31], $0x80, s14, s31, $0xb8;
	[tilespmem:$0x1AA00] =	vst v63  }
0xbc: {  	s30 =	simm.s32 $0x1480  }
0xbd: {  	[tilespmem:s0], [sflag:$0x1] =	stream.indirect.gather [hbm4b:s3+s31], $0x80, s30, s31, $0xb8;
	[tilespmem:$0x1AA00] =	vst v63  }
0xbe: {  	_ =	swait.ge [sflag:s9], $0x8000  }
0xbf: {  	[sflag:s9] =	ssyncset.done $0x0  }
0xc0: {  	s15 =	simm.s32 $0x1500;
	[sflag:s9] =	ssyncadd.s32 $0xFFFF8000  }
0xc1: {  	[tilespmem:s5], [sflag:$0x1] =	stream.indirect.gather [hbm4b:s3+s31], $0x80, s15, s31, $0xb8;
	[tilespmem:$0x1AA00] =	vst v63  }
0xc2: {  	s16 =	simm.s32 $0x1580  }
0xc3: {  	[tilespmem:s6], [sflag:$0x1] =	stream.indirect.gather [hbm4b:s3+s31], $0x80, s16, s31, $0xb8;
	[tilespmem:$0x1AA00] =	vst v63  }
0xc4: {  	_ =	swait.ge [sflag:s7], $0x4000  }
0xc5: {  	[sflag:s7] =	ssyncset.done $0x0  }
0xc6: {  	[sflag:s7] =	ssyncadd.s32 $0xFFFFC000  }
0xc7: {  	_ =	swait.ge [sflag:s7], $0x4000  }
0xc8: {  	[sflag:s7] =	ssyncset.done $0x0  }
0xc9: {  	s14 =	simm.s32 $0x0;
	s15 =	rddreg [dreg:$0x6];
	[sflag:s7] =	ssyncadd.s32 $0xFFFFC000  }
0xca: {  	[hbm4b:s15+s14] =	stream.linear.scatter [tilespmem:s1], [sflag:$0x2], $0x8000, $0x38;
	[tilespmem:$0x1AA00] =	vst v63  }
0xcb: {  	_ =	swait.ge [sflag:s7], $0x4000  }
0xcc: {  	[sflag:s7] =	ssyncset.done $0x0  }
0xcd: {  	[sflag:s7] =	ssyncadd.s32 $0xFFFFC000  }
0xce: {  	_ =	swait.ge [sflag:s7], $0x4000  }
0xcf: {  	[sflag:s7] =	ssyncset.done $0x0  }
0xd0: {  	s20 =	rddreg [dreg:$0x7];
	[sflag:s7] =	ssyncadd.s32 $0xFFFFC000  }
0xd1: {  	[hbm4b:s20+s14] =	stream.linear.scatter [tilespmem:s5], [sflag:$0x3], $0x8000, $0x38;
	[tilespmem:$0x1AA00] =	vst v63  }
0xd2: {  	_ =	swait.ge [sflag:s8], $0x8000  }
0xd3: {  	[sflag:s8] =	ssyncset.done $0x0  }
0xd4: {  	[sflag:s8] =	ssyncadd.s32 $0xFFFF8000  }
0xd5: {  	_ =	swait.ge [sflag:s9], $0x8000  }
0xd6: {  	[sflag:s9] =	ssyncset.done $0x0  }
0xd7: {  	[sflag:s9] =	ssyncadd.s32 $0xFFFF8000  }
0xd8: {  	_ =	swait.ge [sflag:s12], $0x8000  }
0xd9: {  	[sflag:s12] =	ssyncset.done $0x0  }
0xda: {  	s22 =	simm.s32 $0x1600;
	[sflag:s12] =	ssyncadd.s32 $0xFFFF8000  }
0xdb: {  	[tilespmem:s1], [sflag:$0x1] =	stream.indirect.gather [hbm4b:s3+s31], $0x80, s22, s31, $0xb8;
	[tilespmem:$0x1AA00] =	vst v63  }
0xdc: {  	s30 =	simm.s32 $0x1680  }
0xdd: {  	[tilespmem:s0], [sflag:$0x1] =	stream.indirect.gather [hbm4b:s3+s31], $0x80, s30, s31, $0xb8;
	[tilespmem:$0x1AA00] =	vst v63  }
0xde: {  	s16 =	simm.s32 $0x1700  }
0xdf: {  	[tilespmem:s5], [sflag:$0x1] =	stream.indirect.gather [hbm4b:s3+s31], $0x80, s16, s31, $0xb8;
	[tilespmem:$0x1AA00] =	vst v63  }
0xe0: {  	s20 =	simm.s32 $0x1780  }
0xe1: {  	[tilespmem:s6], [sflag:$0x1] =	stream.indirect.gather [hbm4b:s3+s31], $0x80, s20, s31, $0xb8;
	[tilespmem:$0x1AA00] =	vst v63  }
0xe2: {  	s22 =	simm.s32 $0x1800  }
0xe3: {  	[tilespmem:s10], [sflag:$0x1] =	stream.indirect.gather [hbm4b:s3+s31], $0x80, s22, s31, $0xb8;
	[tilespmem:$0x1AA00] =	vst v63  }
0xe4: {  	s30 =	simm.s32 $0x1880  }
0xe5: {  	[tilespmem:s11], [sflag:$0x1] =	stream.indirect.gather [hbm4b:s3+s31], $0x80, s30, s31, $0xb8;
	[tilespmem:$0x1AA00] =	vst v63  }
0xe6: {  	_ =	swait.ge [sflag:s7], $0x4000  }
0xe7: {  	[sflag:s7] =	ssyncset.done $0x0  }
0xe8: {  	[sflag:s7] =	ssyncadd.s32 $0xFFFFC000  }
0xe9: {  	_ =	swait.ge [sflag:s7], $0x4000  }
0xea: {  	[sflag:s7] =	ssyncset.done $0x0  }
0xeb: {  	s16 =	rddreg [dreg:$0xd];
	[sflag:s7] =	ssyncadd.s32 $0xFFFFC000  }
0xec: {  	[hbm4b:s16+s14] =	stream.linear.scatter [tilespmem:s1], [sflag:$0x2], $0x8000, $0x38;
	[tilespmem:$0x1AA00] =	vst v63  }
0xed: {  	_ =	swait.ge [sflag:s7], $0x4000  }
0xee: {  	[sflag:s7] =	ssyncset.done $0x0  }
0xef: {  	[sflag:s7] =	ssyncadd.s32 $0xFFFFC000  }
0xf0: {  	_ =	swait.ge [sflag:s7], $0x4000  }
0xf1: {  	[sflag:s7] =	ssyncset.done $0x0  }
0xf2: {  	s20 =	rddreg [dreg:$0xe];
	[sflag:s7] =	ssyncadd.s32 $0xFFFFC000  }
0xf3: {  	[hbm4b:s20+s14] =	stream.linear.scatter [tilespmem:s5], [sflag:$0x3], $0x8000, $0x38;
	[tilespmem:$0x1AA00] =	vst v63  }
0xf4: {  	_ =	swait.ge [sflag:s7], $0x4000  }
0xf5: {  	[sflag:s7] =	ssyncset.done $0x0  }
0xf6: {  	[sflag:s7] =	ssyncadd.s32 $0xFFFFC000  }
0xf7: {  	_ =	swait.ge [sflag:s7], $0x4000  }
0xf8: {  	[sflag:s7] =	ssyncset.done $0x0  }
0xf9: {  	s22 =	rddreg [dreg:$0xf];
	[sflag:s7] =	ssyncadd.s32 $0xFFFFC000  }
0xfa: {  	[hbm4b:s22+s14] =	stream.linear.scatter [tilespmem:s10], [sflag:$0x4], $0x8000, $0x38;
	[tilespmem:$0x1AA00] =	vst v63  }
0xfb: {  	_ =	swait.ge [sflag:s8], $0x8000  }
0xfc: {  	[sflag:s8] =	ssyncset.done $0x0  }
0xfd: {  	s30 =	simm.s32 $0x1900;
	[sflag:s8] =	ssyncadd.s32 $0xFFFF8000  }
0xfe: {  	[tilespmem:s1], [sflag:$0x1] =	stream.indirect.gather [hbm4b:s3+s31], $0x80, s30, s31, $0xb8;
	[tilespmem:$0x1AA00] =	vst v63  }
0xff: {  	s15 =	simm.s32 $0x1980  }
0x100: {  	[tilespmem:s0], [sflag:$0x1] =	stream.indirect.gather [hbm4b:s3+s31], $0x80, s15, s31, $0xb8;
	[tilespmem:$0x1AA00] =	vst v63  }
0x101: {  	_ =	swait.ge [sflag:s9], $0x8000  }
0x102: {  	[sflag:s9] =	ssyncset.done $0x0  }
0x103: {  	s16 =	simm.s32 $0x1A00;
	[sflag:s9] =	ssyncadd.s32 $0xFFFF8000  }
0x104: {  	[tilespmem:s5], [sflag:$0x1] =	stream.indirect.gather [hbm4b:s3+s31], $0x80, s16, s31, $0xb8;
	[tilespmem:$0x1AA00] =	vst v63  }
0x105: {  	s20 =	simm.s32 $0x1A80  }
0x106: {  	[tilespmem:s6], [sflag:$0x1] =	stream.indirect.gather [hbm4b:s3+s31], $0x80, s20, s31, $0xb8;
	[tilespmem:$0x1AA00] =	vst v63  }
0x107: {  	_ =	swait.ge [sflag:s12], $0x8000  }
0x108: {  	[sflag:s12] =	ssyncset.done $0x0  }
0x109: {  	s22 =	simm.s32 $0x1B00;
	[sflag:s12] =	ssyncadd.s32 $0xFFFF8000  }
0x10a: {  	[tilespmem:s10], [sflag:$0x1] =	stream.indirect.gather [hbm4b:s3+s31], $0x80, s22, s31, $0xb8;
	[tilespmem:$0x1AA00] =	vst v63  }
0x10b: {  	s30 =	simm.s32 $0x1B80  }
0x10c: {  	[tilespmem:s11], [sflag:$0x1] =	stream.indirect.gather [hbm4b:s3+s31], $0x80, s30, s31, $0xb8;
	[tilespmem:$0x1AA00] =	vst v63  }
0x10d: {  	_ =	swait.ge [sflag:s7], $0x4000  }
0x10e: {  	[sflag:s7] =	ssyncset.done $0x0  }
0x10f: {  	[sflag:s7] =	ssyncadd.s32 $0xFFFFC000  }
0x110: {  	_ =	swait.ge [sflag:s7], $0x4000  }
0x111: {  	[sflag:s7] =	ssyncset.done $0x0  }
0x112: {  	[sflag:s7] =	ssyncadd.s32 $0xFFFFC000  }
0x113: {  	[hbm4b:s26+s4] =	stream.linear.scatter [tilespmem:s1], [sflag:$0x2], $0x8000, $0x38;
	[tilespmem:$0x1AA00] =	vst v63  }
0x114: {  	_ =	swait.ge [sflag:s7], $0x4000  }
0x115: {  	[sflag:s7] =	ssyncset.done $0x0  }
0x116: {  	[sflag:s7] =	ssyncadd.s32 $0xFFFFC000  }
0x117: {  	_ =	swait.ge [sflag:s7], $0x4000  }
0x118: {  	[sflag:s7] =	ssyncset.done $0x0  }
0x119: {  	[sflag:s7] =	ssyncadd.s32 $0xFFFFC000  }
0x11a: {  	[hbm4b:s19+s4] =	stream.linear.scatter [tilespmem:s5], [sflag:$0x3], $0x8000, $0x38;
	[tilespmem:$0x1AA00] =	vst v63  }
0x11b: {  	_ =	swait.ge [sflag:s7], $0x4000  }
0x11c: {  	[sflag:s7] =	ssyncset.done $0x0  }
0x11d: {  	[sflag:s7] =	ssyncadd.s32 $0xFFFFC000  }
0x11e: {  	s29 =	sadd.s32 $0x3000, s18;
	_ =	swait.ge [sflag:s7], $0x4000  }
0x11f: {  	s14 =	simm.s32 $0xC00;
	s15 =	sadd.s32 $0x3000, s19;
	[sflag:s7] =	ssyncset.done $0x0  }
0x120: {  	s16 =	smov.u32 s18;
	s20 =	sadd.s32 $0x3000, s26;
	[sflag:s7] =	ssyncadd.s32 $0xFFFFC000  }
.LBB2_4:
0x121: {  	[hbm4b:s16+s4] =	stream.linear.scatter [tilespmem:s10], [sflag:$0x4], $0x8000, $0x38;
	[tilespmem:$0x1AA00] =	vst v63  }
0x122: {  	s22 =	smov.u32 s14;
	s16 =	smov.u32 s29  }
0x123: {  	p0 =	sne.s32 s14, $0x3000;
	s14 =	sadd.s32 $0xC00, s14;
	_ =	swait.ge [sflag:s8], $0x8000  }
0x124: {  	s22 =	sshra.s32 s22, $0x2;
	[sflag:s8] =	ssyncset.done $0x0  }
0x125: {  	s30 =	sadd.s32 $0x1900, s22;
	[sflag:s8] =	ssyncadd.s32 $0xFFFF8000  }
0x126: {  	[tilespmem:s1], [sflag:$0x1] =	stream.indirect.gather [hbm4b:s3+s31], $0x80, s30, s31, $0xb8;
	[tilespmem:$0x1AA00] =	vst v63  }
0x127: {  	s30 =	sadd.s32 $0x1980, s22  }
0x128: {  	[tilespmem:s0], [sflag:$0x1] =	stream.indirect.gather [hbm4b:s3+s31], $0x80, s30, s31, $0xb8;
	[tilespmem:$0x1AA00] =	vst v63  }
0x129: {  	_ =	swait.ge [sflag:s9], $0x8000  }
0x12a: {  	[sflag:s9] =	ssyncset.done $0x0  }
0x12b: {  	s30 =	sadd.s32 $0x1A00, s22;
	[sflag:s9] =	ssyncadd.s32 $0xFFFF8000  }
0x12c: {  	[tilespmem:s5], [sflag:$0x1] =	stream.indirect.gather [hbm4b:s3+s31], $0x80, s30, s31, $0xb8;
	[tilespmem:$0x1AA00] =	vst v63  }
0x12d: {  	s30 =	sadd.s32 $0x1A80, s22  }
0x12e: {  	[tilespmem:s6], [sflag:$0x1] =	stream.indirect.gather [hbm4b:s3+s31], $0x80, s30, s31, $0xb8;
	[tilespmem:$0x1AA00] =	vst v63  }
0x12f: {  	_ =	swait.ge [sflag:s12], $0x8000  }
0x130: {  	[sflag:s12] =	ssyncset.done $0x0  }
0x131: {  	s30 =	sadd.s32 $0x1B00, s22;
	[sflag:s12] =	ssyncadd.s32 $0xFFFF8000  }
0x132: {  	[tilespmem:s10], [sflag:$0x1] =	stream.indirect.gather [hbm4b:s3+s31], $0x80, s30, s31, $0xb8;
	[tilespmem:$0x1AA00] =	vst v63  }
0x133: {  	s22 =	sadd.s32 $0x1B80, s22  }
0x134: {  	[tilespmem:s11], [sflag:$0x1] =	stream.indirect.gather [hbm4b:s3+s31], $0x80, s22, s31, $0xb8;
	[tilespmem:$0x1AA00] =	vst v63  }
0x135: {  	_ =	swait.ge [sflag:s7], $0x4000  }
0x136: {  	[sflag:s7] =	ssyncset.done $0x0  }
0x137: {  	[sflag:s7] =	ssyncadd.s32 $0xFFFFC000  }
0x138: {  	_ =	swait.ge [sflag:s7], $0x4000  }
0x139: {  	[sflag:s7] =	ssyncset.done $0x0  }
0x13a: {  	[sflag:s7] =	ssyncadd.s32 $0xFFFFC000  }
0x13b: {  	[hbm4b:s20+s4] =	stream.linear.scatter [tilespmem:s1], [sflag:$0x2], $0x8000, $0x38;
	[tilespmem:$0x1AA00] =	vst v63  }
0x13c: {  	_ =	swait.ge [sflag:s7], $0x4000  }
0x13d: {  	[sflag:s7] =	ssyncset.done $0x0  }
0x13e: {  	[sflag:s7] =	ssyncadd.s32 $0xFFFFC000  }
0x13f: {  	_ =	swait.ge [sflag:s7], $0x4000  }
0x140: {  	[sflag:s7] =	ssyncset.done $0x0  }
0x141: {  	[sflag:s7] =	ssyncadd.s32 $0xFFFFC000  }
0x142: {  	[hbm4b:s15+s4] =	stream.linear.scatter [tilespmem:s5], [sflag:$0x3], $0x8000, $0x38;
	[tilespmem:$0x1AA00] =	vst v63  }
0x143: {  	_ =	swait.ge [sflag:s7], $0x4000  }
.Ltmp1:
0x144: {  	[sflag:s7] =	ssyncset.done $0x0;
	(pc) =	sbr.rel @p0 .LBB2_4-.Ltmp1, $4  }
0x145: {  	[sflag:s7] =	ssyncadd.s32 $0xFFFFC000  }
0x146: {  	_ =	swait.ge [sflag:s7], $0x4000  }
0x147: {  	s15 =	sadd.s32 $0x3000, s15;
	[sflag:s7] =	ssyncset.done $0x0  }
0x148: {  	s29 =	sadd.s32 $0x3000, s29;
	s20 =	sadd.s32 $0x3000, s20;
	[sflag:s7] =	ssyncadd.s32 $0xFFFFC000  }
0x149: {  	[hbm4b:s16+s4] =	stream.linear.scatter [tilespmem:s10], [sflag:$0x4], $0x8000, $0x38;
	[tilespmem:$0x1AA00] =	vst v63  }
0x14a: {  	_ =	swait.ge [sflag:s8], $0x8000  }
0x14b: {  	[sflag:s8] =	ssyncset.done $0x0  }
0x14c: {  	s14 =	simm.s32 $0x2800;
	[sflag:s8] =	ssyncadd.s32 $0xFFFF8000  }
0x14d: {  	[tilespmem:s1], [sflag:$0x1] =	stream.indirect.gather [hbm4b:s3+s31], $0x80, s14, s31, $0xb8;
	[tilespmem:$0x1AA00] =	vst v63  }
0x14e: {  	s16 =	simm.s32 $0x2880  }
0x14f: {  	[tilespmem:s0], [sflag:$0x1] =	stream.indirect.gather [hbm4b:s3+s31], $0x80, s16, s31, $0xb8;
	[tilespmem:$0x1AA00] =	vst v63  }
0x150: {  	_ =	swait.ge [sflag:s9], $0x8000  }
0x151: {  	[sflag:s9] =	ssyncset.done $0x0  }
0x152: {  	s20 =	simm.s32 $0x2900;
	[sflag:s9] =	ssyncadd.s32 $0xFFFF8000  }
0x153: {  	[tilespmem:s5], [sflag:$0x1] =	stream.indirect.gather [hbm4b:s3+s31], $0x80, s20, s31, $0xb8;
	[tilespmem:$0x1AA00] =	vst v63  }
0x154: {  	s22 =	simm.s32 $0x2980  }
0x155: {  	[tilespmem:s6], [sflag:$0x1] =	stream.indirect.gather [hbm4b:s3+s31], $0x80, s22, s31, $0xb8;
	[tilespmem:$0x1AA00] =	vst v63  }
0x156: {  	_ =	swait.ge [sflag:s7], $0x4000  }
0x157: {  	[sflag:s7] =	ssyncset.done $0x0  }
0x158: {  	[sflag:s7] =	ssyncadd.s32 $0xFFFFC000  }
0x159: {  	_ =	swait.ge [sflag:s7], $0x4000  }
0x15a: {  	[sflag:s7] =	ssyncset.done $0x0  }
0x15b: {  	s29 =	rddreg [dreg:$0x8];
	[sflag:s7] =	ssyncadd.s32 $0xFFFFC000  }
0x15c: {  	[hbm4b:s29+s4] =	stream.linear.scatter [tilespmem:s1], [sflag:$0x2], $0x8000, $0x38;
	[tilespmem:$0x1AA00] =	vst v63  }
0x15d: {  	_ =	swait.ge [sflag:s7], $0x4000  }
0x15e: {  	[sflag:s7] =	ssyncset.done $0x0  }
0x15f: {  	[sflag:s7] =	ssyncadd.s32 $0xFFFFC000  }
0x160: {  	_ =	swait.ge [sflag:s7], $0x4000  }
0x161: {  	[sflag:s7] =	ssyncset.done $0x0  }
0x162: {  	s30 =	rddreg [dreg:$0x9];
	[sflag:s7] =	ssyncadd.s32 $0xFFFFC000  }
0x163: {  	[hbm4b:s30+s4] =	stream.linear.scatter [tilespmem:s5], [sflag:$0x3], $0x8000, $0x38;
	[tilespmem:$0x1AA00] =	vst v63  }
0x164: {  	_ =	swait.ge [sflag:s8], $0x8000  }
0x165: {  	[sflag:s8] =	ssyncset.done $0x0  }
0x166: {  	s13 =	sadd.s32 $0x1, s13;
	[sflag:s8] =	ssyncadd.s32 $0xFFFF8000  }
0x167: {  	p0 =	sne.s32 s13, s24;
	_ =	swait.ge [sflag:s9], $0x8000  }
.Ltmp2:
0x168: {  	[sflag:s9] =	ssyncset.done $0x0;
	(pc) =	sbr.rel @p0 .LBB2_1-.Ltmp2, $4  }
0x169: {  	[sflag:s9] =	ssyncadd.s32 $0xFFFF8000  }
0x16a: {  	_ =	swait.ge [sflag:s12], $0x8000  }
0x16b: {  	[sflag:s12] =	ssyncset.done $0x0  }
0x16c: {  	[sflag:s12] =	ssyncadd.s32 $0xFFFF8000  }
0x16d: {  	_ =	sfence.sel $0x180000  }
0x16e: {  	[bflag:$0x0] =	sbarrier.arrive $0xFFFF  }
0x16f: {  	_ =	strace $0x90000047  }
0x170: {  	s0 =	stileid.u32;
	[bflag:$0x2] =	sbarrier.arrive $0xFFFF  }
0x171: {  	p0 =	sne.s32 s0, $0x0;
	s0 =	rddreg [dreg:$0x4]  }
0x172: {  	s0 =	sadd.s32 @!p0 $0x100000, s0  }
0x173: {  	[sflag:s0] =	ssyncadd.tile.s32 @!p0 $0x1;
	_ =	shalt  }
.Lfunc_end2:
_tile_overlayer_lowered:
.L_overlay_start_2:
0x174: {  	(tag) =	ssettag $0x2  }
0x175: {  	s0 =	rddreg [dreg:$0x0];
	s2 =	stileid.u32  }
0x176: {  	s1 =	rddreg [dreg:$0x1];
	p0 =	sne.s32 s2, $0x0  }
0x177: {  	s3 =	rddreg [dreg:$0x2];
	[bflag:$0x3] =	sbarrier.arrive $0xFFFF;
	s2 =	simm.s32 @!p0 $0x1C05  }
0x178: {  	[timem:s3], [sflag:s2] =	dma.local @!p0 [hbm:s0], s1  }
0x179: {  	s0 =	simm.s32 @!p0 $0x5  }
0x17a: {  	_ =	swait.ge @!p0 [sflag:s0], s1  }
0x17b: {  	s1 =	ssub.s32 @!p0 $0x0, s1;
	[sflag:s0] =	ssyncset.done @!p0 $0x0  }
0x17c: {  	[sflag:s0] =	ssyncadd.s32 @!p0 s1  }
0x17d: {  	[bflag:$0x3] =	sbarrier.arrive $0xFFFF  }
0x17e: {  	_ =	shalt  }

</sc_bundles>
